<compile_context>
chip_gen: v7x
topology: tpu7x:2x2x1
jax: 0.10.2.dev20260603
libtpu: 0.0.44.dev20260713+nightly
codegen_flags: <defaults>
</compile_context>

<pallas_src>
import functools

import jax
import jax.numpy as jnp
from jax import lax
from jax.experimental import pallas as pl
from jax.experimental.pallas import tpu as pltpu
from jax.experimental.pallas import tpu_sc as plsc

NUM_CORES = 2
NUM_SUBCORES = 16
NUM_WORKERS = NUM_CORES * NUM_SUBCORES

CHUNK = 8
NBUF = 4
LANES = 16


def _pos_embed_body(n_rows, d, x_hbm, pos_hbm, table_hbm, out_hbm,
                    idx_v, buf_v, rows_v, sem_in, sem_out):
    rows_per_w = n_rows // NUM_WORKERS
    n_chunks = rows_per_w // CHUNK
    d_vecs = d // LANES
    wid = lax.axis_index("s") * NUM_CORES + lax.axis_index("c")
    base = wid * rows_per_w

    pltpu.sync_copy(pos_hbm.at[pl.ds(base, rows_per_w)], idx_v)

    def start_loads(g, b):
        row = pl.ds(base + g * CHUNK, CHUNK)
        idx = idx_v.at[pl.ds(g * CHUNK, CHUNK)]
        cp_x = pltpu.async_copy(x_hbm.at[row], buf_v.at[b], sem_in.at[b])
        cp_t = pltpu.async_copy(table_hbm.at[idx], rows_v.at[b], sem_in.at[b])
        return cp_x, cp_t

    PREFETCH = NBUF - 2

    def process(g, b):
        nxt = g + PREFETCH
        target = (b + PREFETCH) % NBUF

        @pl.when(nxt >= NBUF)
        def _():
            pltpu.make_async_copy(
                buf_v.at[target], out_hbm.at[pl.ds(base, CHUNK)],
                sem_out.at[target]).wait()

        @pl.when(nxt < n_chunks)
        def _():
            start_loads(nxt, target)

        row = pl.ds(base + g * CHUNK, CHUNK)
        idx = idx_v.at[pl.ds(g * CHUNK, CHUNK)]
        pltpu.make_async_copy(x_hbm.at[row], buf_v.at[b], sem_in.at[b]).wait()
        pltpu.make_async_copy(table_hbm.at[idx], rows_v.at[b],
                              sem_in.at[b]).wait()

        buf = buf_v.at[b]
        rows = rows_v.at[b]

        @plsc.parallel_loop(0, CHUNK * d_vecs, unroll=8)
        def _(i):
            r = i // d_vecs
            sl = pl.ds((i % d_vecs) * LANES, LANES)
            buf[r, sl] = buf[r, sl] + rows[r, sl]

        pltpu.async_copy(buf_v.at[b], out_hbm.at[row], sem_out.at[b])

    REVS = 2

    def super_step(gg, carry):
        for k in range(REVS):
            for b in range(NBUF):
                process((gg * REVS + k) * NBUF + b, b)
        return carry

    for g in range(PREFETCH):
        start_loads(g, g % NBUF)
    lax.fori_loop(0, n_chunks // (NBUF * REVS), super_step, 0)

    for g in range(n_chunks - PREFETCH, n_chunks):
        b_last = g % NBUF
        pltpu.make_async_copy(
            buf_v.at[b_last], out_hbm.at[pl.ds(base, CHUNK)],
            sem_out.at[b_last]).wait()


def kernel(x, x_pos, table):
    b, s, d = x.shape
    n_rows = b * s
    x2d = x.reshape(n_rows, d)
    pos = x_pos.reshape(n_rows).astype(jnp.int32)

    mesh = plsc.VectorSubcoreMesh(
        core_axis_name="c", subcore_axis_name="s",
        num_cores=NUM_CORES, num_subcores=NUM_SUBCORES)

    rows_per_w = n_rows // NUM_WORKERS
    body = functools.partial(_pos_embed_body, n_rows, d)
    out2d = pl.kernel(
        body,
        out_type=jax.ShapeDtypeStruct((n_rows, d), jnp.float32),
        mesh=mesh,
        scratch_types=[
            pltpu.VMEM((rows_per_w,), jnp.int32),
            pltpu.VMEM((NBUF, CHUNK, d), jnp.float32),
            pltpu.VMEM((NBUF, CHUNK, d), jnp.float32),
            pltpu.SemaphoreType.DMA((NBUF,)),
            pltpu.SemaphoreType.DMA((NBUF,)),
        ],
    )(x2d, pos, table)
    return out2d.reshape(b, s, d)

# --- scband reference (transcript-rebuilt; emitter-appended) ---
"""Pipeline reference for scband-pos-embedding-layer-1-58506044506532 (READ-ONLY COPY).

The authoritative reference and input builder live on the scoring server;
editing this copy changes nothing except your own understanding.
"""

import jax, jax.numpy as jnp
import numpy as np


def setup_inputs(seed: int = 0) -> dict:
    key = jax.random.key(seed)
    k1, k2, k3 = jax.random.split(key, 3)
    x = jax.random.normal(k1, (4, 8192, 1024), dtype=jnp.float32)
    x_pos = jax.random.randint(k2, (4, 8192), 0, 8192, dtype=jnp.int64 if jax.config.jax_enable_x64 else jnp.int32)
    table = jax.random.normal(k3, (8192, 1024), dtype=jnp.float32) * 0.02
    # nn.Embedding with padding_idx=0 initializes that row to zeros
    table = table.at[0].set(0.0)
    return {"x": x, "x_pos": x_pos, "table": table}


def reference(x, x_pos, table):
    # pos = self.embedding(x_pos)
    pos = jnp.take(table, x_pos, axis=0)
    # x = x + pos
    return x + pos

if __name__ == "__main__":
    import jax
    _d = setup_inputs()
    print(jax.jit(kernel)(*tuple(_d.values())))

</pallas_src>

<mosaic_0001>
#map = affine_map<(d0, d1) -> (0, 0)>
#map1 = affine_map<(d0, d1) -> (0)>
module attributes {stable_mosaic.version = 14 : i64} {
  func.func @_pos_embed_body(%arg0: i32, %arg1: i32, %arg2: memref<32768x1024xf32, #tpu.memory_space<hbm>>, %arg3: memref<32768xi32, #tpu.memory_space<hbm>>, %arg4: memref<8192x1024xf32, #tpu.memory_space<hbm>>, %arg5: memref<32768x1024xf32, #tpu.memory_space<hbm>>, %arg6: memref<1024xi32, #tpu.memory_space<vmem>>, %arg7: memref<4x8x1024xf32, #tpu.memory_space<vmem>>, %arg8: memref<4x8x1024xf32, #tpu.memory_space<vmem>>, %arg9: memref<4x!tpu.dma_semaphore, #tpu.memory_space<semaphore_mem>>, %arg10: memref<4x!tpu.dma_semaphore, #tpu.memory_space<semaphore_mem>>) attributes {dimension_semantics = [#tpu.dimension_semantics<core_parallel>, #tpu.dimension_semantics<subcore_parallel>], iteration_bounds = array<i64: 2, 16>, scalar_prefetch = 0 : i64, scratch_operands = 5 : i64, tpu.core_type = #tpu.core_type<sc_vector_subcore>, window_params = [{transform_indices = #map}, {transform_indices = #map1}, {transform_indices = #map}, {transform_indices = #map}]} {
    %mul3A = arith.constant 2 : i32
    %mul3A_0 = arith.muli %arg1, %mul3A : i32
    %add3A = arith.addi %mul3A_0, %arg0 : i32
    %mul3A_1 = arith.constant 1024 : i32
    %mul3A_2 = arith.muli %add3A, %mul3A_1 : i32
    "tpu.region"() ({
      %run_scoped3A = tpu.sem_alloc : memref<!tpu.dma_semaphore, #tpu.memory_space<semaphore_mem>>
      %dma_start3A_100 = tpu.memref_slice %arg3[%mul3A_2] : memref<32768xi32, #tpu.memory_space<hbm>> -> memref<1024xi32, #tpu.memory_space<hbm>>
      %dma_start3A_101 = tpu.memref_slice %arg3[%mul3A_2] : memref<32768xi32, #tpu.memory_space<hbm>> -> memref<1024xi32, #tpu.memory_space<hbm>>
      tpu.enqueue_dma source(%dma_start3A_101 : memref<1024xi32, #tpu.memory_space<hbm>>) target(%arg6 : memref<1024xi32, #tpu.memory_space<vmem>>) target_semaphore(%run_scoped3A : memref<!tpu.dma_semaphore, #tpu.memory_space<semaphore_mem>>)
      %dma_wait3A_102 = tpu.memref_slice %arg3[%mul3A_2] : memref<32768xi32, #tpu.memory_space<hbm>> -> memref<1024xi32, #tpu.memory_space<hbm>>
      %dma_wait3A_103 = tpu.memref_slice %arg3[%mul3A_2] : memref<32768xi32, #tpu.memory_space<hbm>> -> memref<1024xi32, #tpu.memory_space<hbm>>
      tpu.wait_dma2 semaphore(%run_scoped3A : memref<!tpu.dma_semaphore, #tpu.memory_space<semaphore_mem>>) src(%dma_wait3A_103 : memref<1024xi32, #tpu.memory_space<hbm>>) dst(%arg6 : memref<1024xi32, #tpu.memory_space<vmem>>)
      tpu.yield
    }) : () -> ()
    %add3A_3 = arith.constant 0 : i32
    %add3A_4 = arith.addi %mul3A_2, %add3A_3 : i32
    %dma_start3A = arith.constant 0 : i32
    %dma_start3A_5 = arith.constant 0 : i32
    %dma_start3A_6 = arith.constant 0 : i32
    %dma_start3A_7 = arith.constant 0 : i32
    %dma_start3A_8 = tpu.memref_slice %arg7[%dma_start3A, %dma_start3A_6, %dma_start3A_7] : memref<4x8x1024xf32, #tpu.memory_space<vmem>> -> memref<1x8x1024xf32, #tpu.memory_space<vmem>>
    %dma_start3A_9 = tpu.memref_squeeze %dma_start3A_8 : memref<1x8x1024xf32, #tpu.memory_space<vmem>> -> memref<8x1024xf32, #tpu.memory_space<vmem>>
    %dma_start3A_10 = arith.constant 0 : i32
    %dma_start3A_11 = tpu.memref_slice %arg2[%add3A_4, %dma_start3A_10] : memref<32768x1024xf32, #tpu.memory_space<hbm>> -> memref<8x1024xf32, #tpu.memory_space<hbm>>
    %dma_start3A_12 = tpu.memref_slice %arg9[%dma_start3A_5] : memref<4x!tpu.dma_semaphore, #tpu.memory_space<semaphore_mem>> -> memref<1x!tpu.dma_semaphore, #tpu.memory_space<semaphore_mem>>
    %dma_start3A_13 = tpu.memref_squeeze %dma_start3A_12 : memref<1x!tpu.dma_semaphore, #tpu.memory_space<semaphore_mem>> -> memref<!tpu.dma_semaphore, #tpu.memory_space<semaphore_mem>>
    %dma_start3A_14 = arith.constant 0 : i32
    %dma_start3A_15 = arith.constant 0 : i32
    %dma_start3A_16 = tpu.memref_slice %arg7[%dma_start3A, %dma_start3A_14, %dma_start3A_15] : memref<4x8x1024xf32, #tpu.memory_space<vmem>> -> memref<1x8x1024xf32, #tpu.memory_space<vmem>>
    %dma_start3A_17 = tpu.memref_squeeze %dma_start3A_16 : memref<1x8x1024xf32, #tpu.memory_space<vmem>> -> memref<8x1024xf32, #tpu.memory_space<vmem>>
    %dma_start3A_18 = arith.constant 0 : i32
    %dma_start3A_19 = tpu.memref_slice %arg2[%add3A_4, %dma_start3A_18] : memref<32768x1024xf32, #tpu.memory_space<hbm>> -> memref<8x1024xf32, #tpu.memory_space<hbm>>
    tpu.enqueue_dma source(%dma_start3A_19 : memref<8x1024xf32, #tpu.memory_space<hbm>>) target(%dma_start3A_17 : memref<8x1024xf32, #tpu.memory_space<vmem>>) target_semaphore(%dma_start3A_13 : memref<!tpu.dma_semaphore, #tpu.memory_space<semaphore_mem>>)
    %dma_start3A_20 = arith.constant 0 : i32
    %dma_start3A_21 = arith.constant 0 : i32
    %dma_start3A_22 = arith.constant 0 : i32
    %dma_start3A_23 = arith.constant 0 : i32
    %dma_start3A_24 = tpu.memref_slice %arg8[%dma_start3A_20, %dma_start3A_22, %dma_start3A_23] : memref<4x8x1024xf32, #tpu.memory_space<vmem>> -> memref<1x8x1024xf32, #tpu.memory_space<vmem>>
    %dma_start3A_25 = tpu.memref_squeeze %dma_start3A_24 : memref<1x8x1024xf32, #tpu.memory_space<vmem>> -> memref<8x1024xf32, #tpu.memory_space<vmem>>
    %dma_start3A_26 = arith.constant 0 : i32
    %dma_start3A_27 = tpu.memref_slice %arg6[%dma_start3A_26] : memref<1024xi32, #tpu.memory_space<vmem>> -> memref<8xi32, #tpu.memory_space<vmem>>
    %dma_start3A_28 = arith.constant 0 : i32
    %dma_start3A_29 = arith.constant 0 : i32
    %dma_start3A_30 = tpu.memref_slice %arg4[%dma_start3A_28, %dma_start3A_29] : memref<8192x1024xf32, #tpu.memory_space<hbm>> -> memref<8192x1024xf32, #tpu.memory_space<hbm>>
    %dma_start3A_31 = tpu.memref_slice %arg9[%dma_start3A_21] : memref<4x!tpu.dma_semaphore, #tpu.memory_space<semaphore_mem>> -> memref<1x!tpu.dma_semaphore, #tpu.memory_space<semaphore_mem>>
    %dma_start3A_32 = tpu.memref_squeeze %dma_start3A_31 : memref<1x!tpu.dma_semaphore, #tpu.memory_space<semaphore_mem>> -> memref<!tpu.dma_semaphore, #tpu.memory_space<semaphore_mem>>
    tpu.enqueue_indirect_dma source(%dma_start3A_30 : memref<8192x1024xf32, #tpu.memory_space<hbm>>) target(%dma_start3A_25 : memref<8x1024xf32, #tpu.memory_space<vmem>>) offsets(%dma_start3A_27 : memref<8xi32, #tpu.memory_space<vmem>>) semaphore(%dma_start3A_32 : memref<!tpu.dma_semaphore, #tpu.memory_space<semaphore_mem>>)
    %add3A_33 = arith.constant 8 : i32
    %add3A_34 = arith.addi %mul3A_2, %add3A_33 : i32
    %dma_start3A_35 = arith.constant 1 : i32
    %dma_start3A_36 = arith.constant 1 : i32
    %dma_start3A_37 = arith.constant 0 : i32
    %dma_start3A_38 = arith.constant 0 : i32
    %dma_start3A_39 = tpu.memref_slice %arg7[%dma_start3A_35, %dma_start3A_37, %dma_start3A_38] : memref<4x8x1024xf32, #tpu.memory_space<vmem>> -> memref<1x8x1024xf32, #tpu.memory_space<vmem>>
    %dma_start3A_40 = tpu.memref_squeeze %dma_start3A_39 : memref<1x8x1024xf32, #tpu.memory_space<vmem>> -> memref<8x1024xf32, #tpu.memory_space<vmem>>
    %dma_start3A_41 = arith.constant 0 : i32
    %dma_start3A_42 = tpu.memref_slice %arg2[%add3A_34, %dma_start3A_41] : memref<32768x1024xf32, #tpu.memory_space<hbm>> -> memref<8x1024xf32, #tpu.memory_space<hbm>>
    %dma_start3A_43 = tpu.memref_slice %arg9[%dma_start3A_36] : memref<4x!tpu.dma_semaphore, #tpu.memory_space<semaphore_mem>> -> memref<1x!tpu.dma_semaphore, #tpu.memory_space<semaphore_mem>>
    %dma_start3A_44 = tpu.memref_squeeze %dma_start3A_43 : memref<1x!tpu.dma_semaphore, #tpu.memory_space<semaphore_mem>> -> memref<!tpu.dma_semaphore, #tpu.memory_space<semaphore_mem>>
    %dma_start3A_45 = arith.constant 0 : i32
    %dma_start3A_46 = arith.constant 0 : i32
    %dma_start3A_47 = tpu.memref_slice %arg7[%dma_start3A_35, %dma_start3A_45, %dma_start3A_46] : memref<4x8x1024xf32, #tpu.memory_space<vmem>> -> memref<1x8x1024xf32, #tpu.memory_space<vmem>>
    %dma_start3A_48 = tpu.memref_squeeze %dma_start3A_47 : memref<1x8x1024xf32, #tpu.memory_space<vmem>> -> memref<8x1024xf32, #tpu.memory_space<vmem>>
    %dma_start3A_49 = arith.constant 0 : i32
    %dma_start3A_50 = tpu.memref_slice %arg2[%add3A_34, %dma_start3A_49] : memref<32768x1024xf32, #tpu.memory_space<hbm>> -> memref<8x1024xf32, #tpu.memory_space<hbm>>
    tpu.enqueue_dma source(%dma_start3A_50 : memref<8x1024xf32, #tpu.memory_space<hbm>>) target(%dma_start3A_48 : memref<8x1024xf32, #tpu.memory_space<vmem>>) target_semaphore(%dma_start3A_44 : memref<!tpu.dma_semaphore, #tpu.memory_space<semaphore_mem>>)
    %dma_start3A_51 = arith.constant 1 : i32
    %dma_start3A_52 = arith.constant 1 : i32
    %dma_start3A_53 = arith.constant 0 : i32
    %dma_start3A_54 = arith.constant 0 : i32
    %dma_start3A_55 = tpu.memref_slice %arg8[%dma_start3A_51, %dma_start3A_53, %dma_start3A_54] : memref<4x8x1024xf32, #tpu.memory_space<vmem>> -> memref<1x8x1024xf32, #tpu.memory_space<vmem>>
    %dma_start3A_56 = tpu.memref_squeeze %dma_start3A_55 : memref<1x8x1024xf32, #tpu.memory_space<vmem>> -> memref<8x1024xf32, #tpu.memory_space<vmem>>
    %dma_start3A_57 = arith.constant 8 : i32
    %dma_start3A_58 = tpu.memref_slice %arg6[%dma_start3A_57] : memref<1024xi32, #tpu.memory_space<vmem>> -> memref<8xi32, #tpu.memory_space<vmem>>
    %dma_start3A_59 = arith.constant 0 : i32
    %dma_start3A_60 = arith.constant 0 : i32
    %dma_start3A_61 = tpu.memref_slice %arg4[%dma_start3A_59, %dma_start3A_60] : memref<8192x1024xf32, #tpu.memory_space<hbm>> -> memref<8192x1024xf32, #tpu.memory_space<hbm>>
    %dma_start3A_62 = tpu.memref_slice %arg9[%dma_start3A_52] : memref<4x!tpu.dma_semaphore, #tpu.memory_space<semaphore_mem>> -> memref<1x!tpu.dma_semaphore, #tpu.memory_space<semaphore_mem>>
    %dma_start3A_63 = tpu.memref_squeeze %dma_start3A_62 : memref<1x!tpu.dma_semaphore, #tpu.memory_space<semaphore_mem>> -> memref<!tpu.dma_semaphore, #tpu.memory_space<semaphore_mem>>
    tpu.enqueue_indirect_dma source(%dma_start3A_61 : memref<8192x1024xf32, #tpu.memory_space<hbm>>) target(%dma_start3A_56 : memref<8x1024xf32, #tpu.memory_space<vmem>>) offsets(%dma_start3A_58 : memref<8xi32, #tpu.memory_space<vmem>>) semaphore(%dma_start3A_63 : memref<!tpu.dma_semaphore, #tpu.memory_space<semaphore_mem>>)
    %scan3A = arith.constant 0 : i32
    %scan3A_64 = arith.constant 0 : i32
    %scan3A_65 = arith.constant 16 : i32
    %scan3A_66 = arith.addi %scan3A_64, %scan3A_65 : i32
    %scan3A_67 = arith.constant 1 : i32
    scf.for %scan3A_100 = %scan3A_64 to %scan3A_66 step %scan3A_67  : i32 {
      %mul3A_101 = arith.constant 2 : i32
      %mul3A_102 = arith.muli %scan3A_100, %mul3A_101 : i32
      %add3A_103 = arith.constant 0 : i32
      %add3A_104 = arith.addi %mul3A_102, %add3A_103 : i32
      %mul3A_105 = arith.constant 4 : i32
      %mul3A_106 = arith.muli %add3A_104, %mul3A_105 : i32
      %add3A_107 = arith.constant 0 : i32
      %add3A_108 = arith.addi %mul3A_106, %add3A_107 : i32
      %add3A_109 = arith.constant 2 : i32
      %add3A_110 = arith.addi %add3A_108, %add3A_109 : i32
      %ge3A = arith.constant 4 : i32
      %ge3A_111 = arith.cmpi sge, %add3A_110, %ge3A : i32
      %convert_element_type3A = arith.extui %ge3A_111 : i1 to i32
      %cond3A = arith.constant 0 : i32
      %cond3A_112 = arith.cmpi ne, %convert_element_type3A, %cond3A : i32
      scf.if %cond3A_112 {
        %dma_wait3A_688 = arith.constant 2 : i32
        %dma_wait3A_689 = arith.constant 2 : i32
        %dma_wait3A_690 = arith.constant 0 : i32
        %dma_wait3A_691 = arith.constant 0 : i32
        %dma_wait3A_692 = tpu.memref_slice %arg7[%dma_wait3A_688, %dma_wait3A_690, %dma_wait3A_691] : memref<4x8x1024xf32, #tpu.memory_space<vmem>> -> memref<1x8x1024xf32, #tpu.memory_space<vmem>>
        %dma_wait3A_693 = tpu.memref_squeeze %dma_wait3A_692 : memref<1x8x1024xf32, #tpu.memory_space<vmem>> -> memref<8x1024xf32, #tpu.memory_space<vmem>>
        %dma_wait3A_694 = arith.constant 0 : i32
        %dma_wait3A_695 = tpu.memref_slice %arg5[%mul3A_2, %dma_wait3A_694] : memref<32768x1024xf32, #tpu.memory_space<hbm>> -> memref<8x1024xf32, #tpu.memory_space<hbm>>
        %dma_wait3A_696 = tpu.memref_slice %arg10[%dma_wait3A_689] : memref<4x!tpu.dma_semaphore, #tpu.memory_space<semaphore_mem>> -> memref<1x!tpu.dma_semaphore, #tpu.memory_space<semaphore_mem>>
        %dma_wait3A_697 = tpu.memref_squeeze %dma_wait3A_696 : memref<1x!tpu.dma_semaphore, #tpu.memory_space<semaphore_mem>> -> memref<!tpu.dma_semaphore, #tpu.memory_space<semaphore_mem>>
        %dma_wait3A_698 = arith.constant 0 : i32
        %dma_wait3A_699 = tpu.memref_slice %arg5[%mul3A_2, %dma_wait3A_698] : memref<32768x1024xf32, #tpu.memory_space<hbm>> -> memref<8x1024xf32, #tpu.memory_space<hbm>>
        %dma_wait3A_700 = arith.constant 0 : i32
        %dma_wait3A_701 = arith.constant 0 : i32
        %dma_wait3A_702 = tpu.memref_slice %arg7[%dma_wait3A_688, %dma_wait3A_700, %dma_wait3A_701] : memref<4x8x1024xf32, #tpu.memory_space<vmem>> -> memref<1x8x1024xf32, #tpu.memory_space<vmem>>
        %dma_wait3A_703 = tpu.memref_squeeze %dma_wait3A_702 : memref<1x8x1024xf32, #tpu.memory_space<vmem>> -> memref<8x1024xf32, #tpu.memory_space<vmem>>
        tpu.wait_dma2 semaphore(%dma_wait3A_697 : memref<!tpu.dma_semaphore, #tpu.memory_space<semaphore_mem>>) src(%dma_wait3A_703 : memref<8x1024xf32, #tpu.memory_space<vmem>>) dst(%dma_wait3A_699 : memref<8x1024xf32, #tpu.memory_space<hbm>>)
      } else {
      }
      %lt3A = arith.constant 128 : i32
      %lt3A_113 = arith.cmpi slt, %add3A_110, %lt3A : i32
      %convert_element_type3A_114 = arith.extui %lt3A_113 : i1 to i32
      %cond3A_115 = arith.constant 0 : i32
      %cond3A_116 = arith.cmpi ne, %convert_element_type3A_114, %cond3A_115 : i32
      scf.if %cond3A_116 {
        %mul3A_688 = arith.constant 8 : i32
        %mul3A_689 = arith.muli %add3A_110, %mul3A_688 : i32
        %add3A_690 = arith.addi %mul3A_2, %mul3A_689 : i32
        %mul3A_691 = arith.constant 8 : i32
        %mul3A_692 = arith.muli %add3A_110, %mul3A_691 : i32
        %dma_start3A_693 = arith.constant 2 : i32
        %dma_start3A_694 = arith.constant 2 : i32
        %dma_start3A_695 = arith.constant 0 : i32
        %dma_start3A_696 = arith.constant 0 : i32
        %dma_start3A_697 = tpu.memref_slice %arg7[%dma_start3A_693, %dma_start3A_695, %dma_start3A_696] : memref<4x8x1024xf32, #tpu.memory_space<vmem>> -> memref<1x8x1024xf32, #tpu.memory_space<vmem>>
        %dma_start3A_698 = tpu.memref_squeeze %dma_start3A_697 : memref<1x8x1024xf32, #tpu.memory_space<vmem>> -> memref<8x1024xf32, #tpu.memory_space<vmem>>
        %dma_start3A_699 = arith.constant 0 : i32
        %dma_start3A_700 = tpu.memref_slice %arg2[%add3A_690, %dma_start3A_699] : memref<32768x1024xf32, #tpu.memory_space<hbm>> -> memref<8x1024xf32, #tpu.memory_space<hbm>>
        %dma_start3A_701 = tpu.memref_slice %arg9[%dma_start3A_694] : memref<4x!tpu.dma_semaphore, #tpu.memory_space<semaphore_mem>> -> memref<1x!tpu.dma_semaphore, #tpu.memory_space<semaphore_mem>>
        %dma_start3A_702 = tpu.memref_squeeze %dma_start3A_701 : memref<1x!tpu.dma_semaphore, #tpu.memory_space<semaphore_mem>> -> memref<!tpu.dma_semaphore, #tpu.memory_space<semaphore_mem>>
        %dma_start3A_703 = arith.constant 0 : i32
        %dma_start3A_704 = arith.constant 0 : i32
        %dma_start3A_705 = tpu.memref_slice %arg7[%dma_start3A_693, %dma_start3A_703, %dma_start3A_704] : memref<4x8x1024xf32, #tpu.memory_space<vmem>> -> memref<1x8x1024xf32, #tpu.memory_space<vmem>>
        %dma_start3A_706 = tpu.memref_squeeze %dma_start3A_705 : memref<1x8x1024xf32, #tpu.memory_space<vmem>> -> memref<8x1024xf32, #tpu.memory_space<vmem>>
        %dma_start3A_707 = arith.constant 0 : i32
        %dma_start3A_708 = tpu.memref_slice %arg2[%add3A_690, %dma_start3A_707] : memref<32768x1024xf32, #tpu.memory_space<hbm>> -> memref<8x1024xf32, #tpu.memory_space<hbm>>
        tpu.enqueue_dma source(%dma_start3A_708 : memref<8x1024xf32, #tpu.memory_space<hbm>>) target(%dma_start3A_706 : memref<8x1024xf32, #tpu.memory_space<vmem>>) target_semaphore(%dma_start3A_702 : memref<!tpu.dma_semaphore, #tpu.memory_space<semaphore_mem>>)
        %dma_start3A_709 = arith.constant 2 : i32
        %dma_start3A_710 = arith.constant 2 : i32
        %dma_start3A_711 = arith.constant 0 : i32
        %dma_start3A_712 = arith.constant 0 : i32
        %dma_start3A_713 = tpu.memref_slice %arg8[%dma_start3A_709, %dma_start3A_711, %dma_start3A_712] : memref<4x8x1024xf32, #tpu.memory_space<vmem>> -> memref<1x8x1024xf32, #tpu.memory_space<vmem>>
        %dma_start3A_714 = tpu.memref_squeeze %dma_start3A_713 : memref<1x8x1024xf32, #tpu.memory_space<vmem>> -> memref<8x1024xf32, #tpu.memory_space<vmem>>
        %dma_start3A_715 = tpu.memref_slice %arg6[%mul3A_692] : memref<1024xi32, #tpu.memory_space<vmem>> -> memref<8xi32, #tpu.memory_space<vmem>>
        %dma_start3A_716 = arith.constant 0 : i32
        %dma_start3A_717 = arith.constant 0 : i32
        %dma_start3A_718 = tpu.memref_slice %arg4[%dma_start3A_716, %dma_start3A_717] : memref<8192x1024xf32, #tpu.memory_space<hbm>> -> memref<8192x1024xf32, #tpu.memory_space<hbm>>
        %dma_start3A_719 = tpu.memref_slice %arg9[%dma_start3A_710] : memref<4x!tpu.dma_semaphore, #tpu.memory_space<semaphore_mem>> -> memref<1x!tpu.dma_semaphore, #tpu.memory_space<semaphore_mem>>
        %dma_start3A_720 = tpu.memref_squeeze %dma_start3A_719 : memref<1x!tpu.dma_semaphore, #tpu.memory_space<semaphore_mem>> -> memref<!tpu.dma_semaphore, #tpu.memory_space<semaphore_mem>>
        tpu.enqueue_indirect_dma source(%dma_start3A_718 : memref<8192x1024xf32, #tpu.memory_space<hbm>>) target(%dma_start3A_714 : memref<8x1024xf32, #tpu.memory_space<vmem>>) offsets(%dma_start3A_715 : memref<8xi32, #tpu.memory_space<vmem>>) semaphore(%dma_start3A_720 : memref<!tpu.dma_semaphore, #tpu.memory_space<semaphore_mem>>)
      } else {
      }
      %mul3A_117 = arith.constant 8 : i32
      %mul3A_118 = arith.muli %add3A_108, %mul3A_117 : i32
      %add3A_119 = arith.addi %mul3A_2, %mul3A_118 : i32
      %mul3A_120 = arith.constant 8 : i32
      %mul3A_121 = arith.muli %add3A_108, %mul3A_120 : i32
      %dma_wait3A_122 = arith.constant 0 : i32
      %dma_wait3A_123 = arith.constant 0 : i32
      %dma_wait3A_124 = arith.constant 0 : i32
      %dma_wait3A_125 = arith.constant 0 : i32
      %dma_wait3A_126 = tpu.memref_slice %arg7[%dma_wait3A_122, %dma_wait3A_124, %dma_wait3A_125] : memref<4x8x1024xf32, #tpu.memory_space<vmem>> -> memref<1x8x1024xf32, #tpu.memory_space<vmem>>
      %dma_wait3A_127 = tpu.memref_squeeze %dma_wait3A_126 : memref<1x8x1024xf32, #tpu.memory_space<vmem>> -> memref<8x1024xf32, #tpu.memory_space<vmem>>
      %dma_wait3A_128 = arith.constant 0 : i32
      %dma_wait3A_129 = tpu.memref_slice %arg2[%add3A_119, %dma_wait3A_128] : memref<32768x1024xf32, #tpu.memory_space<hbm>> -> memref<8x1024xf32, #tpu.memory_space<hbm>>
      %dma_wait3A_130 = tpu.memref_slice %arg9[%dma_wait3A_123] : memref<4x!tpu.dma_semaphore, #tpu.memory_space<semaphore_mem>> -> memref<1x!tpu.dma_semaphore, #tpu.memory_space<semaphore_mem>>
      %dma_wait3A_131 = tpu.memref_squeeze %dma_wait3A_130 : memref<1x!tpu.dma_semaphore, #tpu.memory_space<semaphore_mem>> -> memref<!tpu.dma_semaphore, #tpu.memory_space<semaphore_mem>>
      %dma_wait3A_132 = arith.constant 0 : i32
      %dma_wait3A_133 = arith.constant 0 : i32
      %dma_wait3A_134 = tpu.memref_slice %arg7[%dma_wait3A_122, %dma_wait3A_132, %dma_wait3A_133] : memref<4x8x1024xf32, #tpu.memory_space<vmem>> -> memref<1x8x1024xf32, #tpu.memory_space<vmem>>
      %dma_wait3A_135 = tpu.memref_squeeze %dma_wait3A_134 : memref<1x8x1024xf32, #tpu.memory_space<vmem>> -> memref<8x1024xf32, #tpu.memory_space<vmem>>
      %dma_wait3A_136 = arith.constant 0 : i32
      %dma_wait3A_137 = tpu.memref_slice %arg2[%add3A_119, %dma_wait3A_136] : memref<32768x1024xf32, #tpu.memory_space<hbm>> -> memref<8x1024xf32, #tpu.memory_space<hbm>>
      tpu.wait_dma2 semaphore(%dma_wait3A_131 : memref<!tpu.dma_semaphore, #tpu.memory_space<semaphore_mem>>) src(%dma_wait3A_137 : memref<8x1024xf32, #tpu.memory_space<hbm>>) dst(%dma_wait3A_135 : memref<8x1024xf32, #tpu.memory_space<vmem>>)
      %dma_wait3A_138 = arith.constant 0 : i32
      %dma_wait3A_139 = arith.constant 0 : i32
      %dma_wait3A_140 = arith.constant 0 : i32
      %dma_wait3A_141 = arith.constant 0 : i32
      %dma_wait3A_142 = tpu.memref_slice %arg8[%dma_wait3A_138, %dma_wait3A_140, %dma_wait3A_141] : memref<4x8x1024xf32, #tpu.memory_space<vmem>> -> memref<1x8x1024xf32, #tpu.memory_space<vmem>>
      %dma_wait3A_143 = tpu.memref_squeeze %dma_wait3A_142 : memref<1x8x1024xf32, #tpu.memory_space<vmem>> -> memref<8x1024xf32, #tpu.memory_space<vmem>>
      %dma_wait3A_144 = tpu.memref_slice %arg6[%mul3A_121] : memref<1024xi32, #tpu.memory_space<vmem>> -> memref<8xi32, #tpu.memory_space<vmem>>
      %dma_wait3A_145 = arith.constant 0 : i32
      %dma_wait3A_146 = arith.constant 0 : i32
      %dma_wait3A_147 = tpu.memref_slice %arg4[%dma_wait3A_145, %dma_wait3A_146] : memref<8192x1024xf32, #tpu.memory_space<hbm>> -> memref<8192x1024xf32, #tpu.memory_space<hbm>>
      %dma_wait3A_148 = tpu.memref_slice %arg9[%dma_wait3A_139] : memref<4x!tpu.dma_semaphore, #tpu.memory_space<semaphore_mem>> -> memref<1x!tpu.dma_semaphore, #tpu.memory_space<semaphore_mem>>
      %dma_wait3A_149 = tpu.memref_squeeze %dma_wait3A_148 : memref<1x!tpu.dma_semaphore, #tpu.memory_space<semaphore_mem>> -> memref<!tpu.dma_semaphore, #tpu.memory_space<semaphore_mem>>
      tpu.wait_indirect_dma semaphore(%dma_wait3A_149 : memref<!tpu.dma_semaphore, #tpu.memory_space<semaphore_mem>>) src(%dma_wait3A_147 : memref<8192x1024xf32, #tpu.memory_space<hbm>>) dst(%dma_wait3A_143 : memref<8x1024xf32, #tpu.memory_space<vmem>>)
      %parallel_loop3A = arith.constant 0 : i32
      %parallel_loop3A_150 = arith.constant 512 : i32
      %parallel_loop3A_151 = arith.constant 1 : i32
      %parallel_loop3A_152 = arith.constant 0 : i32
      %parallel_loop3A_153 = arith.constant 0 : i32
      scf.for %parallel_loop3A_688 = %parallel_loop3A to %parallel_loop3A_150 step %parallel_loop3A_151  : i32 {
        %parallel_loop3A_689 = arith.constant 64 : i32
        %parallel_loop3A_690 = arith.divsi %parallel_loop3A_688, %parallel_loop3A_689 : i32
        %parallel_loop3A_691 = arith.constant 0 : i32
        %parallel_loop3A_692 = arith.cmpi sgt, %parallel_loop3A_688, %parallel_loop3A_691 : i32
        %parallel_loop3A_693 = arith.extui %parallel_loop3A_692 : i1 to i32
        %parallel_loop3A_694 = arith.constant 0 : i32
        %parallel_loop3A_695 = arith.cmpi slt, %parallel_loop3A_688, %parallel_loop3A_694 : i32
        %parallel_loop3A_696 = arith.extui %parallel_loop3A_695 : i1 to i32
        %parallel_loop3A_697 = arith.subi %parallel_loop3A_693, %parallel_loop3A_696 : i32
        %parallel_loop3A_698 = arith.constant 0 : i32
        %parallel_loop3A_699 = arith.cmpi sgt, %parallel_loop3A_689, %parallel_loop3A_698 : i32
        %parallel_loop3A_700 = arith.extui %parallel_loop3A_699 : i1 to i32
        %parallel_loop3A_701 = arith.constant 0 : i32
        %parallel_loop3A_702 = arith.cmpi slt, %parallel_loop3A_689, %parallel_loop3A_701 : i32
        %parallel_loop3A_703 = arith.extui %parallel_loop3A_702 : i1 to i32
        %parallel_loop3A_704 = arith.subi %parallel_loop3A_700, %parallel_loop3A_703 : i32
        %parallel_loop3A_705 = arith.cmpi ne, %parallel_loop3A_697, %parallel_loop3A_704 : i32
        %parallel_loop3A_706 = arith.remsi %parallel_loop3A_688, %parallel_loop3A_689 : i32
        %parallel_loop3A_707 = arith.constant 0 : i32
        %parallel_loop3A_708 = arith.cmpi ne, %parallel_loop3A_706, %parallel_loop3A_707 : i32
        %parallel_loop3A_709 = arith.andi %parallel_loop3A_705, %parallel_loop3A_708 : i1
        %parallel_loop3A_710 = arith.constant 1 : i32
        %parallel_loop3A_711 = arith.subi %parallel_loop3A_690, %parallel_loop3A_710 : i32
        %parallel_loop3A_712 = arith.select %parallel_loop3A_709, %parallel_loop3A_711, %parallel_loop3A_690 : i32
        %parallel_loop3A_713 = arith.constant 64 : i32
        %parallel_loop3A_714 = arith.constant 0 : i32
        %parallel_loop3A_715 = arith.cmpi eq, %parallel_loop3A_713, %parallel_loop3A_714 : i32
        %parallel_loop3A_716 = arith.constant 1 : i32
        %parallel_loop3A_717 = arith.select %parallel_loop3A_715, %parallel_loop3A_716, %parallel_loop3A_713 : i32
        %parallel_loop3A_718 = arith.remsi %parallel_loop3A_688, %parallel_loop3A_717 : i32
        %parallel_loop3A_719 = arith.constant 0 : i32
        %parallel_loop3A_720 = arith.cmpi ne, %parallel_loop3A_718, %parallel_loop3A_719 : i32
        %parallel_loop3A_721 = arith.constant 0 : i32
        %parallel_loop3A_722 = arith.cmpi slt, %parallel_loop3A_718, %parallel_loop3A_721 : i32
        %parallel_loop3A_723 = arith.constant 0 : i32
        %parallel_loop3A_724 = arith.cmpi slt, %parallel_loop3A_717, %parallel_loop3A_723 : i32
        %parallel_loop3A_725 = arith.xori %parallel_loop3A_722, %parallel_loop3A_724 : i1
        %parallel_loop3A_726 = arith.andi %parallel_loop3A_725, %parallel_loop3A_720 : i1
        %parallel_loop3A_727 = arith.addi %parallel_loop3A_718, %parallel_loop3A_717 : i32
        %parallel_loop3A_728 = arith.select %parallel_loop3A_726, %parallel_loop3A_727, %parallel_loop3A_718 : i32
        %parallel_loop3A_729 = arith.constant 16 : i32
        %parallel_loop3A_730 = arith.muli %parallel_loop3A_728, %parallel_loop3A_729 : i32
        %parallel_loop3A_731 = arith.constant 0 : i32
        %parallel_loop3A_732 = arith.constant 0 : i32
        %parallel_loop3A_733 = tpu.memref_slice %arg7[%parallel_loop3A_152, %parallel_loop3A_731, %parallel_loop3A_732] : memref<4x8x1024xf32, #tpu.memory_space<vmem>> -> memref<1x8x1024xf32, #tpu.memory_space<vmem>>
        %parallel_loop3A_734 = tpu.memref_squeeze %parallel_loop3A_733 : memref<1x8x1024xf32, #tpu.memory_space<vmem>> -> memref<8x1024xf32, #tpu.memory_space<vmem>>
        %parallel_loop3A_735 = arith.index_cast %parallel_loop3A_712 : i32 to index
        %parallel_loop3A_736 = arith.index_cast %parallel_loop3A_730 : i32 to index
        %parallel_loop3A_737 = tpu.vector_load %parallel_loop3A_734[%parallel_loop3A_735, %parallel_loop3A_736] {strides = array<i32>} : memref<8x1024xf32, #tpu.memory_space<vmem>>, vector<1x16xf32>,
        %parallel_loop3A_738 = vector.shape_cast %parallel_loop3A_737 : vector<1x16xf32> to vector<16xf32>
        %parallel_loop3A_739 = arith.constant 0 : i32
        %parallel_loop3A_740 = arith.constant 0 : i32
        %parallel_loop3A_741 = tpu.memref_slice %arg8[%parallel_loop3A_153, %parallel_loop3A_739, %parallel_loop3A_740] : memref<4x8x1024xf32, #tpu.memory_space<vmem>> -> memref<1x8x1024xf32, #tpu.memory_space<vmem>>
        %parallel_loop3A_742 = tpu.memref_squeeze %parallel_loop3A_741 : memref<1x8x1024xf32, #tpu.memory_space<vmem>> -> memref<8x1024xf32, #tpu.memory_space<vmem>>
        %parallel_loop3A_743 = arith.index_cast %parallel_loop3A_712 : i32 to index
        %parallel_loop3A_744 = arith.index_cast %parallel_loop3A_730 : i32 to index
        %parallel_loop3A_745 = tpu.vector_load %parallel_loop3A_742[%parallel_loop3A_743, %parallel_loop3A_744] {strides = array<i32>} : memref<8x1024xf32, #tpu.memory_space<vmem>>, vector<1x16xf32>,
        %parallel_loop3A_746 = vector.shape_cast %parallel_loop3A_745 : vector<1x16xf32> to vector<16xf32>
        %parallel_loop3A_747 = arith.addf %parallel_loop3A_738, %parallel_loop3A_746 : vector<16xf32>
        %parallel_loop3A_748 = arith.constant 0 : i32
        %parallel_loop3A_749 = arith.constant 0 : i32
        %parallel_loop3A_750 = tpu.memref_slice %arg7[%parallel_loop3A_152, %parallel_loop3A_748, %parallel_loop3A_749] : memref<4x8x1024xf32, #tpu.memory_space<vmem>> -> memref<1x8x1024xf32, #tpu.memory_space<vmem>>
        %parallel_loop3A_751 = tpu.memref_squeeze %parallel_loop3A_750 : memref<1x8x1024xf32, #tpu.memory_space<vmem>> -> memref<8x1024xf32, #tpu.memory_space<vmem>>
        %parallel_loop3A_752 = arith.index_cast %parallel_loop3A_712 : i32 to index
        %parallel_loop3A_753 = arith.index_cast %parallel_loop3A_730 : i32 to index
        %parallel_loop3A_754 = tpu.vector_load %parallel_loop3A_751[%parallel_loop3A_752, %parallel_loop3A_753] {strides = array<i32>} : memref<8x1024xf32, #tpu.memory_space<vmem>>, vector<1x16xf32>,
        %parallel_loop3A_755 = vector.shape_cast %parallel_loop3A_754 : vector<1x16xf32> to vector<16xf32>
        %parallel_loop3A_756 = vector.shape_cast %parallel_loop3A_747 : vector<16xf32> to vector<1x16xf32>
        tpu.vector_store %parallel_loop3A_751[%parallel_loop3A_752, %parallel_loop3A_753], %parallel_loop3A_756 {strides = array<i32>} : memref<8x1024xf32, #tpu.memory_space<vmem>>, vector<1x16xf32>,
      } {sc.loop_unroll_factor = 8 : i64, sc.parallel_access}
      %dma_start3A_154 = arith.constant 0 : i32
      %dma_start3A_155 = arith.constant 0 : i32
      %dma_start3A_156 = arith.constant 0 : i32
      %dma_start3A_157 = arith.constant 0 : i32
      %dma_start3A_158 = tpu.memref_slice %arg7[%dma_start3A_154, %dma_start3A_156, %dma_start3A_157] : memref<4x8x1024xf32, #tpu.memory_space<vmem>> -> memref<1x8x1024xf32, #tpu.memory_space<vmem>>
      %dma_start3A_159 = tpu.memref_squeeze %dma_start3A_158 : memref<1x8x1024xf32, #tpu.memory_space<vmem>> -> memref<8x1024xf32, #tpu.memory_space<vmem>>
      %dma_start3A_160 = arith.constant 0 : i32
      %dma_start3A_161 = tpu.memref_slice %arg5[%add3A_119, %dma_start3A_160] : memref<32768x1024xf32, #tpu.memory_space<hbm>> -> memref<8x1024xf32, #tpu.memory_space<hbm>>
      %dma_start3A_162 = tpu.memref_slice %arg10[%dma_start3A_155] : memref<4x!tpu.dma_semaphore, #tpu.memory_space<semaphore_mem>> -> memref<1x!tpu.dma_semaphore, #tpu.memory_space<semaphore_mem>>
      %dma_start3A_163 = tpu.memref_squeeze %dma_start3A_162 : memref<1x!tpu.dma_semaphore, #tpu.memory_space<semaphore_mem>> -> memref<!tpu.dma_semaphore, #tpu.memory_space<semaphore_mem>>
      %dma_start3A_164 = arith.constant 0 : i32
      %dma_start3A_165 = tpu.memref_slice %arg5[%add3A_119, %dma_start3A_164] : memref<32768x1024xf32, #tpu.memory_space<hbm>> -> memref<8x1024xf32, #tpu.memory_space<hbm>>
      %dma_start3A_166 = arith.constant 0 : i32
      %dma_start3A_167 = arith.constant 0 : i32
      %dma_start3A_168 = tpu.memref_slice %arg7[%dma_start3A_154, %dma_start3A_166, %dma_start3A_167] : memref<4x8x1024xf32, #tpu.memory_space<vmem>> -> memref<1x8x1024xf32, #tpu.memory_space<vmem>>
      %dma_start3A_169 = tpu.memref_squeeze %dma_start3A_168 : memref<1x8x1024xf32, #tpu.memory_space<vmem>> -> memref<8x1024xf32, #tpu.memory_space<vmem>>
      tpu.enqueue_dma source(%dma_start3A_169 : memref<8x1024xf32, #tpu.memory_space<vmem>>) target(%dma_start3A_165 : memref<8x1024xf32, #tpu.memory_space<hbm>>) target_semaphore(%dma_start3A_163 : memref<!tpu.dma_semaphore, #tpu.memory_space<semaphore_mem>>)
      %mul3A_170 = arith.constant 2 : i32
      %mul3A_171 = arith.muli %scan3A_100, %mul3A_170 : i32
      %add3A_172 = arith.constant 0 : i32
      %add3A_173 = arith.addi %mul3A_171, %add3A_172 : i32
      %mul3A_174 = arith.constant 4 : i32
      %mul3A_175 = arith.muli %add3A_173, %mul3A_174 : i32
      %add3A_176 = arith.constant 1 : i32
      %add3A_177 = arith.addi %mul3A_175, %add3A_176 : i32
      %add3A_178 = arith.constant 2 : i32
      %add3A_179 = arith.addi %add3A_177, %add3A_178 : i32
      %ge3A_180 = arith.constant 4 : i32
      %ge3A_181 = arith.cmpi sge, %add3A_179, %ge3A_180 : i32
      %convert_element_type3A_182 = arith.extui %ge3A_181 : i1 to i32
      %cond3A_183 = arith.constant 0 : i32
      %cond3A_184 = arith.cmpi ne, %convert_element_type3A_182, %cond3A_183 : i32
      scf.if %cond3A_184 {
        %dma_wait3A_688 = arith.constant 3 : i32
        %dma_wait3A_689 = arith.constant 3 : i32
        %dma_wait3A_690 = arith.constant 0 : i32
        %dma_wait3A_691 = arith.constant 0 : i32
        %dma_wait3A_692 = tpu.memref_slice %arg7[%dma_wait3A_688, %dma_wait3A_690, %dma_wait3A_691] : memref<4x8x1024xf32, #tpu.memory_space<vmem>> -> memref<1x8x1024xf32, #tpu.memory_space<vmem>>
        %dma_wait3A_693 = tpu.memref_squeeze %dma_wait3A_692 : memref<1x8x1024xf32, #tpu.memory_space<vmem>> -> memref<8x1024xf32, #tpu.memory_space<vmem>>
        %dma_wait3A_694 = arith.constant 0 : i32
        %dma_wait3A_695 = tpu.memref_slice %arg5[%mul3A_2, %dma_wait3A_694] : memref<32768x1024xf32, #tpu.memory_space<hbm>> -> memref<8x1024xf32, #tpu.memory_space<hbm>>
        %dma_wait3A_696 = tpu.memref_slice %arg10[%dma_wait3A_689] : memref<4x!tpu.dma_semaphore, #tpu.memory_space<semaphore_mem>> -> memref<1x!tpu.dma_semaphore, #tpu.memory_space<semaphore_mem>>
        %dma_wait3A_697 = tpu.memref_squeeze %dma_wait3A_696 : memref<1x!tpu.dma_semaphore, #tpu.memory_space<semaphore_mem>> -> memref<!tpu.dma_semaphore, #tpu.memory_space<semaphore_mem>>
        %dma_wait3A_698 = arith.constant 0 : i32
        %dma_wait3A_699 = tpu.memref_slice %arg5[%mul3A_2, %dma_wait3A_698] : memref<32768x1024xf32, #tpu.memory_space<hbm>> -> memref<8x1024xf32, #tpu.memory_space<hbm>>
        %dma_wait3A_700 = arith.constant 0 : i32
        %dma_wait3A_701 = arith.constant 0 : i32
        %dma_wait3A_702 = tpu.memref_slice %arg7[%dma_wait3A_688, %dma_wait3A_700, %dma_wait3A_701] : memref<4x8x1024xf32, #tpu.memory_space<vmem>> -> memref<1x8x1024xf32, #tpu.memory_space<vmem>>
        %dma_wait3A_703 = tpu.memref_squeeze %dma_wait3A_702 : memref<1x8x1024xf32, #tpu.memory_space<vmem>> -> memref<8x1024xf32, #tpu.memory_space<vmem>>
        tpu.wait_dma2 semaphore(%dma_wait3A_697 : memref<!tpu.dma_semaphore, #tpu.memory_space<semaphore_mem>>) src(%dma_wait3A_703 : memref<8x1024xf32, #tpu.memory_space<vmem>>) dst(%dma_wait3A_699 : memref<8x1024xf32, #tpu.memory_space<hbm>>)
      } else {
      }
      %lt3A_185 = arith.constant 128 : i32
      %lt3A_186 = arith.cmpi slt, %add3A_179, %lt3A_185 : i32
      %convert_element_type3A_187 = arith.extui %lt3A_186 : i1 to i32
      %cond3A_188 = arith.constant 0 : i32
      %cond3A_189 = arith.cmpi ne, %convert_element_type3A_187, %cond3A_188 : i32
      scf.if %cond3A_189 {
        %mul3A_688 = arith.constant 8 : i32
        %mul3A_689 = arith.muli %add3A_179, %mul3A_688 : i32
        %add3A_690 = arith.addi %mul3A_2, %mul3A_689 : i32
        %mul3A_691 = arith.constant 8 : i32
        %mul3A_692 = arith.muli %add3A_179, %mul3A_691 : i32
        %dma_start3A_693 = arith.constant 3 : i32
        %dma_start3A_694 = arith.constant 3 : i32
        %dma_start3A_695 = arith.constant 0 : i32
        %dma_start3A_696 = arith.constant 0 : i32
        %dma_start3A_697 = tpu.memref_slice %arg7[%dma_start3A_693, %dma_start3A_695, %dma_start3A_696] : memref<4x8x1024xf32, #tpu.memory_space<vmem>> -> memref<1x8x1024xf32, #tpu.memory_space<vmem>>
        %dma_start3A_698 = tpu.memref_squeeze %dma_start3A_697 : memref<1x8x1024xf32, #tpu.memory_space<vmem>> -> memref<8x1024xf32, #tpu.memory_space<vmem>>
        %dma_start3A_699 = arith.constant 0 : i32
        %dma_start3A_700 = tpu.memref_slice %arg2[%add3A_690, %dma_start3A_699] : memref<32768x1024xf32, #tpu.memory_space<hbm>> -> memref<8x1024xf32, #tpu.memory_space<hbm>>
        %dma_start3A_701 = tpu.memref_slice %arg9[%dma_start3A_694] : memref<4x!tpu.dma_semaphore, #tpu.memory_space<semaphore_mem>> -> memref<1x!tpu.dma_semaphore, #tpu.memory_space<semaphore_mem>>
        %dma_start3A_702 = tpu.memref_squeeze %dma_start3A_701 : memref<1x!tpu.dma_semaphore, #tpu.memory_space<semaphore_mem>> -> memref<!tpu.dma_semaphore, #tpu.memory_space<semaphore_mem>>
        %dma_start3A_703 = arith.constant 0 : i32
        %dma_start3A_704 = arith.constant 0 : i32
        %dma_start3A_705 = tpu.memref_slice %arg7[%dma_start3A_693, %dma_start3A_703, %dma_start3A_704] : memref<4x8x1024xf32, #tpu.memory_space<vmem>> -> memref<1x8x1024xf32, #tpu.memory_space<vmem>>
        %dma_start3A_706 = tpu.memref_squeeze %dma_start3A_705 : memref<1x8x1024xf32, #tpu.memory_space<vmem>> -> memref<8x1024xf32, #tpu.memory_space<vmem>>
        %dma_start3A_707 = arith.constant 0 : i32
        %dma_start3A_708 = tpu.memref_slice %arg2[%add3A_690, %dma_start3A_707] : memref<32768x1024xf32, #tpu.memory_space<hbm>> -> memref<8x1024xf32, #tpu.memory_space<hbm>>
        tpu.enqueue_dma source(%dma_start3A_708 : memref<8x1024xf32, #tpu.memory_space<hbm>>) target(%dma_start3A_706 : memref<8x1024xf32, #tpu.memory_space<vmem>>) target_semaphore(%dma_start3A_702 : memref<!tpu.dma_semaphore, #tpu.memory_space<semaphore_mem>>)
        %dma_start3A_709 = arith.constant 3 : i32
        %dma_start3A_710 = arith.constant 3 : i32
        %dma_start3A_711 = arith.constant 0 : i32
        %dma_start3A_712 = arith.constant 0 : i32
        %dma_start3A_713 = tpu.memref_slice %arg8[%dma_start3A_709, %dma_start3A_711, %dma_start3A_712] : memref<4x8x1024xf32, #tpu.memory_space<vmem>> -> memref<1x8x1024xf32, #tpu.memory_space<vmem>>
        %dma_start3A_714 = tpu.memref_squeeze %dma_start3A_713 : memref<1x8x1024xf32, #tpu.memory_space<vmem>> -> memref<8x1024xf32, #tpu.memory_space<vmem>>
        %dma_start3A_715 = tpu.memref_slice %arg6[%mul3A_692] : memref<1024xi32, #tpu.memory_space<vmem>> -> memref<8xi32, #tpu.memory_space<vmem>>
        %dma_start3A_716 = arith.constant 0 : i32
        %dma_start3A_717 = arith.constant 0 : i32
        %dma_start3A_718 = tpu.memref_slice %arg4[%dma_start3A_716, %dma_start3A_717] : memref<8192x1024xf32, #tpu.memory_space<hbm>> -> memref<8192x1024xf32, #tpu.memory_space<hbm>>
        %dma_start3A_719 = tpu.memref_slice %arg9[%dma_start3A_710] : memref<4x!tpu.dma_semaphore, #tpu.memory_space<semaphore_mem>> -> memref<1x!tpu.dma_semaphore, #tpu.memory_space<semaphore_mem>>
        %dma_start3A_720 = tpu.memref_squeeze %dma_start3A_719 : memref<1x!tpu.dma_semaphore, #tpu.memory_space<semaphore_mem>> -> memref<!tpu.dma_semaphore, #tpu.memory_space<semaphore_mem>>
        tpu.enqueue_indirect_dma source(%dma_start3A_718 : memref<8192x1024xf32, #tpu.memory_space<hbm>>) target(%dma_start3A_714 : memref<8x1024xf32, #tpu.memory_space<vmem>>) offsets(%dma_start3A_715 : memref<8xi32, #tpu.memory_space<vmem>>) semaphore(%dma_start3A_720 : memref<!tpu.dma_semaphore, #tpu.memory_space<semaphore_mem>>)
      } else {
      }
      %mul3A_190 = arith.constant 8 : i32
      %mul3A_191 = arith.muli %add3A_177, %mul3A_190 : i32
      %add3A_192 = arith.addi %mul3A_2, %mul3A_191 : i32
      %mul3A_193 = arith.constant 8 : i32
      %mul3A_194 = arith.muli %add3A_177, %mul3A_193 : i32
      %dma_wait3A_195 = arith.constant 1 : i32
      %dma_wait3A_196 = arith.constant 1 : i32
      %dma_wait3A_197 = arith.constant 0 : i32
      %dma_wait3A_198 = arith.constant 0 : i32
      %dma_wait3A_199 = tpu.memref_slice %arg7[%dma_wait3A_195, %dma_wait3A_197, %dma_wait3A_198] : memref<4x8x1024xf32, #tpu.memory_space<vmem>> -> memref<1x8x1024xf32, #tpu.memory_space<vmem>>
      %dma_wait3A_200 = tpu.memref_squeeze %dma_wait3A_199 : memref<1x8x1024xf32, #tpu.memory_space<vmem>> -> memref<8x1024xf32, #tpu.memory_space<vmem>>
      %dma_wait3A_201 = arith.constant 0 : i32
      %dma_wait3A_202 = tpu.memref_slice %arg2[%add3A_192, %dma_wait3A_201] : memref<32768x1024xf32, #tpu.memory_space<hbm>> -> memref<8x1024xf32, #tpu.memory_space<hbm>>
      %dma_wait3A_203 = tpu.memref_slice %arg9[%dma_wait3A_196] : memref<4x!tpu.dma_semaphore, #tpu.memory_space<semaphore_mem>> -> memref<1x!tpu.dma_semaphore, #tpu.memory_space<semaphore_mem>>
      %dma_wait3A_204 = tpu.memref_squeeze %dma_wait3A_203 : memref<1x!tpu.dma_semaphore, #tpu.memory_space<semaphore_mem>> -> memref<!tpu.dma_semaphore, #tpu.memory_space<semaphore_mem>>
      %dma_wait3A_205 = arith.constant 0 : i32
      %dma_wait3A_206 = arith.constant 0 : i32
      %dma_wait3A_207 = tpu.memref_slice %arg7[%dma_wait3A_195, %dma_wait3A_205, %dma_wait3A_206] : memref<4x8x1024xf32, #tpu.memory_space<vmem>> -> memref<1x8x1024xf32, #tpu.memory_space<vmem>>
      %dma_wait3A_208 = tpu.memref_squeeze %dma_wait3A_207 : memref<1x8x1024xf32, #tpu.memory_space<vmem>> -> memref<8x1024xf32, #tpu.memory_space<vmem>>
      %dma_wait3A_209 = arith.constant 0 : i32
      %dma_wait3A_210 = tpu.memref_slice %arg2[%add3A_192, %dma_wait3A_209] : memref<32768x1024xf32, #tpu.memory_space<hbm>> -> memref<8x1024xf32, #tpu.memory_space<hbm>>
      tpu.wait_dma2 semaphore(%dma_wait3A_204 : memref<!tpu.dma_semaphore, #tpu.memory_space<semaphore_mem>>) src(%dma_wait3A_210 : memref<8x1024xf32, #tpu.memory_space<hbm>>) dst(%dma_wait3A_208 : memref<8x1024xf32, #tpu.memory_space<vmem>>)
      %dma_wait3A_211 = arith.constant 1 : i32
      %dma_wait3A_212 = arith.constant 1 : i32
      %dma_wait3A_213 = arith.constant 0 : i32
      %dma_wait3A_214 = arith.constant 0 : i32
      %dma_wait3A_215 = tpu.memref_slice %arg8[%dma_wait3A_211, %dma_wait3A_213, %dma_wait3A_214] : memref<4x8x1024xf32, #tpu.memory_space<vmem>> -> memref<1x8x1024xf32, #tpu.memory_space<vmem>>
      %dma_wait3A_216 = tpu.memref_squeeze %dma_wait3A_215 : memref<1x8x1024xf32, #tpu.memory_space<vmem>> -> memref<8x1024xf32, #tpu.memory_space<vmem>>
      %dma_wait3A_217 = tpu.memref_slice %arg6[%mul3A_194] : memref<1024xi32, #tpu.memory_space<vmem>> -> memref<8xi32, #tpu.memory_space<vmem>>
      %dma_wait3A_218 = arith.constant 0 : i32
      %dma_wait3A_219 = arith.constant 0 : i32
      %dma_wait3A_220 = tpu.memref_slice %arg4[%dma_wait3A_218, %dma_wait3A_219] : memref<8192x1024xf32, #tpu.memory_space<hbm>> -> memref<8192x1024xf32, #tpu.memory_space<hbm>>
      %dma_wait3A_221 = tpu.memref_slice %arg9[%dma_wait3A_212] : memref<4x!tpu.dma_semaphore, #tpu.memory_space<semaphore_mem>> -> memref<1x!tpu.dma_semaphore, #tpu.memory_space<semaphore_mem>>
      %dma_wait3A_222 = tpu.memref_squeeze %dma_wait3A_221 : memref<1x!tpu.dma_semaphore, #tpu.memory_space<semaphore_mem>> -> memref<!tpu.dma_semaphore, #tpu.memory_space<semaphore_mem>>
      tpu.wait_indirect_dma semaphore(%dma_wait3A_222 : memref<!tpu.dma_semaphore, #tpu.memory_space<semaphore_mem>>) src(%dma_wait3A_220 : memref<8192x1024xf32, #tpu.memory_space<hbm>>) dst(%dma_wait3A_216 : memref<8x1024xf32, #tpu.memory_space<vmem>>)
      %parallel_loop3A_223 = arith.constant 0 : i32
      %parallel_loop3A_224 = arith.constant 512 : i32
      %parallel_loop3A_225 = arith.constant 1 : i32
      %parallel_loop3A_226 = arith.constant 1 : i32
      %parallel_loop3A_227 = arith.constant 1 : i32
      scf.for %parallel_loop3A_688 = %parallel_loop3A_223 to %parallel_loop3A_224 step %parallel_loop3A_225  : i32 {
        %parallel_loop3A_689 = arith.constant 64 : i32
        %parallel_loop3A_690 = arith.divsi %parallel_loop3A_688, %parallel_loop3A_689 : i32
        %parallel_loop3A_691 = arith.constant 0 : i32
        %parallel_loop3A_692 = arith.cmpi sgt, %parallel_loop3A_688, %parallel_loop3A_691 : i32
        %parallel_loop3A_693 = arith.extui %parallel_loop3A_692 : i1 to i32
        %parallel_loop3A_694 = arith.constant 0 : i32
        %parallel_loop3A_695 = arith.cmpi slt, %parallel_loop3A_688, %parallel_loop3A_694 : i32
        %parallel_loop3A_696 = arith.extui %parallel_loop3A_695 : i1 to i32
        %parallel_loop3A_697 = arith.subi %parallel_loop3A_693, %parallel_loop3A_696 : i32
        %parallel_loop3A_698 = arith.constant 0 : i32
        %parallel_loop3A_699 = arith.cmpi sgt, %parallel_loop3A_689, %parallel_loop3A_698 : i32
        %parallel_loop3A_700 = arith.extui %parallel_loop3A_699 : i1 to i32
        %parallel_loop3A_701 = arith.constant 0 : i32
        %parallel_loop3A_702 = arith.cmpi slt, %parallel_loop3A_689, %parallel_loop3A_701 : i32
        %parallel_loop3A_703 = arith.extui %parallel_loop3A_702 : i1 to i32
        %parallel_loop3A_704 = arith.subi %parallel_loop3A_700, %parallel_loop3A_703 : i32
        %parallel_loop3A_705 = arith.cmpi ne, %parallel_loop3A_697, %parallel_loop3A_704 : i32
        %parallel_loop3A_706 = arith.remsi %parallel_loop3A_688, %parallel_loop3A_689 : i32
        %parallel_loop3A_707 = arith.constant 0 : i32
        %parallel_loop3A_708 = arith.cmpi ne, %parallel_loop3A_706, %parallel_loop3A_707 : i32
        %parallel_loop3A_709 = arith.andi %parallel_loop3A_705, %parallel_loop3A_708 : i1
        %parallel_loop3A_710 = arith.constant 1 : i32
        %parallel_loop3A_711 = arith.subi %parallel_loop3A_690, %parallel_loop3A_710 : i32
        %parallel_loop3A_712 = arith.select %parallel_loop3A_709, %parallel_loop3A_711, %parallel_loop3A_690 : i32
        %parallel_loop3A_713 = arith.constant 64 : i32
        %parallel_loop3A_714 = arith.constant 0 : i32
        %parallel_loop3A_715 = arith.cmpi eq, %parallel_loop3A_713, %parallel_loop3A_714 : i32
        %parallel_loop3A_716 = arith.constant 1 : i32
        %parallel_loop3A_717 = arith.select %parallel_loop3A_715, %parallel_loop3A_716, %parallel_loop3A_713 : i32
        %parallel_loop3A_718 = arith.remsi %parallel_loop3A_688, %parallel_loop3A_717 : i32
        %parallel_loop3A_719 = arith.constant 0 : i32
        %parallel_loop3A_720 = arith.cmpi ne, %parallel_loop3A_718, %parallel_loop3A_719 : i32
        %parallel_loop3A_721 = arith.constant 0 : i32
        %parallel_loop3A_722 = arith.cmpi slt, %parallel_loop3A_718, %parallel_loop3A_721 : i32
        %parallel_loop3A_723 = arith.constant 0 : i32
        %parallel_loop3A_724 = arith.cmpi slt, %parallel_loop3A_717, %parallel_loop3A_723 : i32
        %parallel_loop3A_725 = arith.xori %parallel_loop3A_722, %parallel_loop3A_724 : i1
        %parallel_loop3A_726 = arith.andi %parallel_loop3A_725, %parallel_loop3A_720 : i1
        %parallel_loop3A_727 = arith.addi %parallel_loop3A_718, %parallel_loop3A_717 : i32
        %parallel_loop3A_728 = arith.select %parallel_loop3A_726, %parallel_loop3A_727, %parallel_loop3A_718 : i32
        %parallel_loop3A_729 = arith.constant 16 : i32
        %parallel_loop3A_730 = arith.muli %parallel_loop3A_728, %parallel_loop3A_729 : i32
        %parallel_loop3A_731 = arith.constant 0 : i32
        %parallel_loop3A_732 = arith.constant 0 : i32
        %parallel_loop3A_733 = tpu.memref_slice %arg7[%parallel_loop3A_226, %parallel_loop3A_731, %parallel_loop3A_732] : memref<4x8x1024xf32, #tpu.memory_space<vmem>> -> memref<1x8x1024xf32, #tpu.memory_space<vmem>>
        %parallel_loop3A_734 = tpu.memref_squeeze %parallel_loop3A_733 : memref<1x8x1024xf32, #tpu.memory_space<vmem>> -> memref<8x1024xf32, #tpu.memory_space<vmem>>
        %parallel_loop3A_735 = arith.index_cast %parallel_loop3A_712 : i32 to index
        %parallel_loop3A_736 = arith.index_cast %parallel_loop3A_730 : i32 to index
        %parallel_loop3A_737 = tpu.vector_load %parallel_loop3A_734[%parallel_loop3A_735, %parallel_loop3A_736] {strides = array<i32>} : memref<8x1024xf32, #tpu.memory_space<vmem>>, vector<1x16xf32>,
        %parallel_loop3A_738 = vector.shape_cast %parallel_loop3A_737 : vector<1x16xf32> to vector<16xf32>
        %parallel_loop3A_739 = arith.constant 0 : i32
        %parallel_loop3A_740 = arith.constant 0 : i32
        %parallel_loop3A_741 = tpu.memref_slice %arg8[%parallel_loop3A_227, %parallel_loop3A_739, %parallel_loop3A_740] : memref<4x8x1024xf32, #tpu.memory_space<vmem>> -> memref<1x8x1024xf32, #tpu.memory_space<vmem>>
        %parallel_loop3A_742 = tpu.memref_squeeze %parallel_loop3A_741 : memref<1x8x1024xf32, #tpu.memory_space<vmem>> -> memref<8x1024xf32, #tpu.memory_space<vmem>>
        %parallel_loop3A_743 = arith.index_cast %parallel_loop3A_712 : i32 to index
        %parallel_loop3A_744 = arith.index_cast %parallel_loop3A_730 : i32 to index
        %parallel_loop3A_745 = tpu.vector_load %parallel_loop3A_742[%parallel_loop3A_743, %parallel_loop3A_744] {strides = array<i32>} : memref<8x1024xf32, #tpu.memory_space<vmem>>, vector<1x16xf32>,
        %parallel_loop3A_746 = vector.shape_cast %parallel_loop3A_745 : vector<1x16xf32> to vector<16xf32>
        %parallel_loop3A_747 = arith.addf %parallel_loop3A_738, %parallel_loop3A_746 : vector<16xf32>
        %parallel_loop3A_748 = arith.constant 0 : i32
        %parallel_loop3A_749 = arith.constant 0 : i32
        %parallel_loop3A_750 = tpu.memref_slice %arg7[%parallel_loop3A_226, %parallel_loop3A_748, %parallel_loop3A_749] : memref<4x8x1024xf32, #tpu.memory_space<vmem>> -> memref<1x8x1024xf32, #tpu.memory_space<vmem>>
        %parallel_loop3A_751 = tpu.memref_squeeze %parallel_loop3A_750 : memref<1x8x1024xf32, #tpu.memory_space<vmem>> -> memref<8x1024xf32, #tpu.memory_space<vmem>>
        %parallel_loop3A_752 = arith.index_cast %parallel_loop3A_712 : i32 to index
        %parallel_loop3A_753 = arith.index_cast %parallel_loop3A_730 : i32 to index
        %parallel_loop3A_754 = tpu.vector_load %parallel_loop3A_751[%parallel_loop3A_752, %parallel_loop3A_753] {strides = array<i32>} : memref<8x1024xf32, #tpu.memory_space<vmem>>, vector<1x16xf32>,
        %parallel_loop3A_755 = vector.shape_cast %parallel_loop3A_754 : vector<1x16xf32> to vector<16xf32>
        %parallel_loop3A_756 = vector.shape_cast %parallel_loop3A_747 : vector<16xf32> to vector<1x16xf32>
        tpu.vector_store %parallel_loop3A_751[%parallel_loop3A_752, %parallel_loop3A_753], %parallel_loop3A_756 {strides = array<i32>} : memref<8x1024xf32, #tpu.memory_space<vmem>>, vector<1x16xf32>,
      } {sc.loop_unroll_factor = 8 : i64, sc.parallel_access}
      %dma_start3A_228 = arith.constant 1 : i32
      %dma_start3A_229 = arith.constant 1 : i32
      %dma_start3A_230 = arith.constant 0 : i32
      %dma_start3A_231 = arith.constant 0 : i32
      %dma_start3A_232 = tpu.memref_slice %arg7[%dma_start3A_228, %dma_start3A_230, %dma_start3A_231] : memref<4x8x1024xf32, #tpu.memory_space<vmem>> -> memref<1x8x1024xf32, #tpu.memory_space<vmem>>
      %dma_start3A_233 = tpu.memref_squeeze %dma_start3A_232 : memref<1x8x1024xf32, #tpu.memory_space<vmem>> -> memref<8x1024xf32, #tpu.memory_space<vmem>>
      %dma_start3A_234 = arith.constant 0 : i32
      %dma_start3A_235 = tpu.memref_slice %arg5[%add3A_192, %dma_start3A_234] : memref<32768x1024xf32, #tpu.memory_space<hbm>> -> memref<8x1024xf32, #tpu.memory_space<hbm>>
      %dma_start3A_236 = tpu.memref_slice %arg10[%dma_start3A_229] : memref<4x!tpu.dma_semaphore, #tpu.memory_space<semaphore_mem>> -> memref<1x!tpu.dma_semaphore, #tpu.memory_space<semaphore_mem>>
      %dma_start3A_237 = tpu.memref_squeeze %dma_start3A_236 : memref<1x!tpu.dma_semaphore, #tpu.memory_space<semaphore_mem>> -> memref<!tpu.dma_semaphore, #tpu.memory_space<semaphore_mem>>
      %dma_start3A_238 = arith.constant 0 : i32
      %dma_start3A_239 = tpu.memref_slice %arg5[%add3A_192, %dma_start3A_238] : memref<32768x1024xf32, #tpu.memory_space<hbm>> -> memref<8x1024xf32, #tpu.memory_space<hbm>>
      %dma_start3A_240 = arith.constant 0 : i32
      %dma_start3A_241 = arith.constant 0 : i32
      %dma_start3A_242 = tpu.memref_slice %arg7[%dma_start3A_228, %dma_start3A_240, %dma_start3A_241] : memref<4x8x1024xf32, #tpu.memory_space<vmem>> -> memref<1x8x1024xf32, #tpu.memory_space<vmem>>
      %dma_start3A_243 = tpu.memref_squeeze %dma_start3A_242 : memref<1x8x1024xf32, #tpu.memory_space<vmem>> -> memref<8x1024xf32, #tpu.memory_space<vmem>>
      tpu.enqueue_dma source(%dma_start3A_243 : memref<8x1024xf32, #tpu.memory_space<vmem>>) target(%dma_start3A_239 : memref<8x1024xf32, #tpu.memory_space<hbm>>) target_semaphore(%dma_start3A_237 : memref<!tpu.dma_semaphore, #tpu.memory_space<semaphore_mem>>)
      %mul3A_244 = arith.constant 2 : i32
      %mul3A_245 = arith.muli %scan3A_100, %mul3A_244 : i32
      %add3A_246 = arith.constant 0 : i32
      %add3A_247 = arith.addi %mul3A_245, %add3A_246 : i32
      %mul3A_248 = arith.constant 4 : i32
      %mul3A_249 = arith.muli %add3A_247, %mul3A_248 : i32
      %add3A_250 = arith.constant 2 : i32
      %add3A_251 = arith.addi %mul3A_249, %add3A_250 : i32
      %add3A_252 = arith.constant 2 : i32
      %add3A_253 = arith.addi %add3A_251, %add3A_252 : i32
      %ge3A_254 = arith.constant 4 : i32
      %ge3A_255 = arith.cmpi sge, %add3A_253, %ge3A_254 : i32
      %convert_element_type3A_256 = arith.extui %ge3A_255 : i1 to i32
      %cond3A_257 = arith.constant 0 : i32
      %cond3A_258 = arith.cmpi ne, %convert_element_type3A_256, %cond3A_257 : i32
      scf.if %cond3A_258 {
        %dma_wait3A_688 = arith.constant 0 : i32
        %dma_wait3A_689 = arith.constant 0 : i32
        %dma_wait3A_690 = arith.constant 0 : i32
        %dma_wait3A_691 = arith.constant 0 : i32
        %dma_wait3A_692 = tpu.memref_slice %arg7[%dma_wait3A_688, %dma_wait3A_690, %dma_wait3A_691] : memref<4x8x1024xf32, #tpu.memory_space<vmem>> -> memref<1x8x1024xf32, #tpu.memory_space<vmem>>
        %dma_wait3A_693 = tpu.memref_squeeze %dma_wait3A_692 : memref<1x8x1024xf32, #tpu.memory_space<vmem>> -> memref<8x1024xf32, #tpu.memory_space<vmem>>
        %dma_wait3A_694 = arith.constant 0 : i32
        %dma_wait3A_695 = tpu.memref_slice %arg5[%mul3A_2, %dma_wait3A_694] : memref<32768x1024xf32, #tpu.memory_space<hbm>> -> memref<8x1024xf32, #tpu.memory_space<hbm>>
        %dma_wait3A_696 = tpu.memref_slice %arg10[%dma_wait3A_689] : memref<4x!tpu.dma_semaphore, #tpu.memory_space<semaphore_mem>> -> memref<1x!tpu.dma_semaphore, #tpu.memory_space<semaphore_mem>>
        %dma_wait3A_697 = tpu.memref_squeeze %dma_wait3A_696 : memref<1x!tpu.dma_semaphore, #tpu.memory_space<semaphore_mem>> -> memref<!tpu.dma_semaphore, #tpu.memory_space<semaphore_mem>>
        %dma_wait3A_698 = arith.constant 0 : i32
        %dma_wait3A_699 = tpu.memref_slice %arg5[%mul3A_2, %dma_wait3A_698] : memref<32768x1024xf32, #tpu.memory_space<hbm>> -> memref<8x1024xf32, #tpu.memory_space<hbm>>
        %dma_wait3A_700 = arith.constant 0 : i32
        %dma_wait3A_701 = arith.constant 0 : i32
        %dma_wait3A_702 = tpu.memref_slice %arg7[%dma_wait3A_688, %dma_wait3A_700, %dma_wait3A_701] : memref<4x8x1024xf32, #tpu.memory_space<vmem>> -> memref<1x8x1024xf32, #tpu.memory_space<vmem>>
        %dma_wait3A_703 = tpu.memref_squeeze %dma_wait3A_702 : memref<1x8x1024xf32, #tpu.memory_space<vmem>> -> memref<8x1024xf32, #tpu.memory_space<vmem>>
        tpu.wait_dma2 semaphore(%dma_wait3A_697 : memref<!tpu.dma_semaphore, #tpu.memory_space<semaphore_mem>>) src(%dma_wait3A_703 : memref<8x1024xf32, #tpu.memory_space<vmem>>) dst(%dma_wait3A_699 : memref<8x1024xf32, #tpu.memory_space<hbm>>)
      } else {
      }
      %lt3A_259 = arith.constant 128 : i32
      %lt3A_260 = arith.cmpi slt, %add3A_253, %lt3A_259 : i32
      %convert_element_type3A_261 = arith.extui %lt3A_260 : i1 to i32
      %cond3A_262 = arith.constant 0 : i32
      %cond3A_263 = arith.cmpi ne, %convert_element_type3A_261, %cond3A_262 : i32
      scf.if %cond3A_263 {
        %mul3A_688 = arith.constant 8 : i32
        %mul3A_689 = arith.muli %add3A_253, %mul3A_688 : i32
        %add3A_690 = arith.addi %mul3A_2, %mul3A_689 : i32
        %mul3A_691 = arith.constant 8 : i32
        %mul3A_692 = arith.muli %add3A_253, %mul3A_691 : i32
        %dma_start3A_693 = arith.constant 0 : i32
        %dma_start3A_694 = arith.constant 0 : i32
        %dma_start3A_695 = arith.constant 0 : i32
        %dma_start3A_696 = arith.constant 0 : i32
        %dma_start3A_697 = tpu.memref_slice %arg7[%dma_start3A_693, %dma_start3A_695, %dma_start3A_696] : memref<4x8x1024xf32, #tpu.memory_space<vmem>> -> memref<1x8x1024xf32, #tpu.memory_space<vmem>>
        %dma_start3A_698 = tpu.memref_squeeze %dma_start3A_697 : memref<1x8x1024xf32, #tpu.memory_space<vmem>> -> memref<8x1024xf32, #tpu.memory_space<vmem>>
        %dma_start3A_699 = arith.constant 0 : i32
        %dma_start3A_700 = tpu.memref_slice %arg2[%add3A_690, %dma_start3A_699] : memref<32768x1024xf32, #tpu.memory_space<hbm>> -> memref<8x1024xf32, #tpu.memory_space<hbm>>
        %dma_start3A_701 = tpu.memref_slice %arg9[%dma_start3A_694] : memref<4x!tpu.dma_semaphore, #tpu.memory_space<semaphore_mem>> -> memref<1x!tpu.dma_semaphore, #tpu.memory_space<semaphore_mem>>
        %dma_start3A_702 = tpu.memref_squeeze %dma_start3A_701 : memref<1x!tpu.dma_semaphore, #tpu.memory_space<semaphore_mem>> -> memref<!tpu.dma_semaphore, #tpu.memory_space<semaphore_mem>>
        %dma_start3A_703 = arith.constant 0 : i32
        %dma_start3A_704 = arith.constant 0 : i32
        %dma_start3A_705 = tpu.memref_slice %arg7[%dma_start3A_693, %dma_start3A_703, %dma_start3A_704] : memref<4x8x1024xf32, #tpu.memory_space<vmem>> -> memref<1x8x1024xf32, #tpu.memory_space<vmem>>
        %dma_start3A_706 = tpu.memref_squeeze %dma_start3A_705 : memref<1x8x1024xf32, #tpu.memory_space<vmem>> -> memref<8x1024xf32, #tpu.memory_space<vmem>>
        %dma_start3A_707 = arith.constant 0 : i32
        %dma_start3A_708 = tpu.memref_slice %arg2[%add3A_690, %dma_start3A_707] : memref<32768x1024xf32, #tpu.memory_space<hbm>> -> memref<8x1024xf32, #tpu.memory_space<hbm>>
        tpu.enqueue_dma source(%dma_start3A_708 : memref<8x1024xf32, #tpu.memory_space<hbm>>) target(%dma_start3A_706 : memref<8x1024xf32, #tpu.memory_space<vmem>>) target_semaphore(%dma_start3A_702 : memref<!tpu.dma_semaphore, #tpu.memory_space<semaphore_mem>>)
        %dma_start3A_709 = arith.constant 0 : i32
        %dma_start3A_710 = arith.constant 0 : i32
        %dma_start3A_711 = arith.constant 0 : i32
        %dma_start3A_712 = arith.constant 0 : i32
        %dma_start3A_713 = tpu.memref_slice %arg8[%dma_start3A_709, %dma_start3A_711, %dma_start3A_712] : memref<4x8x1024xf32, #tpu.memory_space<vmem>> -> memref<1x8x1024xf32, #tpu.memory_space<vmem>>
        %dma_start3A_714 = tpu.memref_squeeze %dma_start3A_713 : memref<1x8x1024xf32, #tpu.memory_space<vmem>> -> memref<8x1024xf32, #tpu.memory_space<vmem>>
        %dma_start3A_715 = tpu.memref_slice %arg6[%mul3A_692] : memref<1024xi32, #tpu.memory_space<vmem>> -> memref<8xi32, #tpu.memory_space<vmem>>
        %dma_start3A_716 = arith.constant 0 : i32
        %dma_start3A_717 = arith.constant 0 : i32
        %dma_start3A_718 = tpu.memref_slice %arg4[%dma_start3A_716, %dma_start3A_717] : memref<8192x1024xf32, #tpu.memory_space<hbm>> -> memref<8192x1024xf32, #tpu.memory_space<hbm>>
        %dma_start3A_719 = tpu.memref_slice %arg9[%dma_start3A_710] : memref<4x!tpu.dma_semaphore, #tpu.memory_space<semaphore_mem>> -> memref<1x!tpu.dma_semaphore, #tpu.memory_space<semaphore_mem>>
        %dma_start3A_720 = tpu.memref_squeeze %dma_start3A_719 : memref<1x!tpu.dma_semaphore, #tpu.memory_space<semaphore_mem>> -> memref<!tpu.dma_semaphore, #tpu.memory_space<semaphore_mem>>
        tpu.enqueue_indirect_dma source(%dma_start3A_718 : memref<8192x1024xf32, #tpu.memory_space<hbm>>) target(%dma_start3A_714 : memref<8x1024xf32, #tpu.memory_space<vmem>>) offsets(%dma_start3A_715 : memref<8xi32, #tpu.memory_space<vmem>>) semaphore(%dma_start3A_720 : memref<!tpu.dma_semaphore, #tpu.memory_space<semaphore_mem>>)
      } else {
      }
      %mul3A_264 = arith.constant 8 : i32
      %mul3A_265 = arith.muli %add3A_251, %mul3A_264 : i32
      %add3A_266 = arith.addi %mul3A_2, %mul3A_265 : i32
      %mul3A_267 = arith.constant 8 : i32
      %mul3A_268 = arith.muli %add3A_251, %mul3A_267 : i32
      %dma_wait3A_269 = arith.constant 2 : i32
      %dma_wait3A_270 = arith.constant 2 : i32
      %dma_wait3A_271 = arith.constant 0 : i32
      %dma_wait3A_272 = arith.constant 0 : i32
      %dma_wait3A_273 = tpu.memref_slice %arg7[%dma_wait3A_269, %dma_wait3A_271, %dma_wait3A_272] : memref<4x8x1024xf32, #tpu.memory_space<vmem>> -> memref<1x8x1024xf32, #tpu.memory_space<vmem>>
      %dma_wait3A_274 = tpu.memref_squeeze %dma_wait3A_273 : memref<1x8x1024xf32, #tpu.memory_space<vmem>> -> memref<8x1024xf32, #tpu.memory_space<vmem>>
      %dma_wait3A_275 = arith.constant 0 : i32
      %dma_wait3A_276 = tpu.memref_slice %arg2[%add3A_266, %dma_wait3A_275] : memref<32768x1024xf32, #tpu.memory_space<hbm>> -> memref<8x1024xf32, #tpu.memory_space<hbm>>
      %dma_wait3A_277 = tpu.memref_slice %arg9[%dma_wait3A_270] : memref<4x!tpu.dma_semaphore, #tpu.memory_space<semaphore_mem>> -> memref<1x!tpu.dma_semaphore, #tpu.memory_space<semaphore_mem>>
      %dma_wait3A_278 = tpu.memref_squeeze %dma_wait3A_277 : memref<1x!tpu.dma_semaphore, #tpu.memory_space<semaphore_mem>> -> memref<!tpu.dma_semaphore, #tpu.memory_space<semaphore_mem>>
      %dma_wait3A_279 = arith.constant 0 : i32
      %dma_wait3A_280 = arith.constant 0 : i32
      %dma_wait3A_281 = tpu.memref_slice %arg7[%dma_wait3A_269, %dma_wait3A_279, %dma_wait3A_280] : memref<4x8x1024xf32, #tpu.memory_space<vmem>> -> memref<1x8x1024xf32, #tpu.memory_space<vmem>>
      %dma_wait3A_282 = tpu.memref_squeeze %dma_wait3A_281 : memref<1x8x1024xf32, #tpu.memory_space<vmem>> -> memref<8x1024xf32, #tpu.memory_space<vmem>>
      %dma_wait3A_283 = arith.constant 0 : i32
      %dma_wait3A_284 = tpu.memref_slice %arg2[%add3A_266, %dma_wait3A_283] : memref<32768x1024xf32, #tpu.memory_space<hbm>> -> memref<8x1024xf32, #tpu.memory_space<hbm>>
      tpu.wait_dma2 semaphore(%dma_wait3A_278 : memref<!tpu.dma_semaphore, #tpu.memory_space<semaphore_mem>>) src(%dma_wait3A_284 : memref<8x1024xf32, #tpu.memory_space<hbm>>) dst(%dma_wait3A_282 : memref<8x1024xf32, #tpu.memory_space<vmem>>)
      %dma_wait3A_285 = arith.constant 2 : i32
      %dma_wait3A_286 = arith.constant 2 : i32
      %dma_wait3A_287 = arith.constant 0 : i32
      %dma_wait3A_288 = arith.constant 0 : i32
      %dma_wait3A_289 = tpu.memref_slice %arg8[%dma_wait3A_285, %dma_wait3A_287, %dma_wait3A_288] : memref<4x8x1024xf32, #tpu.memory_space<vmem>> -> memref<1x8x1024xf32, #tpu.memory_space<vmem>>
      %dma_wait3A_290 = tpu.memref_squeeze %dma_wait3A_289 : memref<1x8x1024xf32, #tpu.memory_space<vmem>> -> memref<8x1024xf32, #tpu.memory_space<vmem>>
      %dma_wait3A_291 = tpu.memref_slice %arg6[%mul3A_268] : memref<1024xi32, #tpu.memory_space<vmem>> -> memref<8xi32, #tpu.memory_space<vmem>>
      %dma_wait3A_292 = arith.constant 0 : i32
      %dma_wait3A_293 = arith.constant 0 : i32
      %dma_wait3A_294 = tpu.memref_slice %arg4[%dma_wait3A_292, %dma_wait3A_293] : memref<8192x1024xf32, #tpu.memory_space<hbm>> -> memref<8192x1024xf32, #tpu.memory_space<hbm>>
      %dma_wait3A_295 = tpu.memref_slice %arg9[%dma_wait3A_286] : memref<4x!tpu.dma_semaphore, #tpu.memory_space<semaphore_mem>> -> memref<1x!tpu.dma_semaphore, #tpu.memory_space<semaphore_mem>>
      %dma_wait3A_296 = tpu.memref_squeeze %dma_wait3A_295 : memref<1x!tpu.dma_semaphore, #tpu.memory_space<semaphore_mem>> -> memref<!tpu.dma_semaphore, #tpu.memory_space<semaphore_mem>>
      tpu.wait_indirect_dma semaphore(%dma_wait3A_296 : memref<!tpu.dma_semaphore, #tpu.memory_space<semaphore_mem>>) src(%dma_wait3A_294 : memref<8192x1024xf32, #tpu.memory_space<hbm>>) dst(%dma_wait3A_290 : memref<8x1024xf32, #tpu.memory_space<vmem>>)
      %parallel_loop3A_297 = arith.constant 0 : i32
      %parallel_loop3A_298 = arith.constant 512 : i32
      %parallel_loop3A_299 = arith.constant 1 : i32
      %parallel_loop3A_300 = arith.constant 2 : i32
      %parallel_loop3A_301 = arith.constant 2 : i32
      scf.for %parallel_loop3A_688 = %parallel_loop3A_297 to %parallel_loop3A_298 step %parallel_loop3A_299  : i32 {
        %parallel_loop3A_689 = arith.constant 64 : i32
        %parallel_loop3A_690 = arith.divsi %parallel_loop3A_688, %parallel_loop3A_689 : i32
        %parallel_loop3A_691 = arith.constant 0 : i32
        %parallel_loop3A_692 = arith.cmpi sgt, %parallel_loop3A_688, %parallel_loop3A_691 : i32
        %parallel_loop3A_693 = arith.extui %parallel_loop3A_692 : i1 to i32
        %parallel_loop3A_694 = arith.constant 0 : i32
        %parallel_loop3A_695 = arith.cmpi slt, %parallel_loop3A_688, %parallel_loop3A_694 : i32
        %parallel_loop3A_696 = arith.extui %parallel_loop3A_695 : i1 to i32
        %parallel_loop3A_697 = arith.subi %parallel_loop3A_693, %parallel_loop3A_696 : i32
        %parallel_loop3A_698 = arith.constant 0 : i32
        %parallel_loop3A_699 = arith.cmpi sgt, %parallel_loop3A_689, %parallel_loop3A_698 : i32
        %parallel_loop3A_700 = arith.extui %parallel_loop3A_699 : i1 to i32
        %parallel_loop3A_701 = arith.constant 0 : i32
        %parallel_loop3A_702 = arith.cmpi slt, %parallel_loop3A_689, %parallel_loop3A_701 : i32
        %parallel_loop3A_703 = arith.extui %parallel_loop3A_702 : i1 to i32
        %parallel_loop3A_704 = arith.subi %parallel_loop3A_700, %parallel_loop3A_703 : i32
        %parallel_loop3A_705 = arith.cmpi ne, %parallel_loop3A_697, %parallel_loop3A_704 : i32
        %parallel_loop3A_706 = arith.remsi %parallel_loop3A_688, %parallel_loop3A_689 : i32
        %parallel_loop3A_707 = arith.constant 0 : i32
        %parallel_loop3A_708 = arith.cmpi ne, %parallel_loop3A_706, %parallel_loop3A_707 : i32
        %parallel_loop3A_709 = arith.andi %parallel_loop3A_705, %parallel_loop3A_708 : i1
        %parallel_loop3A_710 = arith.constant 1 : i32
        %parallel_loop3A_711 = arith.subi %parallel_loop3A_690, %parallel_loop3A_710 : i32
        %parallel_loop3A_712 = arith.select %parallel_loop3A_709, %parallel_loop3A_711, %parallel_loop3A_690 : i32
        %parallel_loop3A_713 = arith.constant 64 : i32
        %parallel_loop3A_714 = arith.constant 0 : i32
        %parallel_loop3A_715 = arith.cmpi eq, %parallel_loop3A_713, %parallel_loop3A_714 : i32
        %parallel_loop3A_716 = arith.constant 1 : i32
        %parallel_loop3A_717 = arith.select %parallel_loop3A_715, %parallel_loop3A_716, %parallel_loop3A_713 : i32
        %parallel_loop3A_718 = arith.remsi %parallel_loop3A_688, %parallel_loop3A_717 : i32
        %parallel_loop3A_719 = arith.constant 0 : i32
        %parallel_loop3A_720 = arith.cmpi ne, %parallel_loop3A_718, %parallel_loop3A_719 : i32
        %parallel_loop3A_721 = arith.constant 0 : i32
        %parallel_loop3A_722 = arith.cmpi slt, %parallel_loop3A_718, %parallel_loop3A_721 : i32
        %parallel_loop3A_723 = arith.constant 0 : i32
        %parallel_loop3A_724 = arith.cmpi slt, %parallel_loop3A_717, %parallel_loop3A_723 : i32
        %parallel_loop3A_725 = arith.xori %parallel_loop3A_722, %parallel_loop3A_724 : i1
        %parallel_loop3A_726 = arith.andi %parallel_loop3A_725, %parallel_loop3A_720 : i1
        %parallel_loop3A_727 = arith.addi %parallel_loop3A_718, %parallel_loop3A_717 : i32
        %parallel_loop3A_728 = arith.select %parallel_loop3A_726, %parallel_loop3A_727, %parallel_loop3A_718 : i32
        %parallel_loop3A_729 = arith.constant 16 : i32
        %parallel_loop3A_730 = arith.muli %parallel_loop3A_728, %parallel_loop3A_729 : i32
        %parallel_loop3A_731 = arith.constant 0 : i32
        %parallel_loop3A_732 = arith.constant 0 : i32
        %parallel_loop3A_733 = tpu.memref_slice %arg7[%parallel_loop3A_300, %parallel_loop3A_731, %parallel_loop3A_732] : memref<4x8x1024xf32, #tpu.memory_space<vmem>> -> memref<1x8x1024xf32, #tpu.memory_space<vmem>>
        %parallel_loop3A_734 = tpu.memref_squeeze %parallel_loop3A_733 : memref<1x8x1024xf32, #tpu.memory_space<vmem>> -> memref<8x1024xf32, #tpu.memory_space<vmem>>
        %parallel_loop3A_735 = arith.index_cast %parallel_loop3A_712 : i32 to index
        %parallel_loop3A_736 = arith.index_cast %parallel_loop3A_730 : i32 to index
        %parallel_loop3A_737 = tpu.vector_load %parallel_loop3A_734[%parallel_loop3A_735, %parallel_loop3A_736] {strides = array<i32>} : memref<8x1024xf32, #tpu.memory_space<vmem>>, vector<1x16xf32>,
        %parallel_loop3A_738 = vector.shape_cast %parallel_loop3A_737 : vector<1x16xf32> to vector<16xf32>
        %parallel_loop3A_739 = arith.constant 0 : i32
        %parallel_loop3A_740 = arith.constant 0 : i32
        %parallel_loop3A_741 = tpu.memref_slice %arg8[%parallel_loop3A_301, %parallel_loop3A_739, %parallel_loop3A_740] : memref<4x8x1024xf32, #tpu.memory_space<vmem>> -> memref<1x8x1024xf32, #tpu.memory_space<vmem>>
        %parallel_loop3A_742 = tpu.memref_squeeze %parallel_loop3A_741 : memref<1x8x1024xf32, #tpu.memory_space<vmem>> -> memref<8x1024xf32, #tpu.memory_space<vmem>>
        %parallel_loop3A_743 = arith.index_cast %parallel_loop3A_712 : i32 to index
        %parallel_loop3A_744 = arith.index_cast %parallel_loop3A_730 : i32 to index
        %parallel_loop3A_745 = tpu.vector_load %parallel_loop3A_742[%parallel_loop3A_743, %parallel_loop3A_744] {strides = array<i32>} : memref<8x1024xf32, #tpu.memory_space<vmem>>, vector<1x16xf32>,
        %parallel_loop3A_746 = vector.shape_cast %parallel_loop3A_745 : vector<1x16xf32> to vector<16xf32>
        %parallel_loop3A_747 = arith.addf %parallel_loop3A_738, %parallel_loop3A_746 : vector<16xf32>
        %parallel_loop3A_748 = arith.constant 0 : i32
        %parallel_loop3A_749 = arith.constant 0 : i32
        %parallel_loop3A_750 = tpu.memref_slice %arg7[%parallel_loop3A_300, %parallel_loop3A_748, %parallel_loop3A_749] : memref<4x8x1024xf32, #tpu.memory_space<vmem>> -> memref<1x8x1024xf32, #tpu.memory_space<vmem>>
        %parallel_loop3A_751 = tpu.memref_squeeze %parallel_loop3A_750 : memref<1x8x1024xf32, #tpu.memory_space<vmem>> -> memref<8x1024xf32, #tpu.memory_space<vmem>>
        %parallel_loop3A_752 = arith.index_cast %parallel_loop3A_712 : i32 to index
        %parallel_loop3A_753 = arith.index_cast %parallel_loop3A_730 : i32 to index
        %parallel_loop3A_754 = tpu.vector_load %parallel_loop3A_751[%parallel_loop3A_752, %parallel_loop3A_753] {strides = array<i32>} : memref<8x1024xf32, #tpu.memory_space<vmem>>, vector<1x16xf32>,
        %parallel_loop3A_755 = vector.shape_cast %parallel_loop3A_754 : vector<1x16xf32> to vector<16xf32>
        %parallel_loop3A_756 = vector.shape_cast %parallel_loop3A_747 : vector<16xf32> to vector<1x16xf32>
        tpu.vector_store %parallel_loop3A_751[%parallel_loop3A_752, %parallel_loop3A_753], %parallel_loop3A_756 {strides = array<i32>} : memref<8x1024xf32, #tpu.memory_space<vmem>>, vector<1x16xf32>,
      } {sc.loop_unroll_factor = 8 : i64, sc.parallel_access}
      %dma_start3A_302 = arith.constant 2 : i32
      %dma_start3A_303 = arith.constant 2 : i32
      %dma_start3A_304 = arith.constant 0 : i32
      %dma_start3A_305 = arith.constant 0 : i32
      %dma_start3A_306 = tpu.memref_slice %arg7[%dma_start3A_302, %dma_start3A_304, %dma_start3A_305] : memref<4x8x1024xf32, #tpu.memory_space<vmem>> -> memref<1x8x1024xf32, #tpu.memory_space<vmem>>
      %dma_start3A_307 = tpu.memref_squeeze %dma_start3A_306 : memref<1x8x1024xf32, #tpu.memory_space<vmem>> -> memref<8x1024xf32, #tpu.memory_space<vmem>>
      %dma_start3A_308 = arith.constant 0 : i32
      %dma_start3A_309 = tpu.memref_slice %arg5[%add3A_266, %dma_start3A_308] : memref<32768x1024xf32, #tpu.memory_space<hbm>> -> memref<8x1024xf32, #tpu.memory_space<hbm>>
      %dma_start3A_310 = tpu.memref_slice %arg10[%dma_start3A_303] : memref<4x!tpu.dma_semaphore, #tpu.memory_space<semaphore_mem>> -> memref<1x!tpu.dma_semaphore, #tpu.memory_space<semaphore_mem>>
      %dma_start3A_311 = tpu.memref_squeeze %dma_start3A_310 : memref<1x!tpu.dma_semaphore, #tpu.memory_space<semaphore_mem>> -> memref<!tpu.dma_semaphore, #tpu.memory_space<semaphore_mem>>
      %dma_start3A_312 = arith.constant 0 : i32
      %dma_start3A_313 = tpu.memref_slice %arg5[%add3A_266, %dma_start3A_312] : memref<32768x1024xf32, #tpu.memory_space<hbm>> -> memref<8x1024xf32, #tpu.memory_space<hbm>>
      %dma_start3A_314 = arith.constant 0 : i32
      %dma_start3A_315 = arith.constant 0 : i32
      %dma_start3A_316 = tpu.memref_slice %arg7[%dma_start3A_302, %dma_start3A_314, %dma_start3A_315] : memref<4x8x1024xf32, #tpu.memory_space<vmem>> -> memref<1x8x1024xf32, #tpu.memory_space<vmem>>
      %dma_start3A_317 = tpu.memref_squeeze %dma_start3A_316 : memref<1x8x1024xf32, #tpu.memory_space<vmem>> -> memref<8x1024xf32, #tpu.memory_space<vmem>>
      tpu.enqueue_dma source(%dma_start3A_317 : memref<8x1024xf32, #tpu.memory_space<vmem>>) target(%dma_start3A_313 : memref<8x1024xf32, #tpu.memory_space<hbm>>) target_semaphore(%dma_start3A_311 : memref<!tpu.dma_semaphore, #tpu.memory_space<semaphore_mem>>)
      %mul3A_318 = arith.constant 2 : i32
      %mul3A_319 = arith.muli %scan3A_100, %mul3A_318 : i32
      %add3A_320 = arith.constant 0 : i32
      %add3A_321 = arith.addi %mul3A_319, %add3A_320 : i32
      %mul3A_322 = arith.constant 4 : i32
      %mul3A_323 = arith.muli %add3A_321, %mul3A_322 : i32
      %add3A_324 = arith.constant 3 : i32
      %add3A_325 = arith.addi %mul3A_323, %add3A_324 : i32
      %add3A_326 = arith.constant 2 : i32
      %add3A_327 = arith.addi %add3A_325, %add3A_326 : i32
      %ge3A_328 = arith.constant 4 : i32
      %ge3A_329 = arith.cmpi sge, %add3A_327, %ge3A_328 : i32
      %convert_element_type3A_330 = arith.extui %ge3A_329 : i1 to i32
      %cond3A_331 = arith.constant 0 : i32
      %cond3A_332 = arith.cmpi ne, %convert_element_type3A_330, %cond3A_331 : i32
      scf.if %cond3A_332 {
        %dma_wait3A_688 = arith.constant 1 : i32
        %dma_wait3A_689 = arith.constant 1 : i32
        %dma_wait3A_690 = arith.constant 0 : i32
        %dma_wait3A_691 = arith.constant 0 : i32
        %dma_wait3A_692 = tpu.memref_slice %arg7[%dma_wait3A_688, %dma_wait3A_690, %dma_wait3A_691] : memref<4x8x1024xf32, #tpu.memory_space<vmem>> -> memref<1x8x1024xf32, #tpu.memory_space<vmem>>
        %dma_wait3A_693 = tpu.memref_squeeze %dma_wait3A_692 : memref<1x8x1024xf32, #tpu.memory_space<vmem>> -> memref<8x1024xf32, #tpu.memory_space<vmem>>
        %dma_wait3A_694 = arith.constant 0 : i32
        %dma_wait3A_695 = tpu.memref_slice %arg5[%mul3A_2, %dma_wait3A_694] : memref<32768x1024xf32, #tpu.memory_space<hbm>> -> memref<8x1024xf32, #tpu.memory_space<hbm>>
        %dma_wait3A_696 = tpu.memref_slice %arg10[%dma_wait3A_689] : memref<4x!tpu.dma_semaphore, #tpu.memory_space<semaphore_mem>> -> memref<1x!tpu.dma_semaphore, #tpu.memory_space<semaphore_mem>>
        %dma_wait3A_697 = tpu.memref_squeeze %dma_wait3A_696 : memref<1x!tpu.dma_semaphore, #tpu.memory_space<semaphore_mem>> -> memref<!tpu.dma_semaphore, #tpu.memory_space<semaphore_mem>>
        %dma_wait3A_698 = arith.constant 0 : i32
        %dma_wait3A_699 = tpu.memref_slice %arg5[%mul3A_2, %dma_wait3A_698] : memref<32768x1024xf32, #tpu.memory_space<hbm>> -> memref<8x1024xf32, #tpu.memory_space<hbm>>
        %dma_wait3A_700 = arith.constant 0 : i32
        %dma_wait3A_701 = arith.constant 0 : i32
        %dma_wait3A_702 = tpu.memref_slice %arg7[%dma_wait3A_688, %dma_wait3A_700, %dma_wait3A_701] : memref<4x8x1024xf32, #tpu.memory_space<vmem>> -> memref<1x8x1024xf32, #tpu.memory_space<vmem>>
        %dma_wait3A_703 = tpu.memref_squeeze %dma_wait3A_702 : memref<1x8x1024xf32, #tpu.memory_space<vmem>> -> memref<8x1024xf32, #tpu.memory_space<vmem>>
        tpu.wait_dma2 semaphore(%dma_wait3A_697 : memref<!tpu.dma_semaphore, #tpu.memory_space<semaphore_mem>>) src(%dma_wait3A_703 : memref<8x1024xf32, #tpu.memory_space<vmem>>) dst(%dma_wait3A_699 : memref<8x1024xf32, #tpu.memory_space<hbm>>)
      } else {
      }
      %lt3A_333 = arith.constant 128 : i32
      %lt3A_334 = arith.cmpi slt, %add3A_327, %lt3A_333 : i32
      %convert_element_type3A_335 = arith.extui %lt3A_334 : i1 to i32
      %cond3A_336 = arith.constant 0 : i32
      %cond3A_337 = arith.cmpi ne, %convert_element_type3A_335, %cond3A_336 : i32
      scf.if %cond3A_337 {
        %mul3A_688 = arith.constant 8 : i32
        %mul3A_689 = arith.muli %add3A_327, %mul3A_688 : i32
        %add3A_690 = arith.addi %mul3A_2, %mul3A_689 : i32
        %mul3A_691 = arith.constant 8 : i32
        %mul3A_692 = arith.muli %add3A_327, %mul3A_691 : i32
        %dma_start3A_693 = arith.constant 1 : i32
        %dma_start3A_694 = arith.constant 1 : i32
        %dma_start3A_695 = arith.constant 0 : i32
        %dma_start3A_696 = arith.constant 0 : i32
        %dma_start3A_697 = tpu.memref_slice %arg7[%dma_start3A_693, %dma_start3A_695, %dma_start3A_696] : memref<4x8x1024xf32, #tpu.memory_space<vmem>> -> memref<1x8x1024xf32, #tpu.memory_space<vmem>>
        %dma_start3A_698 = tpu.memref_squeeze %dma_start3A_697 : memref<1x8x1024xf32, #tpu.memory_space<vmem>> -> memref<8x1024xf32, #tpu.memory_space<vmem>>
        %dma_start3A_699 = arith.constant 0 : i32
        %dma_start3A_700 = tpu.memref_slice %arg2[%add3A_690, %dma_start3A_699] : memref<32768x1024xf32, #tpu.memory_space<hbm>> -> memref<8x1024xf32, #tpu.memory_space<hbm>>
        %dma_start3A_701 = tpu.memref_slice %arg9[%dma_start3A_694] : memref<4x!tpu.dma_semaphore, #tpu.memory_space<semaphore_mem>> -> memref<1x!tpu.dma_semaphore, #tpu.memory_space<semaphore_mem>>
        %dma_start3A_702 = tpu.memref_squeeze %dma_start3A_701 : memref<1x!tpu.dma_semaphore, #tpu.memory_space<semaphore_mem>> -> memref<!tpu.dma_semaphore, #tpu.memory_space<semaphore_mem>>
        %dma_start3A_703 = arith.constant 0 : i32
        %dma_start3A_704 = arith.constant 0 : i32
        %dma_start3A_705 = tpu.memref_slice %arg7[%dma_start3A_693, %dma_start3A_703, %dma_start3A_704] : memref<4x8x1024xf32, #tpu.memory_space<vmem>> -> memref<1x8x1024xf32, #tpu.memory_space<vmem>>
        %dma_start3A_706 = tpu.memref_squeeze %dma_start3A_705 : memref<1x8x1024xf32, #tpu.memory_space<vmem>> -> memref<8x1024xf32, #tpu.memory_space<vmem>>
        %dma_start3A_707 = arith.constant 0 : i32
        %dma_start3A_708 = tpu.memref_slice %arg2[%add3A_690, %dma_start3A_707] : memref<32768x1024xf32, #tpu.memory_space<hbm>> -> memref<8x1024xf32, #tpu.memory_space<hbm>>
        tpu.enqueue_dma source(%dma_start3A_708 : memref<8x1024xf32, #tpu.memory_space<hbm>>) target(%dma_start3A_706 : memref<8x1024xf32, #tpu.memory_space<vmem>>) target_semaphore(%dma_start3A_702 : memref<!tpu.dma_semaphore, #tpu.memory_space<semaphore_mem>>)
        %dma_start3A_709 = arith.constant 1 : i32
        %dma_start3A_710 = arith.constant 1 : i32
        %dma_start3A_711 = arith.constant 0 : i32
        %dma_start3A_712 = arith.constant 0 : i32
        %dma_start3A_713 = tpu.memref_slice %arg8[%dma_start3A_709, %dma_start3A_711, %dma_start3A_712] : memref<4x8x1024xf32, #tpu.memory_space<vmem>> -> memref<1x8x1024xf32, #tpu.memory_space<vmem>>
        %dma_start3A_714 = tpu.memref_squeeze %dma_start3A_713 : memref<1x8x1024xf32, #tpu.memory_space<vmem>> -> memref<8x1024xf32, #tpu.memory_space<vmem>>
        %dma_start3A_715 = tpu.memref_slice %arg6[%mul3A_692] : memref<1024xi32, #tpu.memory_space<vmem>> -> memref<8xi32, #tpu.memory_space<vmem>>
        %dma_start3A_716 = arith.constant 0 : i32
        %dma_start3A_717 = arith.constant 0 : i32
        %dma_start3A_718 = tpu.memref_slice %arg4[%dma_start3A_716, %dma_start3A_717] : memref<8192x1024xf32, #tpu.memory_space<hbm>> -> memref<8192x1024xf32, #tpu.memory_space<hbm>>
        %dma_start3A_719 = tpu.memref_slice %arg9[%dma_start3A_710] : memref<4x!tpu.dma_semaphore, #tpu.memory_space<semaphore_mem>> -> memref<1x!tpu.dma_semaphore, #tpu.memory_space<semaphore_mem>>
        %dma_start3A_720 = tpu.memref_squeeze %dma_start3A_719 : memref<1x!tpu.dma_semaphore, #tpu.memory_space<semaphore_mem>> -> memref<!tpu.dma_semaphore, #tpu.memory_space<semaphore_mem>>
        tpu.enqueue_indirect_dma source(%dma_start3A_718 : memref<8192x1024xf32, #tpu.memory_space<hbm>>) target(%dma_start3A_714 : memref<8x1024xf32, #tpu.memory_space<vmem>>) offsets(%dma_start3A_715 : memref<8xi32, #tpu.memory_space<vmem>>) semaphore(%dma_start3A_720 : memref<!tpu.dma_semaphore, #tpu.memory_space<semaphore_mem>>)
      } else {
      }
      %mul3A_338 = arith.constant 8 : i32
      %mul3A_339 = arith.muli %add3A_325, %mul3A_338 : i32
      %add3A_340 = arith.addi %mul3A_2, %mul3A_339 : i32
      %mul3A_341 = arith.constant 8 : i32
      %mul3A_342 = arith.muli %add3A_325, %mul3A_341 : i32
      %dma_wait3A_343 = arith.constant 3 : i32
      %dma_wait3A_344 = arith.constant 3 : i32
      %dma_wait3A_345 = arith.constant 0 : i32
      %dma_wait3A_346 = arith.constant 0 : i32
      %dma_wait3A_347 = tpu.memref_slice %arg7[%dma_wait3A_343, %dma_wait3A_345, %dma_wait3A_346] : memref<4x8x1024xf32, #tpu.memory_space<vmem>> -> memref<1x8x1024xf32, #tpu.memory_space<vmem>>
      %dma_wait3A_348 = tpu.memref_squeeze %dma_wait3A_347 : memref<1x8x1024xf32, #tpu.memory_space<vmem>> -> memref<8x1024xf32, #tpu.memory_space<vmem>>
      %dma_wait3A_349 = arith.constant 0 : i32
      %dma_wait3A_350 = tpu.memref_slice %arg2[%add3A_340, %dma_wait3A_349] : memref<32768x1024xf32, #tpu.memory_space<hbm>> -> memref<8x1024xf32, #tpu.memory_space<hbm>>
      %dma_wait3A_351 = tpu.memref_slice %arg9[%dma_wait3A_344] : memref<4x!tpu.dma_semaphore, #tpu.memory_space<semaphore_mem>> -> memref<1x!tpu.dma_semaphore, #tpu.memory_space<semaphore_mem>>
      %dma_wait3A_352 = tpu.memref_squeeze %dma_wait3A_351 : memref<1x!tpu.dma_semaphore, #tpu.memory_space<semaphore_mem>> -> memref<!tpu.dma_semaphore, #tpu.memory_space<semaphore_mem>>
      %dma_wait3A_353 = arith.constant 0 : i32
      %dma_wait3A_354 = arith.constant 0 : i32
      %dma_wait3A_355 = tpu.memref_slice %arg7[%dma_wait3A_343, %dma_wait3A_353, %dma_wait3A_354] : memref<4x8x1024xf32, #tpu.memory_space<vmem>> -> memref<1x8x1024xf32, #tpu.memory_space<vmem>>
      %dma_wait3A_356 = tpu.memref_squeeze %dma_wait3A_355 : memref<1x8x1024xf32, #tpu.memory_space<vmem>> -> memref<8x1024xf32, #tpu.memory_space<vmem>>
      %dma_wait3A_357 = arith.constant 0 : i32
      %dma_wait3A_358 = tpu.memref_slice %arg2[%add3A_340, %dma_wait3A_357] : memref<32768x1024xf32, #tpu.memory_space<hbm>> -> memref<8x1024xf32, #tpu.memory_space<hbm>>
      tpu.wait_dma2 semaphore(%dma_wait3A_352 : memref<!tpu.dma_semaphore, #tpu.memory_space<semaphore_mem>>) src(%dma_wait3A_358 : memref<8x1024xf32, #tpu.memory_space<hbm>>) dst(%dma_wait3A_356 : memref<8x1024xf32, #tpu.memory_space<vmem>>)
      %dma_wait3A_359 = arith.constant 3 : i32
      %dma_wait3A_360 = arith.constant 3 : i32
      %dma_wait3A_361 = arith.constant 0 : i32
      %dma_wait3A_362 = arith.constant 0 : i32
      %dma_wait3A_363 = tpu.memref_slice %arg8[%dma_wait3A_359, %dma_wait3A_361, %dma_wait3A_362] : memref<4x8x1024xf32, #tpu.memory_space<vmem>> -> memref<1x8x1024xf32, #tpu.memory_space<vmem>>
      %dma_wait3A_364 = tpu.memref_squeeze %dma_wait3A_363 : memref<1x8x1024xf32, #tpu.memory_space<vmem>> -> memref<8x1024xf32, #tpu.memory_space<vmem>>
      %dma_wait3A_365 = tpu.memref_slice %arg6[%mul3A_342] : memref<1024xi32, #tpu.memory_space<vmem>> -> memref<8xi32, #tpu.memory_space<vmem>>
      %dma_wait3A_366 = arith.constant 0 : i32
      %dma_wait3A_367 = arith.constant 0 : i32
      %dma_wait3A_368 = tpu.memref_slice %arg4[%dma_wait3A_366, %dma_wait3A_367] : memref<8192x1024xf32, #tpu.memory_space<hbm>> -> memref<8192x1024xf32, #tpu.memory_space<hbm>>
      %dma_wait3A_369 = tpu.memref_slice %arg9[%dma_wait3A_360] : memref<4x!tpu.dma_semaphore, #tpu.memory_space<semaphore_mem>> -> memref<1x!tpu.dma_semaphore, #tpu.memory_space<semaphore_mem>>
      %dma_wait3A_370 = tpu.memref_squeeze %dma_wait3A_369 : memref<1x!tpu.dma_semaphore, #tpu.memory_space<semaphore_mem>> -> memref<!tpu.dma_semaphore, #tpu.memory_space<semaphore_mem>>
      tpu.wait_indirect_dma semaphore(%dma_wait3A_370 : memref<!tpu.dma_semaphore, #tpu.memory_space<semaphore_mem>>) src(%dma_wait3A_368 : memref<8192x1024xf32, #tpu.memory_space<hbm>>) dst(%dma_wait3A_364 : memref<8x1024xf32, #tpu.memory_space<vmem>>)
      %parallel_loop3A_371 = arith.constant 0 : i32
      %parallel_loop3A_372 = arith.constant 512 : i32
      %parallel_loop3A_373 = arith.constant 1 : i32
      %parallel_loop3A_374 = arith.constant 3 : i32
      %parallel_loop3A_375 = arith.constant 3 : i32
      scf.for %parallel_loop3A_688 = %parallel_loop3A_371 to %parallel_loop3A_372 step %parallel_loop3A_373  : i32 {
        %parallel_loop3A_689 = arith.constant 64 : i32
        %parallel_loop3A_690 = arith.divsi %parallel_loop3A_688, %parallel_loop3A_689 : i32
        %parallel_loop3A_691 = arith.constant 0 : i32
        %parallel_loop3A_692 = arith.cmpi sgt, %parallel_loop3A_688, %parallel_loop3A_691 : i32
        %parallel_loop3A_693 = arith.extui %parallel_loop3A_692 : i1 to i32
        %parallel_loop3A_694 = arith.constant 0 : i32
        %parallel_loop3A_695 = arith.cmpi slt, %parallel_loop3A_688, %parallel_loop3A_694 : i32
        %parallel_loop3A_696 = arith.extui %parallel_loop3A_695 : i1 to i32
        %parallel_loop3A_697 = arith.subi %parallel_loop3A_693, %parallel_loop3A_696 : i32
        %parallel_loop3A_698 = arith.constant 0 : i32
        %parallel_loop3A_699 = arith.cmpi sgt, %parallel_loop3A_689, %parallel_loop3A_698 : i32
        %parallel_loop3A_700 = arith.extui %parallel_loop3A_699 : i1 to i32
        %parallel_loop3A_701 = arith.constant 0 : i32
        %parallel_loop3A_702 = arith.cmpi slt, %parallel_loop3A_689, %parallel_loop3A_701 : i32
        %parallel_loop3A_703 = arith.extui %parallel_loop3A_702 : i1 to i32
        %parallel_loop3A_704 = arith.subi %parallel_loop3A_700, %parallel_loop3A_703 : i32
        %parallel_loop3A_705 = arith.cmpi ne, %parallel_loop3A_697, %parallel_loop3A_704 : i32
        %parallel_loop3A_706 = arith.remsi %parallel_loop3A_688, %parallel_loop3A_689 : i32
        %parallel_loop3A_707 = arith.constant 0 : i32
        %parallel_loop3A_708 = arith.cmpi ne, %parallel_loop3A_706, %parallel_loop3A_707 : i32
        %parallel_loop3A_709 = arith.andi %parallel_loop3A_705, %parallel_loop3A_708 : i1
        %parallel_loop3A_710 = arith.constant 1 : i32
        %parallel_loop3A_711 = arith.subi %parallel_loop3A_690, %parallel_loop3A_710 : i32
        %parallel_loop3A_712 = arith.select %parallel_loop3A_709, %parallel_loop3A_711, %parallel_loop3A_690 : i32
        %parallel_loop3A_713 = arith.constant 64 : i32
        %parallel_loop3A_714 = arith.constant 0 : i32
        %parallel_loop3A_715 = arith.cmpi eq, %parallel_loop3A_713, %parallel_loop3A_714 : i32
        %parallel_loop3A_716 = arith.constant 1 : i32
        %parallel_loop3A_717 = arith.select %parallel_loop3A_715, %parallel_loop3A_716, %parallel_loop3A_713 : i32
        %parallel_loop3A_718 = arith.remsi %parallel_loop3A_688, %parallel_loop3A_717 : i32
        %parallel_loop3A_719 = arith.constant 0 : i32
        %parallel_loop3A_720 = arith.cmpi ne, %parallel_loop3A_718, %parallel_loop3A_719 : i32
        %parallel_loop3A_721 = arith.constant 0 : i32
        %parallel_loop3A_722 = arith.cmpi slt, %parallel_loop3A_718, %parallel_loop3A_721 : i32
        %parallel_loop3A_723 = arith.constant 0 : i32
        %parallel_loop3A_724 = arith.cmpi slt, %parallel_loop3A_717, %parallel_loop3A_723 : i32
        %parallel_loop3A_725 = arith.xori %parallel_loop3A_722, %parallel_loop3A_724 : i1
        %parallel_loop3A_726 = arith.andi %parallel_loop3A_725, %parallel_loop3A_720 : i1
        %parallel_loop3A_727 = arith.addi %parallel_loop3A_718, %parallel_loop3A_717 : i32
        %parallel_loop3A_728 = arith.select %parallel_loop3A_726, %parallel_loop3A_727, %parallel_loop3A_718 : i32
        %parallel_loop3A_729 = arith.constant 16 : i32
        %parallel_loop3A_730 = arith.muli %parallel_loop3A_728, %parallel_loop3A_729 : i32
        %parallel_loop3A_731 = arith.constant 0 : i32
        %parallel_loop3A_732 = arith.constant 0 : i32
        %parallel_loop3A_733 = tpu.memref_slice %arg7[%parallel_loop3A_374, %parallel_loop3A_731, %parallel_loop3A_732] : memref<4x8x1024xf32, #tpu.memory_space<vmem>> -> memref<1x8x1024xf32, #tpu.memory_space<vmem>>
        %parallel_loop3A_734 = tpu.memref_squeeze %parallel_loop3A_733 : memref<1x8x1024xf32, #tpu.memory_space<vmem>> -> memref<8x1024xf32, #tpu.memory_space<vmem>>
        %parallel_loop3A_735 = arith.index_cast %parallel_loop3A_712 : i32 to index
        %parallel_loop3A_736 = arith.index_cast %parallel_loop3A_730 : i32 to index
        %parallel_loop3A_737 = tpu.vector_load %parallel_loop3A_734[%parallel_loop3A_735, %parallel_loop3A_736] {strides = array<i32>} : memref<8x1024xf32, #tpu.memory_space<vmem>>, vector<1x16xf32>,
        %parallel_loop3A_738 = vector.shape_cast %parallel_loop3A_737 : vector<1x16xf32> to vector<16xf32>
        %parallel_loop3A_739 = arith.constant 0 : i32
        %parallel_loop3A_740 = arith.constant 0 : i32
        %parallel_loop3A_741 = tpu.memref_slice %arg8[%parallel_loop3A_375, %parallel_loop3A_739, %parallel_loop3A_740] : memref<4x8x1024xf32, #tpu.memory_space<vmem>> -> memref<1x8x1024xf32, #tpu.memory_space<vmem>>
        %parallel_loop3A_742 = tpu.memref_squeeze %parallel_loop3A_741 : memref<1x8x1024xf32, #tpu.memory_space<vmem>> -> memref<8x1024xf32, #tpu.memory_space<vmem>>
        %parallel_loop3A_743 = arith.index_cast %parallel_loop3A_712 : i32 to index
        %parallel_loop3A_744 = arith.index_cast %parallel_loop3A_730 : i32 to index
        %parallel_loop3A_745 = tpu.vector_load %parallel_loop3A_742[%parallel_loop3A_743, %parallel_loop3A_744] {strides = array<i32>} : memref<8x1024xf32, #tpu.memory_space<vmem>>, vector<1x16xf32>,
        %parallel_loop3A_746 = vector.shape_cast %parallel_loop3A_745 : vector<1x16xf32> to vector<16xf32>
        %parallel_loop3A_747 = arith.addf %parallel_loop3A_738, %parallel_loop3A_746 : vector<16xf32>
        %parallel_loop3A_748 = arith.constant 0 : i32
        %parallel_loop3A_749 = arith.constant 0 : i32
        %parallel_loop3A_750 = tpu.memref_slice %arg7[%parallel_loop3A_374, %parallel_loop3A_748, %parallel_loop3A_749] : memref<4x8x1024xf32, #tpu.memory_space<vmem>> -> memref<1x8x1024xf32, #tpu.memory_space<vmem>>
        %parallel_loop3A_751 = tpu.memref_squeeze %parallel_loop3A_750 : memref<1x8x1024xf32, #tpu.memory_space<vmem>> -> memref<8x1024xf32, #tpu.memory_space<vmem>>
        %parallel_loop3A_752 = arith.index_cast %parallel_loop3A_712 : i32 to index
        %parallel_loop3A_753 = arith.index_cast %parallel_loop3A_730 : i32 to index
        %parallel_loop3A_754 = tpu.vector_load %parallel_loop3A_751[%parallel_loop3A_752, %parallel_loop3A_753] {strides = array<i32>} : memref<8x1024xf32, #tpu.memory_space<vmem>>, vector<1x16xf32>,
        %parallel_loop3A_755 = vector.shape_cast %parallel_loop3A_754 : vector<1x16xf32> to vector<16xf32>
        %parallel_loop3A_756 = vector.shape_cast %parallel_loop3A_747 : vector<16xf32> to vector<1x16xf32>
        tpu.vector_store %parallel_loop3A_751[%parallel_loop3A_752, %parallel_loop3A_753], %parallel_loop3A_756 {strides = array<i32>} : memref<8x1024xf32, #tpu.memory_space<vmem>>, vector<1x16xf32>,
      } {sc.loop_unroll_factor = 8 : i64, sc.parallel_access}
      %dma_start3A_376 = arith.constant 3 : i32
      %dma_start3A_377 = arith.constant 3 : i32
      %dma_start3A_378 = arith.constant 0 : i32
      %dma_start3A_379 = arith.constant 0 : i32
      %dma_start3A_380 = tpu.memref_slice %arg7[%dma_start3A_376, %dma_start3A_378, %dma_start3A_379] : memref<4x8x1024xf32, #tpu.memory_space<vmem>> -> memref<1x8x1024xf32, #tpu.memory_space<vmem>>
      %dma_start3A_381 = tpu.memref_squeeze %dma_start3A_380 : memref<1x8x1024xf32, #tpu.memory_space<vmem>> -> memref<8x1024xf32, #tpu.memory_space<vmem>>
      %dma_start3A_382 = arith.constant 0 : i32
      %dma_start3A_383 = tpu.memref_slice %arg5[%add3A_340, %dma_start3A_382] : memref<32768x1024xf32, #tpu.memory_space<hbm>> -> memref<8x1024xf32, #tpu.memory_space<hbm>>
      %dma_start3A_384 = tpu.memref_slice %arg10[%dma_start3A_377] : memref<4x!tpu.dma_semaphore, #tpu.memory_space<semaphore_mem>> -> memref<1x!tpu.dma_semaphore, #tpu.memory_space<semaphore_mem>>
      %dma_start3A_385 = tpu.memref_squeeze %dma_start3A_384 : memref<1x!tpu.dma_semaphore, #tpu.memory_space<semaphore_mem>> -> memref<!tpu.dma_semaphore, #tpu.memory_space<semaphore_mem>>
      %dma_start3A_386 = arith.constant 0 : i32
      %dma_start3A_387 = tpu.memref_slice %arg5[%add3A_340, %dma_start3A_386] : memref<32768x1024xf32, #tpu.memory_space<hbm>> -> memref<8x1024xf32, #tpu.memory_space<hbm>>
      %dma_start3A_388 = arith.constant 0 : i32
      %dma_start3A_389 = arith.constant 0 : i32
      %dma_start3A_390 = tpu.memref_slice %arg7[%dma_start3A_376, %dma_start3A_388, %dma_start3A_389] : memref<4x8x1024xf32, #tpu.memory_space<vmem>> -> memref<1x8x1024xf32, #tpu.memory_space<vmem>>
      %dma_start3A_391 = tpu.memref_squeeze %dma_start3A_390 : memref<1x8x1024xf32, #tpu.memory_space<vmem>> -> memref<8x1024xf32, #tpu.memory_space<vmem>>
      tpu.enqueue_dma source(%dma_start3A_391 : memref<8x1024xf32, #tpu.memory_space<vmem>>) target(%dma_start3A_387 : memref<8x1024xf32, #tpu.memory_space<hbm>>) target_semaphore(%dma_start3A_385 : memref<!tpu.dma_semaphore, #tpu.memory_space<semaphore_mem>>)
      %mul3A_392 = arith.constant 2 : i32
      %mul3A_393 = arith.muli %scan3A_100, %mul3A_392 : i32
      %add3A_394 = arith.constant 1 : i32
      %add3A_395 = arith.addi %mul3A_393, %add3A_394 : i32
      %mul3A_396 = arith.constant 4 : i32
      %mul3A_397 = arith.muli %add3A_395, %mul3A_396 : i32
      %add3A_398 = arith.constant 0 : i32
      %add3A_399 = arith.addi %mul3A_397, %add3A_398 : i32
      %add3A_400 = arith.constant 2 : i32
      %add3A_401 = arith.addi %add3A_399, %add3A_400 : i32
      %ge3A_402 = arith.constant 4 : i32
      %ge3A_403 = arith.cmpi sge, %add3A_401, %ge3A_402 : i32
      %convert_element_type3A_404 = arith.extui %ge3A_403 : i1 to i32
      %cond3A_405 = arith.constant 0 : i32
      %cond3A_406 = arith.cmpi ne, %convert_element_type3A_404, %cond3A_405 : i32
      scf.if %cond3A_406 {
        %dma_wait3A_688 = arith.constant 2 : i32
        %dma_wait3A_689 = arith.constant 2 : i32
        %dma_wait3A_690 = arith.constant 0 : i32
        %dma_wait3A_691 = arith.constant 0 : i32
        %dma_wait3A_692 = tpu.memref_slice %arg7[%dma_wait3A_688, %dma_wait3A_690, %dma_wait3A_691] : memref<4x8x1024xf32, #tpu.memory_space<vmem>> -> memref<1x8x1024xf32, #tpu.memory_space<vmem>>
        %dma_wait3A_693 = tpu.memref_squeeze %dma_wait3A_692 : memref<1x8x1024xf32, #tpu.memory_space<vmem>> -> memref<8x1024xf32, #tpu.memory_space<vmem>>
        %dma_wait3A_694 = arith.constant 0 : i32
        %dma_wait3A_695 = tpu.memref_slice %arg5[%mul3A_2, %dma_wait3A_694] : memref<32768x1024xf32, #tpu.memory_space<hbm>> -> memref<8x1024xf32, #tpu.memory_space<hbm>>
        %dma_wait3A_696 = tpu.memref_slice %arg10[%dma_wait3A_689] : memref<4x!tpu.dma_semaphore, #tpu.memory_space<semaphore_mem>> -> memref<1x!tpu.dma_semaphore, #tpu.memory_space<semaphore_mem>>
        %dma_wait3A_697 = tpu.memref_squeeze %dma_wait3A_696 : memref<1x!tpu.dma_semaphore, #tpu.memory_space<semaphore_mem>> -> memref<!tpu.dma_semaphore, #tpu.memory_space<semaphore_mem>>
        %dma_wait3A_698 = arith.constant 0 : i32
        %dma_wait3A_699 = tpu.memref_slice %arg5[%mul3A_2, %dma_wait3A_698] : memref<32768x1024xf32, #tpu.memory_space<hbm>> -> memref<8x1024xf32, #tpu.memory_space<hbm>>
        %dma_wait3A_700 = arith.constant 0 : i32
        %dma_wait3A_701 = arith.constant 0 : i32
        %dma_wait3A_702 = tpu.memref_slice %arg7[%dma_wait3A_688, %dma_wait3A_700, %dma_wait3A_701] : memref<4x8x1024xf32, #tpu.memory_space<vmem>> -> memref<1x8x1024xf32, #tpu.memory_space<vmem>>
        %dma_wait3A_703 = tpu.memref_squeeze %dma_wait3A_702 : memref<1x8x1024xf32, #tpu.memory_space<vmem>> -> memref<8x1024xf32, #tpu.memory_space<vmem>>
        tpu.wait_dma2 semaphore(%dma_wait3A_697 : memref<!tpu.dma_semaphore, #tpu.memory_space<semaphore_mem>>) src(%dma_wait3A_703 : memref<8x1024xf32, #tpu.memory_space<vmem>>) dst(%dma_wait3A_699 : memref<8x1024xf32, #tpu.memory_space<hbm>>)
      } else {
      }
      %lt3A_407 = arith.constant 128 : i32
      %lt3A_408 = arith.cmpi slt, %add3A_401, %lt3A_407 : i32
      %convert_element_type3A_409 = arith.extui %lt3A_408 : i1 to i32
      %cond3A_410 = arith.constant 0 : i32
      %cond3A_411 = arith.cmpi ne, %convert_element_type3A_409, %cond3A_410 : i32
      scf.if %cond3A_411 {
        %mul3A_688 = arith.constant 8 : i32
        %mul3A_689 = arith.muli %add3A_401, %mul3A_688 : i32
        %add3A_690 = arith.addi %mul3A_2, %mul3A_689 : i32
        %mul3A_691 = arith.constant 8 : i32
        %mul3A_692 = arith.muli %add3A_401, %mul3A_691 : i32
        %dma_start3A_693 = arith.constant 2 : i32
        %dma_start3A_694 = arith.constant 2 : i32
        %dma_start3A_695 = arith.constant 0 : i32
        %dma_start3A_696 = arith.constant 0 : i32
        %dma_start3A_697 = tpu.memref_slice %arg7[%dma_start3A_693, %dma_start3A_695, %dma_start3A_696] : memref<4x8x1024xf32, #tpu.memory_space<vmem>> -> memref<1x8x1024xf32, #tpu.memory_space<vmem>>
        %dma_start3A_698 = tpu.memref_squeeze %dma_start3A_697 : memref<1x8x1024xf32, #tpu.memory_space<vmem>> -> memref<8x1024xf32, #tpu.memory_space<vmem>>
        %dma_start3A_699 = arith.constant 0 : i32
        %dma_start3A_700 = tpu.memref_slice %arg2[%add3A_690, %dma_start3A_699] : memref<32768x1024xf32, #tpu.memory_space<hbm>> -> memref<8x1024xf32, #tpu.memory_space<hbm>>
        %dma_start3A_701 = tpu.memref_slice %arg9[%dma_start3A_694] : memref<4x!tpu.dma_semaphore, #tpu.memory_space<semaphore_mem>> -> memref<1x!tpu.dma_semaphore, #tpu.memory_space<semaphore_mem>>
        %dma_start3A_702 = tpu.memref_squeeze %dma_start3A_701 : memref<1x!tpu.dma_semaphore, #tpu.memory_space<semaphore_mem>> -> memref<!tpu.dma_semaphore, #tpu.memory_space<semaphore_mem>>
        %dma_start3A_703 = arith.constant 0 : i32
        %dma_start3A_704 = arith.constant 0 : i32
        %dma_start3A_705 = tpu.memref_slice %arg7[%dma_start3A_693, %dma_start3A_703, %dma_start3A_704] : memref<4x8x1024xf32, #tpu.memory_space<vmem>> -> memref<1x8x1024xf32, #tpu.memory_space<vmem>>
        %dma_start3A_706 = tpu.memref_squeeze %dma_start3A_705 : memref<1x8x1024xf32, #tpu.memory_space<vmem>> -> memref<8x1024xf32, #tpu.memory_space<vmem>>
        %dma_start3A_707 = arith.constant 0 : i32
        %dma_start3A_708 = tpu.memref_slice %arg2[%add3A_690, %dma_start3A_707] : memref<32768x1024xf32, #tpu.memory_space<hbm>> -> memref<8x1024xf32, #tpu.memory_space<hbm>>
        tpu.enqueue_dma source(%dma_start3A_708 : memref<8x1024xf32, #tpu.memory_space<hbm>>) target(%dma_start3A_706 : memref<8x1024xf32, #tpu.memory_space<vmem>>) target_semaphore(%dma_start3A_702 : memref<!tpu.dma_semaphore, #tpu.memory_space<semaphore_mem>>)
        %dma_start3A_709 = arith.constant 2 : i32
        %dma_start3A_710 = arith.constant 2 : i32
        %dma_start3A_711 = arith.constant 0 : i32
        %dma_start3A_712 = arith.constant 0 : i32
        %dma_start3A_713 = tpu.memref_slice %arg8[%dma_start3A_709, %dma_start3A_711, %dma_start3A_712] : memref<4x8x1024xf32, #tpu.memory_space<vmem>> -> memref<1x8x1024xf32, #tpu.memory_space<vmem>>
        %dma_start3A_714 = tpu.memref_squeeze %dma_start3A_713 : memref<1x8x1024xf32, #tpu.memory_space<vmem>> -> memref<8x1024xf32, #tpu.memory_space<vmem>>
        %dma_start3A_715 = tpu.memref_slice %arg6[%mul3A_692] : memref<1024xi32, #tpu.memory_space<vmem>> -> memref<8xi32, #tpu.memory_space<vmem>>
        %dma_start3A_716 = arith.constant 0 : i32
        %dma_start3A_717 = arith.constant 0 : i32
        %dma_start3A_718 = tpu.memref_slice %arg4[%dma_start3A_716, %dma_start3A_717] : memref<8192x1024xf32, #tpu.memory_space<hbm>> -> memref<8192x1024xf32, #tpu.memory_space<hbm>>
        %dma_start3A_719 = tpu.memref_slice %arg9[%dma_start3A_710] : memref<4x!tpu.dma_semaphore, #tpu.memory_space<semaphore_mem>> -> memref<1x!tpu.dma_semaphore, #tpu.memory_space<semaphore_mem>>
        %dma_start3A_720 = tpu.memref_squeeze %dma_start3A_719 : memref<1x!tpu.dma_semaphore, #tpu.memory_space<semaphore_mem>> -> memref<!tpu.dma_semaphore, #tpu.memory_space<semaphore_mem>>
        tpu.enqueue_indirect_dma source(%dma_start3A_718 : memref<8192x1024xf32, #tpu.memory_space<hbm>>) target(%dma_start3A_714 : memref<8x1024xf32, #tpu.memory_space<vmem>>) offsets(%dma_start3A_715 : memref<8xi32, #tpu.memory_space<vmem>>) semaphore(%dma_start3A_720 : memref<!tpu.dma_semaphore, #tpu.memory_space<semaphore_mem>>)
      } else {
      }
      %mul3A_412 = arith.constant 8 : i32
      %mul3A_413 = arith.muli %add3A_399, %mul3A_412 : i32
      %add3A_414 = arith.addi %mul3A_2, %mul3A_413 : i32
      %mul3A_415 = arith.constant 8 : i32
      %mul3A_416 = arith.muli %add3A_399, %mul3A_415 : i32
      %dma_wait3A_417 = arith.constant 0 : i32
      %dma_wait3A_418 = arith.constant 0 : i32
      %dma_wait3A_419 = arith.constant 0 : i32
      %dma_wait3A_420 = arith.constant 0 : i32
      %dma_wait3A_421 = tpu.memref_slice %arg7[%dma_wait3A_417, %dma_wait3A_419, %dma_wait3A_420] : memref<4x8x1024xf32, #tpu.memory_space<vmem>> -> memref<1x8x1024xf32, #tpu.memory_space<vmem>>
      %dma_wait3A_422 = tpu.memref_squeeze %dma_wait3A_421 : memref<1x8x1024xf32, #tpu.memory_space<vmem>> -> memref<8x1024xf32, #tpu.memory_space<vmem>>
      %dma_wait3A_423 = arith.constant 0 : i32
      %dma_wait3A_424 = tpu.memref_slice %arg2[%add3A_414, %dma_wait3A_423] : memref<32768x1024xf32, #tpu.memory_space<hbm>> -> memref<8x1024xf32, #tpu.memory_space<hbm>>
      %dma_wait3A_425 = tpu.memref_slice %arg9[%dma_wait3A_418] : memref<4x!tpu.dma_semaphore, #tpu.memory_space<semaphore_mem>> -> memref<1x!tpu.dma_semaphore, #tpu.memory_space<semaphore_mem>>
      %dma_wait3A_426 = tpu.memref_squeeze %dma_wait3A_425 : memref<1x!tpu.dma_semaphore, #tpu.memory_space<semaphore_mem>> -> memref<!tpu.dma_semaphore, #tpu.memory_space<semaphore_mem>>
      %dma_wait3A_427 = arith.constant 0 : i32
      %dma_wait3A_428 = arith.constant 0 : i32
      %dma_wait3A_429 = tpu.memref_slice %arg7[%dma_wait3A_417, %dma_wait3A_427, %dma_wait3A_428] : memref<4x8x1024xf32, #tpu.memory_space<vmem>> -> memref<1x8x1024xf32, #tpu.memory_space<vmem>>
      %dma_wait3A_430 = tpu.memref_squeeze %dma_wait3A_429 : memref<1x8x1024xf32, #tpu.memory_space<vmem>> -> memref<8x1024xf32, #tpu.memory_space<vmem>>
      %dma_wait3A_431 = arith.constant 0 : i32
      %dma_wait3A_432 = tpu.memref_slice %arg2[%add3A_414, %dma_wait3A_431] : memref<32768x1024xf32, #tpu.memory_space<hbm>> -> memref<8x1024xf32, #tpu.memory_space<hbm>>
      tpu.wait_dma2 semaphore(%dma_wait3A_426 : memref<!tpu.dma_semaphore, #tpu.memory_space<semaphore_mem>>) src(%dma_wait3A_432 : memref<8x1024xf32, #tpu.memory_space<hbm>>) dst(%dma_wait3A_430 : memref<8x1024xf32, #tpu.memory_space<vmem>>)
      %dma_wait3A_433 = arith.constant 0 : i32
      %dma_wait3A_434 = arith.constant 0 : i32
      %dma_wait3A_435 = arith.constant 0 : i32
      %dma_wait3A_436 = arith.constant 0 : i32
      %dma_wait3A_437 = tpu.memref_slice %arg8[%dma_wait3A_433, %dma_wait3A_435, %dma_wait3A_436] : memref<4x8x1024xf32, #tpu.memory_space<vmem>> -> memref<1x8x1024xf32, #tpu.memory_space<vmem>>
      %dma_wait3A_438 = tpu.memref_squeeze %dma_wait3A_437 : memref<1x8x1024xf32, #tpu.memory_space<vmem>> -> memref<8x1024xf32, #tpu.memory_space<vmem>>
      %dma_wait3A_439 = tpu.memref_slice %arg6[%mul3A_416] : memref<1024xi32, #tpu.memory_space<vmem>> -> memref<8xi32, #tpu.memory_space<vmem>>
      %dma_wait3A_440 = arith.constant 0 : i32
      %dma_wait3A_441 = arith.constant 0 : i32
      %dma_wait3A_442 = tpu.memref_slice %arg4[%dma_wait3A_440, %dma_wait3A_441] : memref<8192x1024xf32, #tpu.memory_space<hbm>> -> memref<8192x1024xf32, #tpu.memory_space<hbm>>
      %dma_wait3A_443 = tpu.memref_slice %arg9[%dma_wait3A_434] : memref<4x!tpu.dma_semaphore, #tpu.memory_space<semaphore_mem>> -> memref<1x!tpu.dma_semaphore, #tpu.memory_space<semaphore_mem>>
      %dma_wait3A_444 = tpu.memref_squeeze %dma_wait3A_443 : memref<1x!tpu.dma_semaphore, #tpu.memory_space<semaphore_mem>> -> memref<!tpu.dma_semaphore, #tpu.memory_space<semaphore_mem>>
      tpu.wait_indirect_dma semaphore(%dma_wait3A_444 : memref<!tpu.dma_semaphore, #tpu.memory_space<semaphore_mem>>) src(%dma_wait3A_442 : memref<8192x1024xf32, #tpu.memory_space<hbm>>) dst(%dma_wait3A_438 : memref<8x1024xf32, #tpu.memory_space<vmem>>)
      %parallel_loop3A_445 = arith.constant 0 : i32
      %parallel_loop3A_446 = arith.constant 512 : i32
      %parallel_loop3A_447 = arith.constant 1 : i32
      %parallel_loop3A_448 = arith.constant 0 : i32
      %parallel_loop3A_449 = arith.constant 0 : i32
      scf.for %parallel_loop3A_688 = %parallel_loop3A_445 to %parallel_loop3A_446 step %parallel_loop3A_447  : i32 {
        %parallel_loop3A_689 = arith.constant 64 : i32
        %parallel_loop3A_690 = arith.divsi %parallel_loop3A_688, %parallel_loop3A_689 : i32
        %parallel_loop3A_691 = arith.constant 0 : i32
        %parallel_loop3A_692 = arith.cmpi sgt, %parallel_loop3A_688, %parallel_loop3A_691 : i32
        %parallel_loop3A_693 = arith.extui %parallel_loop3A_692 : i1 to i32
        %parallel_loop3A_694 = arith.constant 0 : i32
        %parallel_loop3A_695 = arith.cmpi slt, %parallel_loop3A_688, %parallel_loop3A_694 : i32
        %parallel_loop3A_696 = arith.extui %parallel_loop3A_695 : i1 to i32
        %parallel_loop3A_697 = arith.subi %parallel_loop3A_693, %parallel_loop3A_696 : i32
        %parallel_loop3A_698 = arith.constant 0 : i32
        %parallel_loop3A_699 = arith.cmpi sgt, %parallel_loop3A_689, %parallel_loop3A_698 : i32
        %parallel_loop3A_700 = arith.extui %parallel_loop3A_699 : i1 to i32
        %parallel_loop3A_701 = arith.constant 0 : i32
        %parallel_loop3A_702 = arith.cmpi slt, %parallel_loop3A_689, %parallel_loop3A_701 : i32
        %parallel_loop3A_703 = arith.extui %parallel_loop3A_702 : i1 to i32
        %parallel_loop3A_704 = arith.subi %parallel_loop3A_700, %parallel_loop3A_703 : i32
        %parallel_loop3A_705 = arith.cmpi ne, %parallel_loop3A_697, %parallel_loop3A_704 : i32
        %parallel_loop3A_706 = arith.remsi %parallel_loop3A_688, %parallel_loop3A_689 : i32
        %parallel_loop3A_707 = arith.constant 0 : i32
        %parallel_loop3A_708 = arith.cmpi ne, %parallel_loop3A_706, %parallel_loop3A_707 : i32
        %parallel_loop3A_709 = arith.andi %parallel_loop3A_705, %parallel_loop3A_708 : i1
        %parallel_loop3A_710 = arith.constant 1 : i32
        %parallel_loop3A_711 = arith.subi %parallel_loop3A_690, %parallel_loop3A_710 : i32
        %parallel_loop3A_712 = arith.select %parallel_loop3A_709, %parallel_loop3A_711, %parallel_loop3A_690 : i32
        %parallel_loop3A_713 = arith.constant 64 : i32
        %parallel_loop3A_714 = arith.constant 0 : i32
        %parallel_loop3A_715 = arith.cmpi eq, %parallel_loop3A_713, %parallel_loop3A_714 : i32
        %parallel_loop3A_716 = arith.constant 1 : i32
        %parallel_loop3A_717 = arith.select %parallel_loop3A_715, %parallel_loop3A_716, %parallel_loop3A_713 : i32
        %parallel_loop3A_718 = arith.remsi %parallel_loop3A_688, %parallel_loop3A_717 : i32
        %parallel_loop3A_719 = arith.constant 0 : i32
        %parallel_loop3A_720 = arith.cmpi ne, %parallel_loop3A_718, %parallel_loop3A_719 : i32
        %parallel_loop3A_721 = arith.constant 0 : i32
        %parallel_loop3A_722 = arith.cmpi slt, %parallel_loop3A_718, %parallel_loop3A_721 : i32
        %parallel_loop3A_723 = arith.constant 0 : i32
        %parallel_loop3A_724 = arith.cmpi slt, %parallel_loop3A_717, %parallel_loop3A_723 : i32
        %parallel_loop3A_725 = arith.xori %parallel_loop3A_722, %parallel_loop3A_724 : i1
        %parallel_loop3A_726 = arith.andi %parallel_loop3A_725, %parallel_loop3A_720 : i1
        %parallel_loop3A_727 = arith.addi %parallel_loop3A_718, %parallel_loop3A_717 : i32
        %parallel_loop3A_728 = arith.select %parallel_loop3A_726, %parallel_loop3A_727, %parallel_loop3A_718 : i32
        %parallel_loop3A_729 = arith.constant 16 : i32
        %parallel_loop3A_730 = arith.muli %parallel_loop3A_728, %parallel_loop3A_729 : i32
        %parallel_loop3A_731 = arith.constant 0 : i32
        %parallel_loop3A_732 = arith.constant 0 : i32
        %parallel_loop3A_733 = tpu.memref_slice %arg7[%parallel_loop3A_448, %parallel_loop3A_731, %parallel_loop3A_732] : memref<4x8x1024xf32, #tpu.memory_space<vmem>> -> memref<1x8x1024xf32, #tpu.memory_space<vmem>>
        %parallel_loop3A_734 = tpu.memref_squeeze %parallel_loop3A_733 : memref<1x8x1024xf32, #tpu.memory_space<vmem>> -> memref<8x1024xf32, #tpu.memory_space<vmem>>
        %parallel_loop3A_735 = arith.index_cast %parallel_loop3A_712 : i32 to index
        %parallel_loop3A_736 = arith.index_cast %parallel_loop3A_730 : i32 to index
        %parallel_loop3A_737 = tpu.vector_load %parallel_loop3A_734[%parallel_loop3A_735, %parallel_loop3A_736] {strides = array<i32>} : memref<8x1024xf32, #tpu.memory_space<vmem>>, vector<1x16xf32>,
        %parallel_loop3A_738 = vector.shape_cast %parallel_loop3A_737 : vector<1x16xf32> to vector<16xf32>
        %parallel_loop3A_739 = arith.constant 0 : i32
        %parallel_loop3A_740 = arith.constant 0 : i32
        %parallel_loop3A_741 = tpu.memref_slice %arg8[%parallel_loop3A_449, %parallel_loop3A_739, %parallel_loop3A_740] : memref<4x8x1024xf32, #tpu.memory_space<vmem>> -> memref<1x8x1024xf32, #tpu.memory_space<vmem>>
        %parallel_loop3A_742 = tpu.memref_squeeze %parallel_loop3A_741 : memref<1x8x1024xf32, #tpu.memory_space<vmem>> -> memref<8x1024xf32, #tpu.memory_space<vmem>>
        %parallel_loop3A_743 = arith.index_cast %parallel_loop3A_712 : i32 to index
        %parallel_loop3A_744 = arith.index_cast %parallel_loop3A_730 : i32 to index
        %parallel_loop3A_745 = tpu.vector_load %parallel_loop3A_742[%parallel_loop3A_743, %parallel_loop3A_744] {strides = array<i32>} : memref<8x1024xf32, #tpu.memory_space<vmem>>, vector<1x16xf32>,
        %parallel_loop3A_746 = vector.shape_cast %parallel_loop3A_745 : vector<1x16xf32> to vector<16xf32>
        %parallel_loop3A_747 = arith.addf %parallel_loop3A_738, %parallel_loop3A_746 : vector<16xf32>
        %parallel_loop3A_748 = arith.constant 0 : i32
        %parallel_loop3A_749 = arith.constant 0 : i32
        %parallel_loop3A_750 = tpu.memref_slice %arg7[%parallel_loop3A_448, %parallel_loop3A_748, %parallel_loop3A_749] : memref<4x8x1024xf32, #tpu.memory_space<vmem>> -> memref<1x8x1024xf32, #tpu.memory_space<vmem>>
        %parallel_loop3A_751 = tpu.memref_squeeze %parallel_loop3A_750 : memref<1x8x1024xf32, #tpu.memory_space<vmem>> -> memref<8x1024xf32, #tpu.memory_space<vmem>>
        %parallel_loop3A_752 = arith.index_cast %parallel_loop3A_712 : i32 to index
        %parallel_loop3A_753 = arith.index_cast %parallel_loop3A_730 : i32 to index
        %parallel_loop3A_754 = tpu.vector_load %parallel_loop3A_751[%parallel_loop3A_752, %parallel_loop3A_753] {strides = array<i32>} : memref<8x1024xf32, #tpu.memory_space<vmem>>, vector<1x16xf32>,
        %parallel_loop3A_755 = vector.shape_cast %parallel_loop3A_754 : vector<1x16xf32> to vector<16xf32>
        %parallel_loop3A_756 = vector.shape_cast %parallel_loop3A_747 : vector<16xf32> to vector<1x16xf32>
        tpu.vector_store %parallel_loop3A_751[%parallel_loop3A_752, %parallel_loop3A_753], %parallel_loop3A_756 {strides = array<i32>} : memref<8x1024xf32, #tpu.memory_space<vmem>>, vector<1x16xf32>,
      } {sc.loop_unroll_factor = 8 : i64, sc.parallel_access}
      %dma_start3A_450 = arith.constant 0 : i32
      %dma_start3A_451 = arith.constant 0 : i32
      %dma_start3A_452 = arith.constant 0 : i32
      %dma_start3A_453 = arith.constant 0 : i32
      %dma_start3A_454 = tpu.memref_slice %arg7[%dma_start3A_450, %dma_start3A_452, %dma_start3A_453] : memref<4x8x1024xf32, #tpu.memory_space<vmem>> -> memref<1x8x1024xf32, #tpu.memory_space<vmem>>
      %dma_start3A_455 = tpu.memref_squeeze %dma_start3A_454 : memref<1x8x1024xf32, #tpu.memory_space<vmem>> -> memref<8x1024xf32, #tpu.memory_space<vmem>>
      %dma_start3A_456 = arith.constant 0 : i32
      %dma_start3A_457 = tpu.memref_slice %arg5[%add3A_414, %dma_start3A_456] : memref<32768x1024xf32, #tpu.memory_space<hbm>> -> memref<8x1024xf32, #tpu.memory_space<hbm>>
      %dma_start3A_458 = tpu.memref_slice %arg10[%dma_start3A_451] : memref<4x!tpu.dma_semaphore, #tpu.memory_space<semaphore_mem>> -> memref<1x!tpu.dma_semaphore, #tpu.memory_space<semaphore_mem>>
      %dma_start3A_459 = tpu.memref_squeeze %dma_start3A_458 : memref<1x!tpu.dma_semaphore, #tpu.memory_space<semaphore_mem>> -> memref<!tpu.dma_semaphore, #tpu.memory_space<semaphore_mem>>
      %dma_start3A_460 = arith.constant 0 : i32
      %dma_start3A_461 = tpu.memref_slice %arg5[%add3A_414, %dma_start3A_460] : memref<32768x1024xf32, #tpu.memory_space<hbm>> -> memref<8x1024xf32, #tpu.memory_space<hbm>>
      %dma_start3A_462 = arith.constant 0 : i32
      %dma_start3A_463 = arith.constant 0 : i32
      %dma_start3A_464 = tpu.memref_slice %arg7[%dma_start3A_450, %dma_start3A_462, %dma_start3A_463] : memref<4x8x1024xf32, #tpu.memory_space<vmem>> -> memref<1x8x1024xf32, #tpu.memory_space<vmem>>
      %dma_start3A_465 = tpu.memref_squeeze %dma_start3A_464 : memref<1x8x1024xf32, #tpu.memory_space<vmem>> -> memref<8x1024xf32, #tpu.memory_space<vmem>>
      tpu.enqueue_dma source(%dma_start3A_465 : memref<8x1024xf32, #tpu.memory_space<vmem>>) target(%dma_start3A_461 : memref<8x1024xf32, #tpu.memory_space<hbm>>) target_semaphore(%dma_start3A_459 : memref<!tpu.dma_semaphore, #tpu.memory_space<semaphore_mem>>)
      %mul3A_466 = arith.constant 2 : i32
      %mul3A_467 = arith.muli %scan3A_100, %mul3A_466 : i32
      %add3A_468 = arith.constant 1 : i32
      %add3A_469 = arith.addi %mul3A_467, %add3A_468 : i32
      %mul3A_470 = arith.constant 4 : i32
      %mul3A_471 = arith.muli %add3A_469, %mul3A_470 : i32
      %add3A_472 = arith.constant 1 : i32
      %add3A_473 = arith.addi %mul3A_471, %add3A_472 : i32
      %add3A_474 = arith.constant 2 : i32
      %add3A_475 = arith.addi %add3A_473, %add3A_474 : i32
      %ge3A_476 = arith.constant 4 : i32
      %ge3A_477 = arith.cmpi sge, %add3A_475, %ge3A_476 : i32
      %convert_element_type3A_478 = arith.extui %ge3A_477 : i1 to i32
      %cond3A_479 = arith.constant 0 : i32
      %cond3A_480 = arith.cmpi ne, %convert_element_type3A_478, %cond3A_479 : i32
      scf.if %cond3A_480 {
        %dma_wait3A_688 = arith.constant 3 : i32
        %dma_wait3A_689 = arith.constant 3 : i32
        %dma_wait3A_690 = arith.constant 0 : i32
        %dma_wait3A_691 = arith.constant 0 : i32
        %dma_wait3A_692 = tpu.memref_slice %arg7[%dma_wait3A_688, %dma_wait3A_690, %dma_wait3A_691] : memref<4x8x1024xf32, #tpu.memory_space<vmem>> -> memref<1x8x1024xf32, #tpu.memory_space<vmem>>
        %dma_wait3A_693 = tpu.memref_squeeze %dma_wait3A_692 : memref<1x8x1024xf32, #tpu.memory_space<vmem>> -> memref<8x1024xf32, #tpu.memory_space<vmem>>
        %dma_wait3A_694 = arith.constant 0 : i32
        %dma_wait3A_695 = tpu.memref_slice %arg5[%mul3A_2, %dma_wait3A_694] : memref<32768x1024xf32, #tpu.memory_space<hbm>> -> memref<8x1024xf32, #tpu.memory_space<hbm>>
        %dma_wait3A_696 = tpu.memref_slice %arg10[%dma_wait3A_689] : memref<4x!tpu.dma_semaphore, #tpu.memory_space<semaphore_mem>> -> memref<1x!tpu.dma_semaphore, #tpu.memory_space<semaphore_mem>>
        %dma_wait3A_697 = tpu.memref_squeeze %dma_wait3A_696 : memref<1x!tpu.dma_semaphore, #tpu.memory_space<semaphore_mem>> -> memref<!tpu.dma_semaphore, #tpu.memory_space<semaphore_mem>>
        %dma_wait3A_698 = arith.constant 0 : i32
        %dma_wait3A_699 = tpu.memref_slice %arg5[%mul3A_2, %dma_wait3A_698] : memref<32768x1024xf32, #tpu.memory_space<hbm>> -> memref<8x1024xf32, #tpu.memory_space<hbm>>
        %dma_wait3A_700 = arith.constant 0 : i32
        %dma_wait3A_701 = arith.constant 0 : i32
        %dma_wait3A_702 = tpu.memref_slice %arg7[%dma_wait3A_688, %dma_wait3A_700, %dma_wait3A_701] : memref<4x8x1024xf32, #tpu.memory_space<vmem>> -> memref<1x8x1024xf32, #tpu.memory_space<vmem>>
        %dma_wait3A_703 = tpu.memref_squeeze %dma_wait3A_702 : memref<1x8x1024xf32, #tpu.memory_space<vmem>> -> memref<8x1024xf32, #tpu.memory_space<vmem>>
        tpu.wait_dma2 semaphore(%dma_wait3A_697 : memref<!tpu.dma_semaphore, #tpu.memory_space<semaphore_mem>>) src(%dma_wait3A_703 : memref<8x1024xf32, #tpu.memory_space<vmem>>) dst(%dma_wait3A_699 : memref<8x1024xf32, #tpu.memory_space<hbm>>)
      } else {
      }
      %lt3A_481 = arith.constant 128 : i32
      %lt3A_482 = arith.cmpi slt, %add3A_475, %lt3A_481 : i32
      %convert_element_type3A_483 = arith.extui %lt3A_482 : i1 to i32
      %cond3A_484 = arith.constant 0 : i32
      %cond3A_485 = arith.cmpi ne, %convert_element_type3A_483, %cond3A_484 : i32
      scf.if %cond3A_485 {
        %mul3A_688 = arith.constant 8 : i32
        %mul3A_689 = arith.muli %add3A_475, %mul3A_688 : i32
        %add3A_690 = arith.addi %mul3A_2, %mul3A_689 : i32
        %mul3A_691 = arith.constant 8 : i32
        %mul3A_692 = arith.muli %add3A_475, %mul3A_691 : i32
        %dma_start3A_693 = arith.constant 3 : i32
        %dma_start3A_694 = arith.constant 3 : i32
        %dma_start3A_695 = arith.constant 0 : i32
        %dma_start3A_696 = arith.constant 0 : i32
        %dma_start3A_697 = tpu.memref_slice %arg7[%dma_start3A_693, %dma_start3A_695, %dma_start3A_696] : memref<4x8x1024xf32, #tpu.memory_space<vmem>> -> memref<1x8x1024xf32, #tpu.memory_space<vmem>>
        %dma_start3A_698 = tpu.memref_squeeze %dma_start3A_697 : memref<1x8x1024xf32, #tpu.memory_space<vmem>> -> memref<8x1024xf32, #tpu.memory_space<vmem>>
        %dma_start3A_699 = arith.constant 0 : i32
        %dma_start3A_700 = tpu.memref_slice %arg2[%add3A_690, %dma_start3A_699] : memref<32768x1024xf32, #tpu.memory_space<hbm>> -> memref<8x1024xf32, #tpu.memory_space<hbm>>
        %dma_start3A_701 = tpu.memref_slice %arg9[%dma_start3A_694] : memref<4x!tpu.dma_semaphore, #tpu.memory_space<semaphore_mem>> -> memref<1x!tpu.dma_semaphore, #tpu.memory_space<semaphore_mem>>
        %dma_start3A_702 = tpu.memref_squeeze %dma_start3A_701 : memref<1x!tpu.dma_semaphore, #tpu.memory_space<semaphore_mem>> -> memref<!tpu.dma_semaphore, #tpu.memory_space<semaphore_mem>>
        %dma_start3A_703 = arith.constant 0 : i32
        %dma_start3A_704 = arith.constant 0 : i32
        %dma_start3A_705 = tpu.memref_slice %arg7[%dma_start3A_693, %dma_start3A_703, %dma_start3A_704] : memref<4x8x1024xf32, #tpu.memory_space<vmem>> -> memref<1x8x1024xf32, #tpu.memory_space<vmem>>
        %dma_start3A_706 = tpu.memref_squeeze %dma_start3A_705 : memref<1x8x1024xf32, #tpu.memory_space<vmem>> -> memref<8x1024xf32, #tpu.memory_space<vmem>>
        %dma_start3A_707 = arith.constant 0 : i32
        %dma_start3A_708 = tpu.memref_slice %arg2[%add3A_690, %dma_start3A_707] : memref<32768x1024xf32, #tpu.memory_space<hbm>> -> memref<8x1024xf32, #tpu.memory_space<hbm>>
        tpu.enqueue_dma source(%dma_start3A_708 : memref<8x1024xf32, #tpu.memory_space<hbm>>) target(%dma_start3A_706 : memref<8x1024xf32, #tpu.memory_space<vmem>>) target_semaphore(%dma_start3A_702 : memref<!tpu.dma_semaphore, #tpu.memory_space<semaphore_mem>>)
        %dma_start3A_709 = arith.constant 3 : i32
        %dma_start3A_710 = arith.constant 3 : i32
        %dma_start3A_711 = arith.constant 0 : i32
        %dma_start3A_712 = arith.constant 0 : i32
        %dma_start3A_713 = tpu.memref_slice %arg8[%dma_start3A_709, %dma_start3A_711, %dma_start3A_712] : memref<4x8x1024xf32, #tpu.memory_space<vmem>> -> memref<1x8x1024xf32, #tpu.memory_space<vmem>>
        %dma_start3A_714 = tpu.memref_squeeze %dma_start3A_713 : memref<1x8x1024xf32, #tpu.memory_space<vmem>> -> memref<8x1024xf32, #tpu.memory_space<vmem>>
        %dma_start3A_715 = tpu.memref_slice %arg6[%mul3A_692] : memref<1024xi32, #tpu.memory_space<vmem>> -> memref<8xi32, #tpu.memory_space<vmem>>
        %dma_start3A_716 = arith.constant 0 : i32
        %dma_start3A_717 = arith.constant 0 : i32
        %dma_start3A_718 = tpu.memref_slice %arg4[%dma_start3A_716, %dma_start3A_717] : memref<8192x1024xf32, #tpu.memory_space<hbm>> -> memref<8192x1024xf32, #tpu.memory_space<hbm>>
        %dma_start3A_719 = tpu.memref_slice %arg9[%dma_start3A_710] : memref<4x!tpu.dma_semaphore, #tpu.memory_space<semaphore_mem>> -> memref<1x!tpu.dma_semaphore, #tpu.memory_space<semaphore_mem>>
        %dma_start3A_720 = tpu.memref_squeeze %dma_start3A_719 : memref<1x!tpu.dma_semaphore, #tpu.memory_space<semaphore_mem>> -> memref<!tpu.dma_semaphore, #tpu.memory_space<semaphore_mem>>
        tpu.enqueue_indirect_dma source(%dma_start3A_718 : memref<8192x1024xf32, #tpu.memory_space<hbm>>) target(%dma_start3A_714 : memref<8x1024xf32, #tpu.memory_space<vmem>>) offsets(%dma_start3A_715 : memref<8xi32, #tpu.memory_space<vmem>>) semaphore(%dma_start3A_720 : memref<!tpu.dma_semaphore, #tpu.memory_space<semaphore_mem>>)
      } else {
      }
      %mul3A_486 = arith.constant 8 : i32
      %mul3A_487 = arith.muli %add3A_473, %mul3A_486 : i32
      %add3A_488 = arith.addi %mul3A_2, %mul3A_487 : i32
      %mul3A_489 = arith.constant 8 : i32
      %mul3A_490 = arith.muli %add3A_473, %mul3A_489 : i32
      %dma_wait3A_491 = arith.constant 1 : i32
      %dma_wait3A_492 = arith.constant 1 : i32
      %dma_wait3A_493 = arith.constant 0 : i32
      %dma_wait3A_494 = arith.constant 0 : i32
      %dma_wait3A_495 = tpu.memref_slice %arg7[%dma_wait3A_491, %dma_wait3A_493, %dma_wait3A_494] : memref<4x8x1024xf32, #tpu.memory_space<vmem>> -> memref<1x8x1024xf32, #tpu.memory_space<vmem>>
      %dma_wait3A_496 = tpu.memref_squeeze %dma_wait3A_495 : memref<1x8x1024xf32, #tpu.memory_space<vmem>> -> memref<8x1024xf32, #tpu.memory_space<vmem>>
      %dma_wait3A_497 = arith.constant 0 : i32
      %dma_wait3A_498 = tpu.memref_slice %arg2[%add3A_488, %dma_wait3A_497] : memref<32768x1024xf32, #tpu.memory_space<hbm>> -> memref<8x1024xf32, #tpu.memory_space<hbm>>
      %dma_wait3A_499 = tpu.memref_slice %arg9[%dma_wait3A_492] : memref<4x!tpu.dma_semaphore, #tpu.memory_space<semaphore_mem>> -> memref<1x!tpu.dma_semaphore, #tpu.memory_space<semaphore_mem>>
      %dma_wait3A_500 = tpu.memref_squeeze %dma_wait3A_499 : memref<1x!tpu.dma_semaphore, #tpu.memory_space<semaphore_mem>> -> memref<!tpu.dma_semaphore, #tpu.memory_space<semaphore_mem>>
      %dma_wait3A_501 = arith.constant 0 : i32
      %dma_wait3A_502 = arith.constant 0 : i32
      %dma_wait3A_503 = tpu.memref_slice %arg7[%dma_wait3A_491, %dma_wait3A_501, %dma_wait3A_502] : memref<4x8x1024xf32, #tpu.memory_space<vmem>> -> memref<1x8x1024xf32, #tpu.memory_space<vmem>>
      %dma_wait3A_504 = tpu.memref_squeeze %dma_wait3A_503 : memref<1x8x1024xf32, #tpu.memory_space<vmem>> -> memref<8x1024xf32, #tpu.memory_space<vmem>>
      %dma_wait3A_505 = arith.constant 0 : i32
      %dma_wait3A_506 = tpu.memref_slice %arg2[%add3A_488, %dma_wait3A_505] : memref<32768x1024xf32, #tpu.memory_space<hbm>> -> memref<8x1024xf32, #tpu.memory_space<hbm>>
      tpu.wait_dma2 semaphore(%dma_wait3A_500 : memref<!tpu.dma_semaphore, #tpu.memory_space<semaphore_mem>>) src(%dma_wait3A_506 : memref<8x1024xf32, #tpu.memory_space<hbm>>) dst(%dma_wait3A_504 : memref<8x1024xf32, #tpu.memory_space<vmem>>)
      %dma_wait3A_507 = arith.constant 1 : i32
      %dma_wait3A_508 = arith.constant 1 : i32
      %dma_wait3A_509 = arith.constant 0 : i32
      %dma_wait3A_510 = arith.constant 0 : i32
      %dma_wait3A_511 = tpu.memref_slice %arg8[%dma_wait3A_507, %dma_wait3A_509, %dma_wait3A_510] : memref<4x8x1024xf32, #tpu.memory_space<vmem>> -> memref<1x8x1024xf32, #tpu.memory_space<vmem>>
      %dma_wait3A_512 = tpu.memref_squeeze %dma_wait3A_511 : memref<1x8x1024xf32, #tpu.memory_space<vmem>> -> memref<8x1024xf32, #tpu.memory_space<vmem>>
      %dma_wait3A_513 = tpu.memref_slice %arg6[%mul3A_490] : memref<1024xi32, #tpu.memory_space<vmem>> -> memref<8xi32, #tpu.memory_space<vmem>>
      %dma_wait3A_514 = arith.constant 0 : i32
      %dma_wait3A_515 = arith.constant 0 : i32
      %dma_wait3A_516 = tpu.memref_slice %arg4[%dma_wait3A_514, %dma_wait3A_515] : memref<8192x1024xf32, #tpu.memory_space<hbm>> -> memref<8192x1024xf32, #tpu.memory_space<hbm>>
      %dma_wait3A_517 = tpu.memref_slice %arg9[%dma_wait3A_508] : memref<4x!tpu.dma_semaphore, #tpu.memory_space<semaphore_mem>> -> memref<1x!tpu.dma_semaphore, #tpu.memory_space<semaphore_mem>>
      %dma_wait3A_518 = tpu.memref_squeeze %dma_wait3A_517 : memref<1x!tpu.dma_semaphore, #tpu.memory_space<semaphore_mem>> -> memref<!tpu.dma_semaphore, #tpu.memory_space<semaphore_mem>>
      tpu.wait_indirect_dma semaphore(%dma_wait3A_518 : memref<!tpu.dma_semaphore, #tpu.memory_space<semaphore_mem>>) src(%dma_wait3A_516 : memref<8192x1024xf32, #tpu.memory_space<hbm>>) dst(%dma_wait3A_512 : memref<8x1024xf32, #tpu.memory_space<vmem>>)
      %parallel_loop3A_519 = arith.constant 0 : i32
      %parallel_loop3A_520 = arith.constant 512 : i32
      %parallel_loop3A_521 = arith.constant 1 : i32
      %parallel_loop3A_522 = arith.constant 1 : i32
      %parallel_loop3A_523 = arith.constant 1 : i32
      scf.for %parallel_loop3A_688 = %parallel_loop3A_519 to %parallel_loop3A_520 step %parallel_loop3A_521  : i32 {
        %parallel_loop3A_689 = arith.constant 64 : i32
        %parallel_loop3A_690 = arith.divsi %parallel_loop3A_688, %parallel_loop3A_689 : i32
        %parallel_loop3A_691 = arith.constant 0 : i32
        %parallel_loop3A_692 = arith.cmpi sgt, %parallel_loop3A_688, %parallel_loop3A_691 : i32
        %parallel_loop3A_693 = arith.extui %parallel_loop3A_692 : i1 to i32
        %parallel_loop3A_694 = arith.constant 0 : i32
        %parallel_loop3A_695 = arith.cmpi slt, %parallel_loop3A_688, %parallel_loop3A_694 : i32
        %parallel_loop3A_696 = arith.extui %parallel_loop3A_695 : i1 to i32
        %parallel_loop3A_697 = arith.subi %parallel_loop3A_693, %parallel_loop3A_696 : i32
        %parallel_loop3A_698 = arith.constant 0 : i32
        %parallel_loop3A_699 = arith.cmpi sgt, %parallel_loop3A_689, %parallel_loop3A_698 : i32
        %parallel_loop3A_700 = arith.extui %parallel_loop3A_699 : i1 to i32
        %parallel_loop3A_701 = arith.constant 0 : i32
        %parallel_loop3A_702 = arith.cmpi slt, %parallel_loop3A_689, %parallel_loop3A_701 : i32
        %parallel_loop3A_703 = arith.extui %parallel_loop3A_702 : i1 to i32
        %parallel_loop3A_704 = arith.subi %parallel_loop3A_700, %parallel_loop3A_703 : i32
        %parallel_loop3A_705 = arith.cmpi ne, %parallel_loop3A_697, %parallel_loop3A_704 : i32
        %parallel_loop3A_706 = arith.remsi %parallel_loop3A_688, %parallel_loop3A_689 : i32
        %parallel_loop3A_707 = arith.constant 0 : i32
        %parallel_loop3A_708 = arith.cmpi ne, %parallel_loop3A_706, %parallel_loop3A_707 : i32
        %parallel_loop3A_709 = arith.andi %parallel_loop3A_705, %parallel_loop3A_708 : i1
        %parallel_loop3A_710 = arith.constant 1 : i32
        %parallel_loop3A_711 = arith.subi %parallel_loop3A_690, %parallel_loop3A_710 : i32
        %parallel_loop3A_712 = arith.select %parallel_loop3A_709, %parallel_loop3A_711, %parallel_loop3A_690 : i32
        %parallel_loop3A_713 = arith.constant 64 : i32
        %parallel_loop3A_714 = arith.constant 0 : i32
        %parallel_loop3A_715 = arith.cmpi eq, %parallel_loop3A_713, %parallel_loop3A_714 : i32
        %parallel_loop3A_716 = arith.constant 1 : i32
        %parallel_loop3A_717 = arith.select %parallel_loop3A_715, %parallel_loop3A_716, %parallel_loop3A_713 : i32
        %parallel_loop3A_718 = arith.remsi %parallel_loop3A_688, %parallel_loop3A_717 : i32
        %parallel_loop3A_719 = arith.constant 0 : i32
        %parallel_loop3A_720 = arith.cmpi ne, %parallel_loop3A_718, %parallel_loop3A_719 : i32
        %parallel_loop3A_721 = arith.constant 0 : i32
        %parallel_loop3A_722 = arith.cmpi slt, %parallel_loop3A_718, %parallel_loop3A_721 : i32
        %parallel_loop3A_723 = arith.constant 0 : i32
        %parallel_loop3A_724 = arith.cmpi slt, %parallel_loop3A_717, %parallel_loop3A_723 : i32
        %parallel_loop3A_725 = arith.xori %parallel_loop3A_722, %parallel_loop3A_724 : i1
        %parallel_loop3A_726 = arith.andi %parallel_loop3A_725, %parallel_loop3A_720 : i1
        %parallel_loop3A_727 = arith.addi %parallel_loop3A_718, %parallel_loop3A_717 : i32
        %parallel_loop3A_728 = arith.select %parallel_loop3A_726, %parallel_loop3A_727, %parallel_loop3A_718 : i32
        %parallel_loop3A_729 = arith.constant 16 : i32
        %parallel_loop3A_730 = arith.muli %parallel_loop3A_728, %parallel_loop3A_729 : i32
        %parallel_loop3A_731 = arith.constant 0 : i32
        %parallel_loop3A_732 = arith.constant 0 : i32
        %parallel_loop3A_733 = tpu.memref_slice %arg7[%parallel_loop3A_522, %parallel_loop3A_731, %parallel_loop3A_732] : memref<4x8x1024xf32, #tpu.memory_space<vmem>> -> memref<1x8x1024xf32, #tpu.memory_space<vmem>>
        %parallel_loop3A_734 = tpu.memref_squeeze %parallel_loop3A_733 : memref<1x8x1024xf32, #tpu.memory_space<vmem>> -> memref<8x1024xf32, #tpu.memory_space<vmem>>
        %parallel_loop3A_735 = arith.index_cast %parallel_loop3A_712 : i32 to index
        %parallel_loop3A_736 = arith.index_cast %parallel_loop3A_730 : i32 to index
        %parallel_loop3A_737 = tpu.vector_load %parallel_loop3A_734[%parallel_loop3A_735, %parallel_loop3A_736] {strides = array<i32>} : memref<8x1024xf32, #tpu.memory_space<vmem>>, vector<1x16xf32>,
        %parallel_loop3A_738 = vector.shape_cast %parallel_loop3A_737 : vector<1x16xf32> to vector<16xf32>
        %parallel_loop3A_739 = arith.constant 0 : i32
        %parallel_loop3A_740 = arith.constant 0 : i32
        %parallel_loop3A_741 = tpu.memref_slice %arg8[%parallel_loop3A_523, %parallel_loop3A_739, %parallel_loop3A_740] : memref<4x8x1024xf32, #tpu.memory_space<vmem>> -> memref<1x8x1024xf32, #tpu.memory_space<vmem>>
        %parallel_loop3A_742 = tpu.memref_squeeze %parallel_loop3A_741 : memref<1x8x1024xf32, #tpu.memory_space<vmem>> -> memref<8x1024xf32, #tpu.memory_space<vmem>>
        %parallel_loop3A_743 = arith.index_cast %parallel_loop3A_712 : i32 to index
        %parallel_loop3A_744 = arith.index_cast %parallel_loop3A_730 : i32 to index
        %parallel_loop3A_745 = tpu.vector_load %parallel_loop3A_742[%parallel_loop3A_743, %parallel_loop3A_744] {strides = array<i32>} : memref<8x1024xf32, #tpu.memory_space<vmem>>, vector<1x16xf32>,
        %parallel_loop3A_746 = vector.shape_cast %parallel_loop3A_745 : vector<1x16xf32> to vector<16xf32>
        %parallel_loop3A_747 = arith.addf %parallel_loop3A_738, %parallel_loop3A_746 : vector<16xf32>
        %parallel_loop3A_748 = arith.constant 0 : i32
        %parallel_loop3A_749 = arith.constant 0 : i32
        %parallel_loop3A_750 = tpu.memref_slice %arg7[%parallel_loop3A_522, %parallel_loop3A_748, %parallel_loop3A_749] : memref<4x8x1024xf32, #tpu.memory_space<vmem>> -> memref<1x8x1024xf32, #tpu.memory_space<vmem>>
        %parallel_loop3A_751 = tpu.memref_squeeze %parallel_loop3A_750 : memref<1x8x1024xf32, #tpu.memory_space<vmem>> -> memref<8x1024xf32, #tpu.memory_space<vmem>>
        %parallel_loop3A_752 = arith.index_cast %parallel_loop3A_712 : i32 to index
        %parallel_loop3A_753 = arith.index_cast %parallel_loop3A_730 : i32 to index
        %parallel_loop3A_754 = tpu.vector_load %parallel_loop3A_751[%parallel_loop3A_752, %parallel_loop3A_753] {strides = array<i32>} : memref<8x1024xf32, #tpu.memory_space<vmem>>, vector<1x16xf32>,
        %parallel_loop3A_755 = vector.shape_cast %parallel_loop3A_754 : vector<1x16xf32> to vector<16xf32>
        %parallel_loop3A_756 = vector.shape_cast %parallel_loop3A_747 : vector<16xf32> to vector<1x16xf32>
        tpu.vector_store %parallel_loop3A_751[%parallel_loop3A_752, %parallel_loop3A_753], %parallel_loop3A_756 {strides = array<i32>} : memref<8x1024xf32, #tpu.memory_space<vmem>>, vector<1x16xf32>,
      } {sc.loop_unroll_factor = 8 : i64, sc.parallel_access}
      %dma_start3A_524 = arith.constant 1 : i32
      %dma_start3A_525 = arith.constant 1 : i32
      %dma_start3A_526 = arith.constant 0 : i32
      %dma_start3A_527 = arith.constant 0 : i32
      %dma_start3A_528 = tpu.memref_slice %arg7[%dma_start3A_524, %dma_start3A_526, %dma_start3A_527] : memref<4x8x1024xf32, #tpu.memory_space<vmem>> -> memref<1x8x1024xf32, #tpu.memory_space<vmem>>
      %dma_start3A_529 = tpu.memref_squeeze %dma_start3A_528 : memref<1x8x1024xf32, #tpu.memory_space<vmem>> -> memref<8x1024xf32, #tpu.memory_space<vmem>>
      %dma_start3A_530 = arith.constant 0 : i32
      %dma_start3A_531 = tpu.memref_slice %arg5[%add3A_488, %dma_start3A_530] : memref<32768x1024xf32, #tpu.memory_space<hbm>> -> memref<8x1024xf32, #tpu.memory_space<hbm>>
      %dma_start3A_532 = tpu.memref_slice %arg10[%dma_start3A_525] : memref<4x!tpu.dma_semaphore, #tpu.memory_space<semaphore_mem>> -> memref<1x!tpu.dma_semaphore, #tpu.memory_space<semaphore_mem>>
      %dma_start3A_533 = tpu.memref_squeeze %dma_start3A_532 : memref<1x!tpu.dma_semaphore, #tpu.memory_space<semaphore_mem>> -> memref<!tpu.dma_semaphore, #tpu.memory_space<semaphore_mem>>
      %dma_start3A_534 = arith.constant 0 : i32
      %dma_start3A_535 = tpu.memref_slice %arg5[%add3A_488, %dma_start3A_534] : memref<32768x1024xf32, #tpu.memory_space<hbm>> -> memref<8x1024xf32, #tpu.memory_space<hbm>>
      %dma_start3A_536 = arith.constant 0 : i32
      %dma_start3A_537 = arith.constant 0 : i32
      %dma_start3A_538 = tpu.memref_slice %arg7[%dma_start3A_524, %dma_start3A_536, %dma_start3A_537] : memref<4x8x1024xf32, #tpu.memory_space<vmem>> -> memref<1x8x1024xf32, #tpu.memory_space<vmem>>
      %dma_start3A_539 = tpu.memref_squeeze %dma_start3A_538 : memref<1x8x1024xf32, #tpu.memory_space<vmem>> -> memref<8x1024xf32, #tpu.memory_space<vmem>>
      tpu.enqueue_dma source(%dma_start3A_539 : memref<8x1024xf32, #tpu.memory_space<vmem>>) target(%dma_start3A_535 : memref<8x1024xf32, #tpu.memory_space<hbm>>) target_semaphore(%dma_start3A_533 : memref<!tpu.dma_semaphore, #tpu.memory_space<semaphore_mem>>)
      %mul3A_540 = arith.constant 2 : i32
      %mul3A_541 = arith.muli %scan3A_100, %mul3A_540 : i32
      %add3A_542 = arith.constant 1 : i32
      %add3A_543 = arith.addi %mul3A_541, %add3A_542 : i32
      %mul3A_544 = arith.constant 4 : i32
      %mul3A_545 = arith.muli %add3A_543, %mul3A_544 : i32
      %add3A_546 = arith.constant 2 : i32
      %add3A_547 = arith.addi %mul3A_545, %add3A_546 : i32
      %add3A_548 = arith.constant 2 : i32
      %add3A_549 = arith.addi %add3A_547, %add3A_548 : i32
      %ge3A_550 = arith.constant 4 : i32
      %ge3A_551 = arith.cmpi sge, %add3A_549, %ge3A_550 : i32
      %convert_element_type3A_552 = arith.extui %ge3A_551 : i1 to i32
      %cond3A_553 = arith.constant 0 : i32
      %cond3A_554 = arith.cmpi ne, %convert_element_type3A_552, %cond3A_553 : i32
      scf.if %cond3A_554 {
        %dma_wait3A_688 = arith.constant 0 : i32
        %dma_wait3A_689 = arith.constant 0 : i32
        %dma_wait3A_690 = arith.constant 0 : i32
        %dma_wait3A_691 = arith.constant 0 : i32
        %dma_wait3A_692 = tpu.memref_slice %arg7[%dma_wait3A_688, %dma_wait3A_690, %dma_wait3A_691] : memref<4x8x1024xf32, #tpu.memory_space<vmem>> -> memref<1x8x1024xf32, #tpu.memory_space<vmem>>
        %dma_wait3A_693 = tpu.memref_squeeze %dma_wait3A_692 : memref<1x8x1024xf32, #tpu.memory_space<vmem>> -> memref<8x1024xf32, #tpu.memory_space<vmem>>
        %dma_wait3A_694 = arith.constant 0 : i32
        %dma_wait3A_695 = tpu.memref_slice %arg5[%mul3A_2, %dma_wait3A_694] : memref<32768x1024xf32, #tpu.memory_space<hbm>> -> memref<8x1024xf32, #tpu.memory_space<hbm>>
        %dma_wait3A_696 = tpu.memref_slice %arg10[%dma_wait3A_689] : memref<4x!tpu.dma_semaphore, #tpu.memory_space<semaphore_mem>> -> memref<1x!tpu.dma_semaphore, #tpu.memory_space<semaphore_mem>>
        %dma_wait3A_697 = tpu.memref_squeeze %dma_wait3A_696 : memref<1x!tpu.dma_semaphore, #tpu.memory_space<semaphore_mem>> -> memref<!tpu.dma_semaphore, #tpu.memory_space<semaphore_mem>>
        %dma_wait3A_698 = arith.constant 0 : i32
        %dma_wait3A_699 = tpu.memref_slice %arg5[%mul3A_2, %dma_wait3A_698] : memref<32768x1024xf32, #tpu.memory_space<hbm>> -> memref<8x1024xf32, #tpu.memory_space<hbm>>
        %dma_wait3A_700 = arith.constant 0 : i32
        %dma_wait3A_701 = arith.constant 0 : i32
        %dma_wait3A_702 = tpu.memref_slice %arg7[%dma_wait3A_688, %dma_wait3A_700, %dma_wait3A_701] : memref<4x8x1024xf32, #tpu.memory_space<vmem>> -> memref<1x8x1024xf32, #tpu.memory_space<vmem>>
        %dma_wait3A_703 = tpu.memref_squeeze %dma_wait3A_702 : memref<1x8x1024xf32, #tpu.memory_space<vmem>> -> memref<8x1024xf32, #tpu.memory_space<vmem>>
        tpu.wait_dma2 semaphore(%dma_wait3A_697 : memref<!tpu.dma_semaphore, #tpu.memory_space<semaphore_mem>>) src(%dma_wait3A_703 : memref<8x1024xf32, #tpu.memory_space<vmem>>) dst(%dma_wait3A_699 : memref<8x1024xf32, #tpu.memory_space<hbm>>)
      } else {
      }
      %lt3A_555 = arith.constant 128 : i32
      %lt3A_556 = arith.cmpi slt, %add3A_549, %lt3A_555 : i32
      %convert_element_type3A_557 = arith.extui %lt3A_556 : i1 to i32
      %cond3A_558 = arith.constant 0 : i32
      %cond3A_559 = arith.cmpi ne, %convert_element_type3A_557, %cond3A_558 : i32
      scf.if %cond3A_559 {
        %mul3A_688 = arith.constant 8 : i32
        %mul3A_689 = arith.muli %add3A_549, %mul3A_688 : i32
        %add3A_690 = arith.addi %mul3A_2, %mul3A_689 : i32
        %mul3A_691 = arith.constant 8 : i32
        %mul3A_692 = arith.muli %add3A_549, %mul3A_691 : i32
        %dma_start3A_693 = arith.constant 0 : i32
        %dma_start3A_694 = arith.constant 0 : i32
        %dma_start3A_695 = arith.constant 0 : i32
        %dma_start3A_696 = arith.constant 0 : i32
        %dma_start3A_697 = tpu.memref_slice %arg7[%dma_start3A_693, %dma_start3A_695, %dma_start3A_696] : memref<4x8x1024xf32, #tpu.memory_space<vmem>> -> memref<1x8x1024xf32, #tpu.memory_space<vmem>>
        %dma_start3A_698 = tpu.memref_squeeze %dma_start3A_697 : memref<1x8x1024xf32, #tpu.memory_space<vmem>> -> memref<8x1024xf32, #tpu.memory_space<vmem>>
        %dma_start3A_699 = arith.constant 0 : i32
        %dma_start3A_700 = tpu.memref_slice %arg2[%add3A_690, %dma_start3A_699] : memref<32768x1024xf32, #tpu.memory_space<hbm>> -> memref<8x1024xf32, #tpu.memory_space<hbm>>
        %dma_start3A_701 = tpu.memref_slice %arg9[%dma_start3A_694] : memref<4x!tpu.dma_semaphore, #tpu.memory_space<semaphore_mem>> -> memref<1x!tpu.dma_semaphore, #tpu.memory_space<semaphore_mem>>
        %dma_start3A_702 = tpu.memref_squeeze %dma_start3A_701 : memref<1x!tpu.dma_semaphore, #tpu.memory_space<semaphore_mem>> -> memref<!tpu.dma_semaphore, #tpu.memory_space<semaphore_mem>>
        %dma_start3A_703 = arith.constant 0 : i32
        %dma_start3A_704 = arith.constant 0 : i32
        %dma_start3A_705 = tpu.memref_slice %arg7[%dma_start3A_693, %dma_start3A_703, %dma_start3A_704] : memref<4x8x1024xf32, #tpu.memory_space<vmem>> -> memref<1x8x1024xf32, #tpu.memory_space<vmem>>
        %dma_start3A_706 = tpu.memref_squeeze %dma_start3A_705 : memref<1x8x1024xf32, #tpu.memory_space<vmem>> -> memref<8x1024xf32, #tpu.memory_space<vmem>>
        %dma_start3A_707 = arith.constant 0 : i32
        %dma_start3A_708 = tpu.memref_slice %arg2[%add3A_690, %dma_start3A_707] : memref<32768x1024xf32, #tpu.memory_space<hbm>> -> memref<8x1024xf32, #tpu.memory_space<hbm>>
        tpu.enqueue_dma source(%dma_start3A_708 : memref<8x1024xf32, #tpu.memory_space<hbm>>) target(%dma_start3A_706 : memref<8x1024xf32, #tpu.memory_space<vmem>>) target_semaphore(%dma_start3A_702 : memref<!tpu.dma_semaphore, #tpu.memory_space<semaphore_mem>>)
        %dma_start3A_709 = arith.constant 0 : i32
        %dma_start3A_710 = arith.constant 0 : i32
        %dma_start3A_711 = arith.constant 0 : i32
        %dma_start3A_712 = arith.constant 0 : i32
        %dma_start3A_713 = tpu.memref_slice %arg8[%dma_start3A_709, %dma_start3A_711, %dma_start3A_712] : memref<4x8x1024xf32, #tpu.memory_space<vmem>> -> memref<1x8x1024xf32, #tpu.memory_space<vmem>>
        %dma_start3A_714 = tpu.memref_squeeze %dma_start3A_713 : memref<1x8x1024xf32, #tpu.memory_space<vmem>> -> memref<8x1024xf32, #tpu.memory_space<vmem>>
        %dma_start3A_715 = tpu.memref_slice %arg6[%mul3A_692] : memref<1024xi32, #tpu.memory_space<vmem>> -> memref<8xi32, #tpu.memory_space<vmem>>
        %dma_start3A_716 = arith.constant 0 : i32
        %dma_start3A_717 = arith.constant 0 : i32
        %dma_start3A_718 = tpu.memref_slice %arg4[%dma_start3A_716, %dma_start3A_717] : memref<8192x1024xf32, #tpu.memory_space<hbm>> -> memref<8192x1024xf32, #tpu.memory_space<hbm>>
        %dma_start3A_719 = tpu.memref_slice %arg9[%dma_start3A_710] : memref<4x!tpu.dma_semaphore, #tpu.memory_space<semaphore_mem>> -> memref<1x!tpu.dma_semaphore, #tpu.memory_space<semaphore_mem>>
        %dma_start3A_720 = tpu.memref_squeeze %dma_start3A_719 : memref<1x!tpu.dma_semaphore, #tpu.memory_space<semaphore_mem>> -> memref<!tpu.dma_semaphore, #tpu.memory_space<semaphore_mem>>
        tpu.enqueue_indirect_dma source(%dma_start3A_718 : memref<8192x1024xf32, #tpu.memory_space<hbm>>) target(%dma_start3A_714 : memref<8x1024xf32, #tpu.memory_space<vmem>>) offsets(%dma_start3A_715 : memref<8xi32, #tpu.memory_space<vmem>>) semaphore(%dma_start3A_720 : memref<!tpu.dma_semaphore, #tpu.memory_space<semaphore_mem>>)
      } else {
      }
      %mul3A_560 = arith.constant 8 : i32
      %mul3A_561 = arith.muli %add3A_547, %mul3A_560 : i32
      %add3A_562 = arith.addi %mul3A_2, %mul3A_561 : i32
      %mul3A_563 = arith.constant 8 : i32
      %mul3A_564 = arith.muli %add3A_547, %mul3A_563 : i32
      %dma_wait3A_565 = arith.constant 2 : i32
      %dma_wait3A_566 = arith.constant 2 : i32
      %dma_wait3A_567 = arith.constant 0 : i32
      %dma_wait3A_568 = arith.constant 0 : i32
      %dma_wait3A_569 = tpu.memref_slice %arg7[%dma_wait3A_565, %dma_wait3A_567, %dma_wait3A_568] : memref<4x8x1024xf32, #tpu.memory_space<vmem>> -> memref<1x8x1024xf32, #tpu.memory_space<vmem>>
      %dma_wait3A_570 = tpu.memref_squeeze %dma_wait3A_569 : memref<1x8x1024xf32, #tpu.memory_space<vmem>> -> memref<8x1024xf32, #tpu.memory_space<vmem>>
      %dma_wait3A_571 = arith.constant 0 : i32
      %dma_wait3A_572 = tpu.memref_slice %arg2[%add3A_562, %dma_wait3A_571] : memref<32768x1024xf32, #tpu.memory_space<hbm>> -> memref<8x1024xf32, #tpu.memory_space<hbm>>
      %dma_wait3A_573 = tpu.memref_slice %arg9[%dma_wait3A_566] : memref<4x!tpu.dma_semaphore, #tpu.memory_space<semaphore_mem>> -> memref<1x!tpu.dma_semaphore, #tpu.memory_space<semaphore_mem>>
      %dma_wait3A_574 = tpu.memref_squeeze %dma_wait3A_573 : memref<1x!tpu.dma_semaphore, #tpu.memory_space<semaphore_mem>> -> memref<!tpu.dma_semaphore, #tpu.memory_space<semaphore_mem>>
      %dma_wait3A_575 = arith.constant 0 : i32
      %dma_wait3A_576 = arith.constant 0 : i32
      %dma_wait3A_577 = tpu.memref_slice %arg7[%dma_wait3A_565, %dma_wait3A_575, %dma_wait3A_576] : memref<4x8x1024xf32, #tpu.memory_space<vmem>> -> memref<1x8x1024xf32, #tpu.memory_space<vmem>>
      %dma_wait3A_578 = tpu.memref_squeeze %dma_wait3A_577 : memref<1x8x1024xf32, #tpu.memory_space<vmem>> -> memref<8x1024xf32, #tpu.memory_space<vmem>>
      %dma_wait3A_579 = arith.constant 0 : i32
      %dma_wait3A_580 = tpu.memref_slice %arg2[%add3A_562, %dma_wait3A_579] : memref<32768x1024xf32, #tpu.memory_space<hbm>> -> memref<8x1024xf32, #tpu.memory_space<hbm>>
      tpu.wait_dma2 semaphore(%dma_wait3A_574 : memref<!tpu.dma_semaphore, #tpu.memory_space<semaphore_mem>>) src(%dma_wait3A_580 : memref<8x1024xf32, #tpu.memory_space<hbm>>) dst(%dma_wait3A_578 : memref<8x1024xf32, #tpu.memory_space<vmem>>)
      %dma_wait3A_581 = arith.constant 2 : i32
      %dma_wait3A_582 = arith.constant 2 : i32
      %dma_wait3A_583 = arith.constant 0 : i32
      %dma_wait3A_584 = arith.constant 0 : i32
      %dma_wait3A_585 = tpu.memref_slice %arg8[%dma_wait3A_581, %dma_wait3A_583, %dma_wait3A_584] : memref<4x8x1024xf32, #tpu.memory_space<vmem>> -> memref<1x8x1024xf32, #tpu.memory_space<vmem>>
      %dma_wait3A_586 = tpu.memref_squeeze %dma_wait3A_585 : memref<1x8x1024xf32, #tpu.memory_space<vmem>> -> memref<8x1024xf32, #tpu.memory_space<vmem>>
      %dma_wait3A_587 = tpu.memref_slice %arg6[%mul3A_564] : memref<1024xi32, #tpu.memory_space<vmem>> -> memref<8xi32, #tpu.memory_space<vmem>>
      %dma_wait3A_588 = arith.constant 0 : i32
      %dma_wait3A_589 = arith.constant 0 : i32
      %dma_wait3A_590 = tpu.memref_slice %arg4[%dma_wait3A_588, %dma_wait3A_589] : memref<8192x1024xf32, #tpu.memory_space<hbm>> -> memref<8192x1024xf32, #tpu.memory_space<hbm>>
      %dma_wait3A_591 = tpu.memref_slice %arg9[%dma_wait3A_582] : memref<4x!tpu.dma_semaphore, #tpu.memory_space<semaphore_mem>> -> memref<1x!tpu.dma_semaphore, #tpu.memory_space<semaphore_mem>>
      %dma_wait3A_592 = tpu.memref_squeeze %dma_wait3A_591 : memref<1x!tpu.dma_semaphore, #tpu.memory_space<semaphore_mem>> -> memref<!tpu.dma_semaphore, #tpu.memory_space<semaphore_mem>>
      tpu.wait_indirect_dma semaphore(%dma_wait3A_592 : memref<!tpu.dma_semaphore, #tpu.memory_space<semaphore_mem>>) src(%dma_wait3A_590 : memref<8192x1024xf32, #tpu.memory_space<hbm>>) dst(%dma_wait3A_586 : memref<8x1024xf32, #tpu.memory_space<vmem>>)
      %parallel_loop3A_593 = arith.constant 0 : i32
      %parallel_loop3A_594 = arith.constant 512 : i32
      %parallel_loop3A_595 = arith.constant 1 : i32
      %parallel_loop3A_596 = arith.constant 2 : i32
      %parallel_loop3A_597 = arith.constant 2 : i32
      scf.for %parallel_loop3A_688 = %parallel_loop3A_593 to %parallel_loop3A_594 step %parallel_loop3A_595  : i32 {
        %parallel_loop3A_689 = arith.constant 64 : i32
        %parallel_loop3A_690 = arith.divsi %parallel_loop3A_688, %parallel_loop3A_689 : i32
        %parallel_loop3A_691 = arith.constant 0 : i32
        %parallel_loop3A_692 = arith.cmpi sgt, %parallel_loop3A_688, %parallel_loop3A_691 : i32
        %parallel_loop3A_693 = arith.extui %parallel_loop3A_692 : i1 to i32
        %parallel_loop3A_694 = arith.constant 0 : i32
        %parallel_loop3A_695 = arith.cmpi slt, %parallel_loop3A_688, %parallel_loop3A_694 : i32
        %parallel_loop3A_696 = arith.extui %parallel_loop3A_695 : i1 to i32
        %parallel_loop3A_697 = arith.subi %parallel_loop3A_693, %parallel_loop3A_696 : i32
        %parallel_loop3A_698 = arith.constant 0 : i32
        %parallel_loop3A_699 = arith.cmpi sgt, %parallel_loop3A_689, %parallel_loop3A_698 : i32
        %parallel_loop3A_700 = arith.extui %parallel_loop3A_699 : i1 to i32
        %parallel_loop3A_701 = arith.constant 0 : i32
        %parallel_loop3A_702 = arith.cmpi slt, %parallel_loop3A_689, %parallel_loop3A_701 : i32
        %parallel_loop3A_703 = arith.extui %parallel_loop3A_702 : i1 to i32
        %parallel_loop3A_704 = arith.subi %parallel_loop3A_700, %parallel_loop3A_703 : i32
        %parallel_loop3A_705 = arith.cmpi ne, %parallel_loop3A_697, %parallel_loop3A_704 : i32
        %parallel_loop3A_706 = arith.remsi %parallel_loop3A_688, %parallel_loop3A_689 : i32
        %parallel_loop3A_707 = arith.constant 0 : i32
        %parallel_loop3A_708 = arith.cmpi ne, %parallel_loop3A_706, %parallel_loop3A_707 : i32
        %parallel_loop3A_709 = arith.andi %parallel_loop3A_705, %parallel_loop3A_708 : i1
        %parallel_loop3A_710 = arith.constant 1 : i32
        %parallel_loop3A_711 = arith.subi %parallel_loop3A_690, %parallel_loop3A_710 : i32
        %parallel_loop3A_712 = arith.select %parallel_loop3A_709, %parallel_loop3A_711, %parallel_loop3A_690 : i32
        %parallel_loop3A_713 = arith.constant 64 : i32
        %parallel_loop3A_714 = arith.constant 0 : i32
        %parallel_loop3A_715 = arith.cmpi eq, %parallel_loop3A_713, %parallel_loop3A_714 : i32
        %parallel_loop3A_716 = arith.constant 1 : i32
        %parallel_loop3A_717 = arith.select %parallel_loop3A_715, %parallel_loop3A_716, %parallel_loop3A_713 : i32
        %parallel_loop3A_718 = arith.remsi %parallel_loop3A_688, %parallel_loop3A_717 : i32
        %parallel_loop3A_719 = arith.constant 0 : i32
        %parallel_loop3A_720 = arith.cmpi ne, %parallel_loop3A_718, %parallel_loop3A_719 : i32
        %parallel_loop3A_721 = arith.constant 0 : i32
        %parallel_loop3A_722 = arith.cmpi slt, %parallel_loop3A_718, %parallel_loop3A_721 : i32
        %parallel_loop3A_723 = arith.constant 0 : i32
        %parallel_loop3A_724 = arith.cmpi slt, %parallel_loop3A_717, %parallel_loop3A_723 : i32
        %parallel_loop3A_725 = arith.xori %parallel_loop3A_722, %parallel_loop3A_724 : i1
        %parallel_loop3A_726 = arith.andi %parallel_loop3A_725, %parallel_loop3A_720 : i1
        %parallel_loop3A_727 = arith.addi %parallel_loop3A_718, %parallel_loop3A_717 : i32
        %parallel_loop3A_728 = arith.select %parallel_loop3A_726, %parallel_loop3A_727, %parallel_loop3A_718 : i32
        %parallel_loop3A_729 = arith.constant 16 : i32
        %parallel_loop3A_730 = arith.muli %parallel_loop3A_728, %parallel_loop3A_729 : i32
        %parallel_loop3A_731 = arith.constant 0 : i32
        %parallel_loop3A_732 = arith.constant 0 : i32
        %parallel_loop3A_733 = tpu.memref_slice %arg7[%parallel_loop3A_596, %parallel_loop3A_731, %parallel_loop3A_732] : memref<4x8x1024xf32, #tpu.memory_space<vmem>> -> memref<1x8x1024xf32, #tpu.memory_space<vmem>>
        %parallel_loop3A_734 = tpu.memref_squeeze %parallel_loop3A_733 : memref<1x8x1024xf32, #tpu.memory_space<vmem>> -> memref<8x1024xf32, #tpu.memory_space<vmem>>
        %parallel_loop3A_735 = arith.index_cast %parallel_loop3A_712 : i32 to index
        %parallel_loop3A_736 = arith.index_cast %parallel_loop3A_730 : i32 to index
        %parallel_loop3A_737 = tpu.vector_load %parallel_loop3A_734[%parallel_loop3A_735, %parallel_loop3A_736] {strides = array<i32>} : memref<8x1024xf32, #tpu.memory_space<vmem>>, vector<1x16xf32>,
        %parallel_loop3A_738 = vector.shape_cast %parallel_loop3A_737 : vector<1x16xf32> to vector<16xf32>
        %parallel_loop3A_739 = arith.constant 0 : i32
        %parallel_loop3A_740 = arith.constant 0 : i32
        %parallel_loop3A_741 = tpu.memref_slice %arg8[%parallel_loop3A_597, %parallel_loop3A_739, %parallel_loop3A_740] : memref<4x8x1024xf32, #tpu.memory_space<vmem>> -> memref<1x8x1024xf32, #tpu.memory_space<vmem>>
        %parallel_loop3A_742 = tpu.memref_squeeze %parallel_loop3A_741 : memref<1x8x1024xf32, #tpu.memory_space<vmem>> -> memref<8x1024xf32, #tpu.memory_space<vmem>>
        %parallel_loop3A_743 = arith.index_cast %parallel_loop3A_712 : i32 to index
        %parallel_loop3A_744 = arith.index_cast %parallel_loop3A_730 : i32 to index
        %parallel_loop3A_745 = tpu.vector_load %parallel_loop3A_742[%parallel_loop3A_743, %parallel_loop3A_744] {strides = array<i32>} : memref<8x1024xf32, #tpu.memory_space<vmem>>, vector<1x16xf32>,
        %parallel_loop3A_746 = vector.shape_cast %parallel_loop3A_745 : vector<1x16xf32> to vector<16xf32>
        %parallel_loop3A_747 = arith.addf %parallel_loop3A_738, %parallel_loop3A_746 : vector<16xf32>
        %parallel_loop3A_748 = arith.constant 0 : i32
        %parallel_loop3A_749 = arith.constant 0 : i32
        %parallel_loop3A_750 = tpu.memref_slice %arg7[%parallel_loop3A_596, %parallel_loop3A_748, %parallel_loop3A_749] : memref<4x8x1024xf32, #tpu.memory_space<vmem>> -> memref<1x8x1024xf32, #tpu.memory_space<vmem>>
        %parallel_loop3A_751 = tpu.memref_squeeze %parallel_loop3A_750 : memref<1x8x1024xf32, #tpu.memory_space<vmem>> -> memref<8x1024xf32, #tpu.memory_space<vmem>>
        %parallel_loop3A_752 = arith.index_cast %parallel_loop3A_712 : i32 to index
        %parallel_loop3A_753 = arith.index_cast %parallel_loop3A_730 : i32 to index
        %parallel_loop3A_754 = tpu.vector_load %parallel_loop3A_751[%parallel_loop3A_752, %parallel_loop3A_753] {strides = array<i32>} : memref<8x1024xf32, #tpu.memory_space<vmem>>, vector<1x16xf32>,
        %parallel_loop3A_755 = vector.shape_cast %parallel_loop3A_754 : vector<1x16xf32> to vector<16xf32>
        %parallel_loop3A_756 = vector.shape_cast %parallel_loop3A_747 : vector<16xf32> to vector<1x16xf32>
        tpu.vector_store %parallel_loop3A_751[%parallel_loop3A_752, %parallel_loop3A_753], %parallel_loop3A_756 {strides = array<i32>} : memref<8x1024xf32, #tpu.memory_space<vmem>>, vector<1x16xf32>,
      } {sc.loop_unroll_factor = 8 : i64, sc.parallel_access}
      %dma_start3A_598 = arith.constant 2 : i32
      %dma_start3A_599 = arith.constant 2 : i32
      %dma_start3A_600 = arith.constant 0 : i32
      %dma_start3A_601 = arith.constant 0 : i32
      %dma_start3A_602 = tpu.memref_slice %arg7[%dma_start3A_598, %dma_start3A_600, %dma_start3A_601] : memref<4x8x1024xf32, #tpu.memory_space<vmem>> -> memref<1x8x1024xf32, #tpu.memory_space<vmem>>
      %dma_start3A_603 = tpu.memref_squeeze %dma_start3A_602 : memref<1x8x1024xf32, #tpu.memory_space<vmem>> -> memref<8x1024xf32, #tpu.memory_space<vmem>>
      %dma_start3A_604 = arith.constant 0 : i32
      %dma_start3A_605 = tpu.memref_slice %arg5[%add3A_562, %dma_start3A_604] : memref<32768x1024xf32, #tpu.memory_space<hbm>> -> memref<8x1024xf32, #tpu.memory_space<hbm>>
      %dma_start3A_606 = tpu.memref_slice %arg10[%dma_start3A_599] : memref<4x!tpu.dma_semaphore, #tpu.memory_space<semaphore_mem>> -> memref<1x!tpu.dma_semaphore, #tpu.memory_space<semaphore_mem>>
      %dma_start3A_607 = tpu.memref_squeeze %dma_start3A_606 : memref<1x!tpu.dma_semaphore, #tpu.memory_space<semaphore_mem>> -> memref<!tpu.dma_semaphore, #tpu.memory_space<semaphore_mem>>
      %dma_start3A_608 = arith.constant 0 : i32
      %dma_start3A_609 = tpu.memref_slice %arg5[%add3A_562, %dma_start3A_608] : memref<32768x1024xf32, #tpu.memory_space<hbm>> -> memref<8x1024xf32, #tpu.memory_space<hbm>>
      %dma_start3A_610 = arith.constant 0 : i32
      %dma_start3A_611 = arith.constant 0 : i32
      %dma_start3A_612 = tpu.memref_slice %arg7[%dma_start3A_598, %dma_start3A_610, %dma_start3A_611] : memref<4x8x1024xf32, #tpu.memory_space<vmem>> -> memref<1x8x1024xf32, #tpu.memory_space<vmem>>
      %dma_start3A_613 = tpu.memref_squeeze %dma_start3A_612 : memref<1x8x1024xf32, #tpu.memory_space<vmem>> -> memref<8x1024xf32, #tpu.memory_space<vmem>>
      tpu.enqueue_dma source(%dma_start3A_613 : memref<8x1024xf32, #tpu.memory_space<vmem>>) target(%dma_start3A_609 : memref<8x1024xf32, #tpu.memory_space<hbm>>) target_semaphore(%dma_start3A_607 : memref<!tpu.dma_semaphore, #tpu.memory_space<semaphore_mem>>)
      %mul3A_614 = arith.constant 2 : i32
      %mul3A_615 = arith.muli %scan3A_100, %mul3A_614 : i32
      %add3A_616 = arith.constant 1 : i32
      %add3A_617 = arith.addi %mul3A_615, %add3A_616 : i32
      %mul3A_618 = arith.constant 4 : i32
      %mul3A_619 = arith.muli %add3A_617, %mul3A_618 : i32
      %add3A_620 = arith.constant 3 : i32
      %add3A_621 = arith.addi %mul3A_619, %add3A_620 : i32
      %add3A_622 = arith.constant 2 : i32
      %add3A_623 = arith.addi %add3A_621, %add3A_622 : i32
      %ge3A_624 = arith.constant 4 : i32
      %ge3A_625 = arith.cmpi sge, %add3A_623, %ge3A_624 : i32
      %convert_element_type3A_626 = arith.extui %ge3A_625 : i1 to i32
      %cond3A_627 = arith.constant 0 : i32
      %cond3A_628 = arith.cmpi ne, %convert_element_type3A_626, %cond3A_627 : i32
      scf.if %cond3A_628 {
        %dma_wait3A_688 = arith.constant 1 : i32
        %dma_wait3A_689 = arith.constant 1 : i32
        %dma_wait3A_690 = arith.constant 0 : i32
        %dma_wait3A_691 = arith.constant 0 : i32
        %dma_wait3A_692 = tpu.memref_slice %arg7[%dma_wait3A_688, %dma_wait3A_690, %dma_wait3A_691] : memref<4x8x1024xf32, #tpu.memory_space<vmem>> -> memref<1x8x1024xf32, #tpu.memory_space<vmem>>
        %dma_wait3A_693 = tpu.memref_squeeze %dma_wait3A_692 : memref<1x8x1024xf32, #tpu.memory_space<vmem>> -> memref<8x1024xf32, #tpu.memory_space<vmem>>
        %dma_wait3A_694 = arith.constant 0 : i32
        %dma_wait3A_695 = tpu.memref_slice %arg5[%mul3A_2, %dma_wait3A_694] : memref<32768x1024xf32, #tpu.memory_space<hbm>> -> memref<8x1024xf32, #tpu.memory_space<hbm>>
        %dma_wait3A_696 = tpu.memref_slice %arg10[%dma_wait3A_689] : memref<4x!tpu.dma_semaphore, #tpu.memory_space<semaphore_mem>> -> memref<1x!tpu.dma_semaphore, #tpu.memory_space<semaphore_mem>>
        %dma_wait3A_697 = tpu.memref_squeeze %dma_wait3A_696 : memref<1x!tpu.dma_semaphore, #tpu.memory_space<semaphore_mem>> -> memref<!tpu.dma_semaphore, #tpu.memory_space<semaphore_mem>>
        %dma_wait3A_698 = arith.constant 0 : i32
        %dma_wait3A_699 = tpu.memref_slice %arg5[%mul3A_2, %dma_wait3A_698] : memref<32768x1024xf32, #tpu.memory_space<hbm>> -> memref<8x1024xf32, #tpu.memory_space<hbm>>
        %dma_wait3A_700 = arith.constant 0 : i32
        %dma_wait3A_701 = arith.constant 0 : i32
        %dma_wait3A_702 = tpu.memref_slice %arg7[%dma_wait3A_688, %dma_wait3A_700, %dma_wait3A_701] : memref<4x8x1024xf32, #tpu.memory_space<vmem>> -> memref<1x8x1024xf32, #tpu.memory_space<vmem>>
        %dma_wait3A_703 = tpu.memref_squeeze %dma_wait3A_702 : memref<1x8x1024xf32, #tpu.memory_space<vmem>> -> memref<8x1024xf32, #tpu.memory_space<vmem>>
        tpu.wait_dma2 semaphore(%dma_wait3A_697 : memref<!tpu.dma_semaphore, #tpu.memory_space<semaphore_mem>>) src(%dma_wait3A_703 : memref<8x1024xf32, #tpu.memory_space<vmem>>) dst(%dma_wait3A_699 : memref<8x1024xf32, #tpu.memory_space<hbm>>)
      } else {
      }
      %lt3A_629 = arith.constant 128 : i32
      %lt3A_630 = arith.cmpi slt, %add3A_623, %lt3A_629 : i32
      %convert_element_type3A_631 = arith.extui %lt3A_630 : i1 to i32
      %cond3A_632 = arith.constant 0 : i32
      %cond3A_633 = arith.cmpi ne, %convert_element_type3A_631, %cond3A_632 : i32
      scf.if %cond3A_633 {
        %mul3A_688 = arith.constant 8 : i32
        %mul3A_689 = arith.muli %add3A_623, %mul3A_688 : i32
        %add3A_690 = arith.addi %mul3A_2, %mul3A_689 : i32
        %mul3A_691 = arith.constant 8 : i32
        %mul3A_692 = arith.muli %add3A_623, %mul3A_691 : i32
        %dma_start3A_693 = arith.constant 1 : i32
        %dma_start3A_694 = arith.constant 1 : i32
        %dma_start3A_695 = arith.constant 0 : i32
        %dma_start3A_696 = arith.constant 0 : i32
        %dma_start3A_697 = tpu.memref_slice %arg7[%dma_start3A_693, %dma_start3A_695, %dma_start3A_696] : memref<4x8x1024xf32, #tpu.memory_space<vmem>> -> memref<1x8x1024xf32, #tpu.memory_space<vmem>>
        %dma_start3A_698 = tpu.memref_squeeze %dma_start3A_697 : memref<1x8x1024xf32, #tpu.memory_space<vmem>> -> memref<8x1024xf32, #tpu.memory_space<vmem>>
        %dma_start3A_699 = arith.constant 0 : i32
        %dma_start3A_700 = tpu.memref_slice %arg2[%add3A_690, %dma_start3A_699] : memref<32768x1024xf32, #tpu.memory_space<hbm>> -> memref<8x1024xf32, #tpu.memory_space<hbm>>
        %dma_start3A_701 = tpu.memref_slice %arg9[%dma_start3A_694] : memref<4x!tpu.dma_semaphore, #tpu.memory_space<semaphore_mem>> -> memref<1x!tpu.dma_semaphore, #tpu.memory_space<semaphore_mem>>
        %dma_start3A_702 = tpu.memref_squeeze %dma_start3A_701 : memref<1x!tpu.dma_semaphore, #tpu.memory_space<semaphore_mem>> -> memref<!tpu.dma_semaphore, #tpu.memory_space<semaphore_mem>>
        %dma_start3A_703 = arith.constant 0 : i32
        %dma_start3A_704 = arith.constant 0 : i32
        %dma_start3A_705 = tpu.memref_slice %arg7[%dma_start3A_693, %dma_start3A_703, %dma_start3A_704] : memref<4x8x1024xf32, #tpu.memory_space<vmem>> -> memref<1x8x1024xf32, #tpu.memory_space<vmem>>
        %dma_start3A_706 = tpu.memref_squeeze %dma_start3A_705 : memref<1x8x1024xf32, #tpu.memory_space<vmem>> -> memref<8x1024xf32, #tpu.memory_space<vmem>>
        %dma_start3A_707 = arith.constant 0 : i32
        %dma_start3A_708 = tpu.memref_slice %arg2[%add3A_690, %dma_start3A_707] : memref<32768x1024xf32, #tpu.memory_space<hbm>> -> memref<8x1024xf32, #tpu.memory_space<hbm>>
        tpu.enqueue_dma source(%dma_start3A_708 : memref<8x1024xf32, #tpu.memory_space<hbm>>) target(%dma_start3A_706 : memref<8x1024xf32, #tpu.memory_space<vmem>>) target_semaphore(%dma_start3A_702 : memref<!tpu.dma_semaphore, #tpu.memory_space<semaphore_mem>>)
        %dma_start3A_709 = arith.constant 1 : i32
        %dma_start3A_710 = arith.constant 1 : i32
        %dma_start3A_711 = arith.constant 0 : i32
        %dma_start3A_712 = arith.constant 0 : i32
        %dma_start3A_713 = tpu.memref_slice %arg8[%dma_start3A_709, %dma_start3A_711, %dma_start3A_712] : memref<4x8x1024xf32, #tpu.memory_space<vmem>> -> memref<1x8x1024xf32, #tpu.memory_space<vmem>>
        %dma_start3A_714 = tpu.memref_squeeze %dma_start3A_713 : memref<1x8x1024xf32, #tpu.memory_space<vmem>> -> memref<8x1024xf32, #tpu.memory_space<vmem>>
        %dma_start3A_715 = tpu.memref_slice %arg6[%mul3A_692] : memref<1024xi32, #tpu.memory_space<vmem>> -> memref<8xi32, #tpu.memory_space<vmem>>
        %dma_start3A_716 = arith.constant 0 : i32
        %dma_start3A_717 = arith.constant 0 : i32
        %dma_start3A_718 = tpu.memref_slice %arg4[%dma_start3A_716, %dma_start3A_717] : memref<8192x1024xf32, #tpu.memory_space<hbm>> -> memref<8192x1024xf32, #tpu.memory_space<hbm>>
        %dma_start3A_719 = tpu.memref_slice %arg9[%dma_start3A_710] : memref<4x!tpu.dma_semaphore, #tpu.memory_space<semaphore_mem>> -> memref<1x!tpu.dma_semaphore, #tpu.memory_space<semaphore_mem>>
        %dma_start3A_720 = tpu.memref_squeeze %dma_start3A_719 : memref<1x!tpu.dma_semaphore, #tpu.memory_space<semaphore_mem>> -> memref<!tpu.dma_semaphore, #tpu.memory_space<semaphore_mem>>
        tpu.enqueue_indirect_dma source(%dma_start3A_718 : memref<8192x1024xf32, #tpu.memory_space<hbm>>) target(%dma_start3A_714 : memref<8x1024xf32, #tpu.memory_space<vmem>>) offsets(%dma_start3A_715 : memref<8xi32, #tpu.memory_space<vmem>>) semaphore(%dma_start3A_720 : memref<!tpu.dma_semaphore, #tpu.memory_space<semaphore_mem>>)
      } else {
      }
      %mul3A_634 = arith.constant 8 : i32
      %mul3A_635 = arith.muli %add3A_621, %mul3A_634 : i32
      %add3A_636 = arith.addi %mul3A_2, %mul3A_635 : i32
      %mul3A_637 = arith.constant 8 : i32
      %mul3A_638 = arith.muli %add3A_621, %mul3A_637 : i32
      %dma_wait3A_639 = arith.constant 3 : i32
      %dma_wait3A_640 = arith.constant 3 : i32
      %dma_wait3A_641 = arith.constant 0 : i32
      %dma_wait3A_642 = arith.constant 0 : i32
      %dma_wait3A_643 = tpu.memref_slice %arg7[%dma_wait3A_639, %dma_wait3A_641, %dma_wait3A_642] : memref<4x8x1024xf32, #tpu.memory_space<vmem>> -> memref<1x8x1024xf32, #tpu.memory_space<vmem>>
      %dma_wait3A_644 = tpu.memref_squeeze %dma_wait3A_643 : memref<1x8x1024xf32, #tpu.memory_space<vmem>> -> memref<8x1024xf32, #tpu.memory_space<vmem>>
      %dma_wait3A_645 = arith.constant 0 : i32
      %dma_wait3A_646 = tpu.memref_slice %arg2[%add3A_636, %dma_wait3A_645] : memref<32768x1024xf32, #tpu.memory_space<hbm>> -> memref<8x1024xf32, #tpu.memory_space<hbm>>
      %dma_wait3A_647 = tpu.memref_slice %arg9[%dma_wait3A_640] : memref<4x!tpu.dma_semaphore, #tpu.memory_space<semaphore_mem>> -> memref<1x!tpu.dma_semaphore, #tpu.memory_space<semaphore_mem>>
      %dma_wait3A_648 = tpu.memref_squeeze %dma_wait3A_647 : memref<1x!tpu.dma_semaphore, #tpu.memory_space<semaphore_mem>> -> memref<!tpu.dma_semaphore, #tpu.memory_space<semaphore_mem>>
      %dma_wait3A_649 = arith.constant 0 : i32
      %dma_wait3A_650 = arith.constant 0 : i32
      %dma_wait3A_651 = tpu.memref_slice %arg7[%dma_wait3A_639, %dma_wait3A_649, %dma_wait3A_650] : memref<4x8x1024xf32, #tpu.memory_space<vmem>> -> memref<1x8x1024xf32, #tpu.memory_space<vmem>>
      %dma_wait3A_652 = tpu.memref_squeeze %dma_wait3A_651 : memref<1x8x1024xf32, #tpu.memory_space<vmem>> -> memref<8x1024xf32, #tpu.memory_space<vmem>>
      %dma_wait3A_653 = arith.constant 0 : i32
      %dma_wait3A_654 = tpu.memref_slice %arg2[%add3A_636, %dma_wait3A_653] : memref<32768x1024xf32, #tpu.memory_space<hbm>> -> memref<8x1024xf32, #tpu.memory_space<hbm>>
      tpu.wait_dma2 semaphore(%dma_wait3A_648 : memref<!tpu.dma_semaphore, #tpu.memory_space<semaphore_mem>>) src(%dma_wait3A_654 : memref<8x1024xf32, #tpu.memory_space<hbm>>) dst(%dma_wait3A_652 : memref<8x1024xf32, #tpu.memory_space<vmem>>)
      %dma_wait3A_655 = arith.constant 3 : i32
      %dma_wait3A_656 = arith.constant 3 : i32
      %dma_wait3A_657 = arith.constant 0 : i32
      %dma_wait3A_658 = arith.constant 0 : i32
      %dma_wait3A_659 = tpu.memref_slice %arg8[%dma_wait3A_655, %dma_wait3A_657, %dma_wait3A_658] : memref<4x8x1024xf32, #tpu.memory_space<vmem>> -> memref<1x8x1024xf32, #tpu.memory_space<vmem>>
      %dma_wait3A_660 = tpu.memref_squeeze %dma_wait3A_659 : memref<1x8x1024xf32, #tpu.memory_space<vmem>> -> memref<8x1024xf32, #tpu.memory_space<vmem>>
      %dma_wait3A_661 = tpu.memref_slice %arg6[%mul3A_638] : memref<1024xi32, #tpu.memory_space<vmem>> -> memref<8xi32, #tpu.memory_space<vmem>>
      %dma_wait3A_662 = arith.constant 0 : i32
      %dma_wait3A_663 = arith.constant 0 : i32
      %dma_wait3A_664 = tpu.memref_slice %arg4[%dma_wait3A_662, %dma_wait3A_663] : memref<8192x1024xf32, #tpu.memory_space<hbm>> -> memref<8192x1024xf32, #tpu.memory_space<hbm>>
      %dma_wait3A_665 = tpu.memref_slice %arg9[%dma_wait3A_656] : memref<4x!tpu.dma_semaphore, #tpu.memory_space<semaphore_mem>> -> memref<1x!tpu.dma_semaphore, #tpu.memory_space<semaphore_mem>>
      %dma_wait3A_666 = tpu.memref_squeeze %dma_wait3A_665 : memref<1x!tpu.dma_semaphore, #tpu.memory_space<semaphore_mem>> -> memref<!tpu.dma_semaphore, #tpu.memory_space<semaphore_mem>>
      tpu.wait_indirect_dma semaphore(%dma_wait3A_666 : memref<!tpu.dma_semaphore, #tpu.memory_space<semaphore_mem>>) src(%dma_wait3A_664 : memref<8192x1024xf32, #tpu.memory_space<hbm>>) dst(%dma_wait3A_660 : memref<8x1024xf32, #tpu.memory_space<vmem>>)
      %parallel_loop3A_667 = arith.constant 0 : i32
      %parallel_loop3A_668 = arith.constant 512 : i32
      %parallel_loop3A_669 = arith.constant 1 : i32
      %parallel_loop3A_670 = arith.constant 3 : i32
      %parallel_loop3A_671 = arith.constant 3 : i32
      scf.for %parallel_loop3A_688 = %parallel_loop3A_667 to %parallel_loop3A_668 step %parallel_loop3A_669  : i32 {
        %parallel_loop3A_689 = arith.constant 64 : i32
        %parallel_loop3A_690 = arith.divsi %parallel_loop3A_688, %parallel_loop3A_689 : i32
        %parallel_loop3A_691 = arith.constant 0 : i32
        %parallel_loop3A_692 = arith.cmpi sgt, %parallel_loop3A_688, %parallel_loop3A_691 : i32
        %parallel_loop3A_693 = arith.extui %parallel_loop3A_692 : i1 to i32
        %parallel_loop3A_694 = arith.constant 0 : i32
        %parallel_loop3A_695 = arith.cmpi slt, %parallel_loop3A_688, %parallel_loop3A_694 : i32
        %parallel_loop3A_696 = arith.extui %parallel_loop3A_695 : i1 to i32
        %parallel_loop3A_697 = arith.subi %parallel_loop3A_693, %parallel_loop3A_696 : i32
        %parallel_loop3A_698 = arith.constant 0 : i32
        %parallel_loop3A_699 = arith.cmpi sgt, %parallel_loop3A_689, %parallel_loop3A_698 : i32
        %parallel_loop3A_700 = arith.extui %parallel_loop3A_699 : i1 to i32
        %parallel_loop3A_701 = arith.constant 0 : i32
        %parallel_loop3A_702 = arith.cmpi slt, %parallel_loop3A_689, %parallel_loop3A_701 : i32
        %parallel_loop3A_703 = arith.extui %parallel_loop3A_702 : i1 to i32
        %parallel_loop3A_704 = arith.subi %parallel_loop3A_700, %parallel_loop3A_703 : i32
        %parallel_loop3A_705 = arith.cmpi ne, %parallel_loop3A_697, %parallel_loop3A_704 : i32
        %parallel_loop3A_706 = arith.remsi %parallel_loop3A_688, %parallel_loop3A_689 : i32
        %parallel_loop3A_707 = arith.constant 0 : i32
        %parallel_loop3A_708 = arith.cmpi ne, %parallel_loop3A_706, %parallel_loop3A_707 : i32
        %parallel_loop3A_709 = arith.andi %parallel_loop3A_705, %parallel_loop3A_708 : i1
        %parallel_loop3A_710 = arith.constant 1 : i32
        %parallel_loop3A_711 = arith.subi %parallel_loop3A_690, %parallel_loop3A_710 : i32
        %parallel_loop3A_712 = arith.select %parallel_loop3A_709, %parallel_loop3A_711, %parallel_loop3A_690 : i32
        %parallel_loop3A_713 = arith.constant 64 : i32
        %parallel_loop3A_714 = arith.constant 0 : i32
        %parallel_loop3A_715 = arith.cmpi eq, %parallel_loop3A_713, %parallel_loop3A_714 : i32
        %parallel_loop3A_716 = arith.constant 1 : i32
        %parallel_loop3A_717 = arith.select %parallel_loop3A_715, %parallel_loop3A_716, %parallel_loop3A_713 : i32
        %parallel_loop3A_718 = arith.remsi %parallel_loop3A_688, %parallel_loop3A_717 : i32
        %parallel_loop3A_719 = arith.constant 0 : i32
        %parallel_loop3A_720 = arith.cmpi ne, %parallel_loop3A_718, %parallel_loop3A_719 : i32
        %parallel_loop3A_721 = arith.constant 0 : i32
        %parallel_loop3A_722 = arith.cmpi slt, %parallel_loop3A_718, %parallel_loop3A_721 : i32
        %parallel_loop3A_723 = arith.constant 0 : i32
        %parallel_loop3A_724 = arith.cmpi slt, %parallel_loop3A_717, %parallel_loop3A_723 : i32
        %parallel_loop3A_725 = arith.xori %parallel_loop3A_722, %parallel_loop3A_724 : i1
        %parallel_loop3A_726 = arith.andi %parallel_loop3A_725, %parallel_loop3A_720 : i1
        %parallel_loop3A_727 = arith.addi %parallel_loop3A_718, %parallel_loop3A_717 : i32
        %parallel_loop3A_728 = arith.select %parallel_loop3A_726, %parallel_loop3A_727, %parallel_loop3A_718 : i32
        %parallel_loop3A_729 = arith.constant 16 : i32
        %parallel_loop3A_730 = arith.muli %parallel_loop3A_728, %parallel_loop3A_729 : i32
        %parallel_loop3A_731 = arith.constant 0 : i32
        %parallel_loop3A_732 = arith.constant 0 : i32
        %parallel_loop3A_733 = tpu.memref_slice %arg7[%parallel_loop3A_670, %parallel_loop3A_731, %parallel_loop3A_732] : memref<4x8x1024xf32, #tpu.memory_space<vmem>> -> memref<1x8x1024xf32, #tpu.memory_space<vmem>>
        %parallel_loop3A_734 = tpu.memref_squeeze %parallel_loop3A_733 : memref<1x8x1024xf32, #tpu.memory_space<vmem>> -> memref<8x1024xf32, #tpu.memory_space<vmem>>
        %parallel_loop3A_735 = arith.index_cast %parallel_loop3A_712 : i32 to index
        %parallel_loop3A_736 = arith.index_cast %parallel_loop3A_730 : i32 to index
        %parallel_loop3A_737 = tpu.vector_load %parallel_loop3A_734[%parallel_loop3A_735, %parallel_loop3A_736] {strides = array<i32>} : memref<8x1024xf32, #tpu.memory_space<vmem>>, vector<1x16xf32>,
        %parallel_loop3A_738 = vector.shape_cast %parallel_loop3A_737 : vector<1x16xf32> to vector<16xf32>
        %parallel_loop3A_739 = arith.constant 0 : i32
        %parallel_loop3A_740 = arith.constant 0 : i32
        %parallel_loop3A_741 = tpu.memref_slice %arg8[%parallel_loop3A_671, %parallel_loop3A_739, %parallel_loop3A_740] : memref<4x8x1024xf32, #tpu.memory_space<vmem>> -> memref<1x8x1024xf32, #tpu.memory_space<vmem>>
        %parallel_loop3A_742 = tpu.memref_squeeze %parallel_loop3A_741 : memref<1x8x1024xf32, #tpu.memory_space<vmem>> -> memref<8x1024xf32, #tpu.memory_space<vmem>>
        %parallel_loop3A_743 = arith.index_cast %parallel_loop3A_712 : i32 to index
        %parallel_loop3A_744 = arith.index_cast %parallel_loop3A_730 : i32 to index
        %parallel_loop3A_745 = tpu.vector_load %parallel_loop3A_742[%parallel_loop3A_743, %parallel_loop3A_744] {strides = array<i32>} : memref<8x1024xf32, #tpu.memory_space<vmem>>, vector<1x16xf32>,
        %parallel_loop3A_746 = vector.shape_cast %parallel_loop3A_745 : vector<1x16xf32> to vector<16xf32>
        %parallel_loop3A_747 = arith.addf %parallel_loop3A_738, %parallel_loop3A_746 : vector<16xf32>
        %parallel_loop3A_748 = arith.constant 0 : i32
        %parallel_loop3A_749 = arith.constant 0 : i32
        %parallel_loop3A_750 = tpu.memref_slice %arg7[%parallel_loop3A_670, %parallel_loop3A_748, %parallel_loop3A_749] : memref<4x8x1024xf32, #tpu.memory_space<vmem>> -> memref<1x8x1024xf32, #tpu.memory_space<vmem>>
        %parallel_loop3A_751 = tpu.memref_squeeze %parallel_loop3A_750 : memref<1x8x1024xf32, #tpu.memory_space<vmem>> -> memref<8x1024xf32, #tpu.memory_space<vmem>>
        %parallel_loop3A_752 = arith.index_cast %parallel_loop3A_712 : i32 to index
        %parallel_loop3A_753 = arith.index_cast %parallel_loop3A_730 : i32 to index
        %parallel_loop3A_754 = tpu.vector_load %parallel_loop3A_751[%parallel_loop3A_752, %parallel_loop3A_753] {strides = array<i32>} : memref<8x1024xf32, #tpu.memory_space<vmem>>, vector<1x16xf32>,
        %parallel_loop3A_755 = vector.shape_cast %parallel_loop3A_754 : vector<1x16xf32> to vector<16xf32>
        %parallel_loop3A_756 = vector.shape_cast %parallel_loop3A_747 : vector<16xf32> to vector<1x16xf32>
        tpu.vector_store %parallel_loop3A_751[%parallel_loop3A_752, %parallel_loop3A_753], %parallel_loop3A_756 {strides = array<i32>} : memref<8x1024xf32, #tpu.memory_space<vmem>>, vector<1x16xf32>,
      } {sc.loop_unroll_factor = 8 : i64, sc.parallel_access}
      %dma_start3A_672 = arith.constant 3 : i32
      %dma_start3A_673 = arith.constant 3 : i32
      %dma_start3A_674 = arith.constant 0 : i32
      %dma_start3A_675 = arith.constant 0 : i32
      %dma_start3A_676 = tpu.memref_slice %arg7[%dma_start3A_672, %dma_start3A_674, %dma_start3A_675] : memref<4x8x1024xf32, #tpu.memory_space<vmem>> -> memref<1x8x1024xf32, #tpu.memory_space<vmem>>
      %dma_start3A_677 = tpu.memref_squeeze %dma_start3A_676 : memref<1x8x1024xf32, #tpu.memory_space<vmem>> -> memref<8x1024xf32, #tpu.memory_space<vmem>>
      %dma_start3A_678 = arith.constant 0 : i32
      %dma_start3A_679 = tpu.memref_slice %arg5[%add3A_636, %dma_start3A_678] : memref<32768x1024xf32, #tpu.memory_space<hbm>> -> memref<8x1024xf32, #tpu.memory_space<hbm>>
      %dma_start3A_680 = tpu.memref_slice %arg10[%dma_start3A_673] : memref<4x!tpu.dma_semaphore, #tpu.memory_space<semaphore_mem>> -> memref<1x!tpu.dma_semaphore, #tpu.memory_space<semaphore_mem>>
      %dma_start3A_681 = tpu.memref_squeeze %dma_start3A_680 : memref<1x!tpu.dma_semaphore, #tpu.memory_space<semaphore_mem>> -> memref<!tpu.dma_semaphore, #tpu.memory_space<semaphore_mem>>
      %dma_start3A_682 = arith.constant 0 : i32
      %dma_start3A_683 = tpu.memref_slice %arg5[%add3A_636, %dma_start3A_682] : memref<32768x1024xf32, #tpu.memory_space<hbm>> -> memref<8x1024xf32, #tpu.memory_space<hbm>>
      %dma_start3A_684 = arith.constant 0 : i32
      %dma_start3A_685 = arith.constant 0 : i32
      %dma_start3A_686 = tpu.memref_slice %arg7[%dma_start3A_672, %dma_start3A_684, %dma_start3A_685] : memref<4x8x1024xf32, #tpu.memory_space<vmem>> -> memref<1x8x1024xf32, #tpu.memory_space<vmem>>
      %dma_start3A_687 = tpu.memref_squeeze %dma_start3A_686 : memref<1x8x1024xf32, #tpu.memory_space<vmem>> -> memref<8x1024xf32, #tpu.memory_space<vmem>>
      tpu.enqueue_dma source(%dma_start3A_687 : memref<8x1024xf32, #tpu.memory_space<vmem>>) target(%dma_start3A_683 : memref<8x1024xf32, #tpu.memory_space<hbm>>) target_semaphore(%dma_start3A_681 : memref<!tpu.dma_semaphore, #tpu.memory_space<semaphore_mem>>)
    }
    %scan3A_68 = arith.constant 16 : i32
    %dma_wait3A = arith.constant 2 : i32
    %dma_wait3A_69 = arith.constant 2 : i32
    %dma_wait3A_70 = arith.constant 0 : i32
    %dma_wait3A_71 = arith.constant 0 : i32
    %dma_wait3A_72 = tpu.memref_slice %arg7[%dma_wait3A, %dma_wait3A_70, %dma_wait3A_71] : memref<4x8x1024xf32, #tpu.memory_space<vmem>> -> memref<1x8x1024xf32, #tpu.memory_space<vmem>>
    %dma_wait3A_73 = tpu.memref_squeeze %dma_wait3A_72 : memref<1x8x1024xf32, #tpu.memory_space<vmem>> -> memref<8x1024xf32, #tpu.memory_space<vmem>>
    %dma_wait3A_74 = arith.constant 0 : i32
    %dma_wait3A_75 = tpu.memref_slice %arg5[%mul3A_2, %dma_wait3A_74] : memref<32768x1024xf32, #tpu.memory_space<hbm>> -> memref<8x1024xf32, #tpu.memory_space<hbm>>
    %dma_wait3A_76 = tpu.memref_slice %arg10[%dma_wait3A_69] : memref<4x!tpu.dma_semaphore, #tpu.memory_space<semaphore_mem>> -> memref<1x!tpu.dma_semaphore, #tpu.memory_space<semaphore_mem>>
    %dma_wait3A_77 = tpu.memref_squeeze %dma_wait3A_76 : memref<1x!tpu.dma_semaphore, #tpu.memory_space<semaphore_mem>> -> memref<!tpu.dma_semaphore, #tpu.memory_space<semaphore_mem>>
    %dma_wait3A_78 = arith.constant 0 : i32
    %dma_wait3A_79 = tpu.memref_slice %arg5[%mul3A_2, %dma_wait3A_78] : memref<32768x1024xf32, #tpu.memory_space<hbm>> -> memref<8x1024xf32, #tpu.memory_space<hbm>>
    %dma_wait3A_80 = arith.constant 0 : i32
    %dma_wait3A_81 = arith.constant 0 : i32
    %dma_wait3A_82 = tpu.memref_slice %arg7[%dma_wait3A, %dma_wait3A_80, %dma_wait3A_81] : memref<4x8x1024xf32, #tpu.memory_space<vmem>> -> memref<1x8x1024xf32, #tpu.memory_space<vmem>>
    %dma_wait3A_83 = tpu.memref_squeeze %dma_wait3A_82 : memref<1x8x1024xf32, #tpu.memory_space<vmem>> -> memref<8x1024xf32, #tpu.memory_space<vmem>>
    tpu.wait_dma2 semaphore(%dma_wait3A_77 : memref<!tpu.dma_semaphore, #tpu.memory_space<semaphore_mem>>) src(%dma_wait3A_83 : memref<8x1024xf32, #tpu.memory_space<vmem>>) dst(%dma_wait3A_79 : memref<8x1024xf32, #tpu.memory_space<hbm>>)
    %dma_wait3A_84 = arith.constant 3 : i32
    %dma_wait3A_85 = arith.constant 3 : i32
    %dma_wait3A_86 = arith.constant 0 : i32
    %dma_wait3A_87 = arith.constant 0 : i32
    %dma_wait3A_88 = tpu.memref_slice %arg7[%dma_wait3A_84, %dma_wait3A_86, %dma_wait3A_87] : memref<4x8x1024xf32, #tpu.memory_space<vmem>> -> memref<1x8x1024xf32, #tpu.memory_space<vmem>>
    %dma_wait3A_89 = tpu.memref_squeeze %dma_wait3A_88 : memref<1x8x1024xf32, #tpu.memory_space<vmem>> -> memref<8x1024xf32, #tpu.memory_space<vmem>>
    %dma_wait3A_90 = arith.constant 0 : i32
    %dma_wait3A_91 = tpu.memref_slice %arg5[%mul3A_2, %dma_wait3A_90] : memref<32768x1024xf32, #tpu.memory_space<hbm>> -> memref<8x1024xf32, #tpu.memory_space<hbm>>
    %dma_wait3A_92 = tpu.memref_slice %arg10[%dma_wait3A_85] : memref<4x!tpu.dma_semaphore, #tpu.memory_space<semaphore_mem>> -> memref<1x!tpu.dma_semaphore, #tpu.memory_space<semaphore_mem>>
    %dma_wait3A_93 = tpu.memref_squeeze %dma_wait3A_92 : memref<1x!tpu.dma_semaphore, #tpu.memory_space<semaphore_mem>> -> memref<!tpu.dma_semaphore, #tpu.memory_space<semaphore_mem>>
    %dma_wait3A_94 = arith.constant 0 : i32
    %dma_wait3A_95 = tpu.memref_slice %arg5[%mul3A_2, %dma_wait3A_94] : memref<32768x1024xf32, #tpu.memory_space<hbm>> -> memref<8x1024xf32, #tpu.memory_space<hbm>>
    %dma_wait3A_96 = arith.constant 0 : i32
    %dma_wait3A_97 = arith.constant 0 : i32
    %dma_wait3A_98 = tpu.memref_slice %arg7[%dma_wait3A_84, %dma_wait3A_96, %dma_wait3A_97] : memref<4x8x1024xf32, #tpu.memory_space<vmem>> -> memref<1x8x1024xf32, #tpu.memory_space<vmem>>
    %dma_wait3A_99 = tpu.memref_squeeze %dma_wait3A_98 : memref<1x8x1024xf32, #tpu.memory_space<vmem>> -> memref<8x1024xf32, #tpu.memory_space<vmem>>
    tpu.wait_dma2 semaphore(%dma_wait3A_93 : memref<!tpu.dma_semaphore, #tpu.memory_space<semaphore_mem>>) src(%dma_wait3A_99 : memref<8x1024xf32, #tpu.memory_space<vmem>>) dst(%dma_wait3A_95 : memref<8x1024xf32, #tpu.memory_space<hbm>>)
    return
  }
}

</mosaic_0001>

<sc_bundles>
// kernel: kernel.3.cloned.1.call-start
scs
__scs_entry_jumppad:
0x0: {  	(pc) =	sbr.rel $0x88, $3  }
0x1: {  	(tag) =	ssettag $0x0;
	lr =	simm.s32 $0x1  }
0x2: {  	[smem:$0x3F9E] =	sst lr;
	_ =	strace $0xD0000000  }
0x3: {  	_ = 	snop  }
0x4: {  	_ = 	snop  }
0x5: {  	_ = 	snop  }
0x6: {  	_ = 	snop  }
0x7: {  	_ = 	snop  }
__scs_overlays_trampoline_lowered:
0x8: {  	[smem:$0x3FAD] =	sst s0  }
0x9: {  	[smem:$0x3FAE] =	sst s1  }
0xa: {  	[smem:$0x3FAF] =	sst s2  }
0xb: {  	[smem:$0x3FB0] =	sst s3  }
0xc: {  	[smem:$0x3FB1] =	sst s4  }
0xd: {  	[smem:$0x3FB2] =	sst s5  }
0xe: {  	[smem:$0x3FB3] =	sst s6  }
0xf: {  	[smem:$0x3FB4] =	sst s7  }
0x10: {  	[smem:$0x3FB5] =	sst s8  }
0x11: {  	[smem:$0x3FB6] =	sst s9;
	s0 =	simm.s32 @!p0 $0x0  }
0x12: {  	s1 =	sld [smem:$0x3F9C];
	s0 =	simm.s32 @p0 $0x1  }
0x13: {  	[smem:$0x3FB7] =	sst s0;
	s0 =	simm.s32 @!p1 $0x0  }
0x14: {  	s2 =	sld [smem:$0x3F9B];
	s0 =	simm.s32 @p1 $0x1  }
0x15: {  	[smem:$0x3FB8] =	sst s0;
	s0 =	simm.s32 @!p2 $0x0  }
0x16: {  	s3 =	sld [smem:$0x3FDB];
	s0 =	simm.s32 @p2 $0x1  }
0x17: {  	s4 =	simm.s32 $0x1BF5;
	[smem:$0x3FBA] =	sst s0  }
0x18: {  	s0 =	sld [smem:$0x3F9D];
	_ =	swait.ge [sflag:s4], $0x0  }
0x19: {  	s7 =	sld [smem:$0x3F9E]  }
0x1a: {  	s8 =	sadd.s32 $0xFFFFE003, lr  }
0x1b: {  	s9 =	sadd.s32 $0xFFFFFEF7, lr;
	s5 =	simm.s32 $0xFFFFFFFF;
	p2 =	slt.u32 s8, $0xFFFFF086  }
0x1c: {  	p1 =	slt.u32 s9, $0xF7A;
	s5 =	simm.s32 @!p2 $0x0  }
0x1d: {  	s5 =	simm.s32 @p1 $0x1;
	p0 =	seq.s32 s7, s2  }
0x1e: {  	s7 =	smul.u32 @!p0 $0xF7A, s2;
	p2 =	seq.s32 @!p0 s5, $0x0  }
0x1f: {  	s9 =	smul.u32 $0xF7A, s1;
	s8 =	simm.s32 @!p0 $0x1BF5;
	p2 =	por !p2, p0  }
0x20: {  	[sflag:s8] =	ssyncset.s32 @!p0 $0xFFFFF086;
	s6 =	sadd.s32 @!p0 s3, s7;
	s7 =	simm.s32 @!p0 $0x108  }
0x21: {  	s3 =	sadd.s32 s3, s9;
	s6 =	sadd.s32 @!p0 $0x88, s6;
	s7 =	simm.s32 @p2 $0x1082  }
0x22: {  	[simem:s7], [sflag:s8] =	dma.local @!p0 [hbm:s6], $0xF7A  }
0x23: {  	s9 =	sor.u32 $0xD0000000, s2;
	s6 =	simm.s32 $0x108;
	_ =	swait.ge @!p0 [sflag:s8], $0x0  }
0x24: {  	s3 =	sadd.s32 $0x88, s3;
	s6 =	simm.s32 @!p1 $0x1082;
	[sflag:s4] =	ssyncset.s32 $0xFFFFF086  }
0x25: {  	[simem:s6], [sflag:s4] =	dma.local [hbm:s3], $0xF7A  }
0x26: {  	[smem:$0x3F9E] =	sst s1;
	(tag) =	ssettag s2;
	_ =	strace s9  }
0x27: {  	s1 =	sld [smem:$0x3FAE]  }
0x28: {  	s2 =	sld [smem:$0x3FAF]  }
0x29: {  	s4 =	sld [smem:$0x3FB1]  }
0x2a: {  	p0 =	seq.s32 s5, $0x0;
	s5 =	sld [smem:$0x3FB2]  }
0x2b: {  	s6 =	sld [smem:$0x3FB3]  }
0x2c: {  	s7 =	sld [smem:$0x3FB4]  }
0x2d: {  	s3 =	simm.s32 $0x108;
	s8 =	sld [smem:$0x3FB5]  }
0x2e: {  	s3 =	simm.s32 @!p0 $0x1082;
	s9 =	sld [smem:$0x3FB6]  }
0x2f: {  	lr =	sadd.s32 s0, s3;
	s0 =	sld [smem:$0x3FAD]  }
0x30: {  	s3 =	sld [smem:$0x3FB0]  }
0x31: {  	[smem:$0x3FB9] =	sst s10  }
0x32: {  	s10 =	sld [smem:$0x3FB7];
	_ =	sdelay $0x3  }
0x33: {  	p0 =	seq.s32 s10, $0x1;
	s10 =	sld [smem:$0x3FB9];
	_ =	sdelay $0x3  }
0x34: {  	[smem:$0x3FB9] =	sst s10  }
0x35: {  	s10 =	sld [smem:$0x3FB8];
	_ =	sdelay $0x3  }
0x36: {  	p1 =	seq.s32 s10, $0x1;
	s10 =	sld [smem:$0x3FB9];
	_ =	sdelay $0x3  }
0x37: {  	[smem:$0x3FB9] =	sst s10  }
0x38: {  	s10 =	sld [smem:$0x3FBA]  }
0x39: {  	_ = 	snop;
	(pc) =	sbr.ind lr, $3  }
0x3a: {  	_ = 	snop  }
0x3b: {  	_ = 	snop  }
0x3c: {  	p2 =	seq.s32 s10, $0x1;
	s10 =	sld [smem:$0x3FB9]  }
0x3d: {  	_ =	shalt  }
0x3e: {  	_ =	shalt  }
0x3f: {  	_ =	shalt  }
0x40: {  	_ =	shalt  }
0x41: {  	_ =	shalt  }
0x42: {  	_ =	shalt  }
0x43: {  	_ =	shalt  }
0x44: {  	_ =	shalt  }
0x45: {  	_ =	shalt  }
0x46: {  	_ =	shalt  }
0x47: {  	_ =	shalt  }
0x48: {  	_ =	shalt  }
0x49: {  	_ =	shalt  }
0x4a: {  	_ =	shalt  }
0x4b: {  	_ =	shalt  }
0x4c: {  	_ =	shalt  }
0x4d: {  	_ =	shalt  }
0x4e: {  	_ =	shalt  }
0x4f: {  	_ =	shalt  }
0x50: {  	_ =	shalt  }
0x51: {  	_ =	shalt  }
0x52: {  	_ =	shalt  }
0x53: {  	_ =	shalt  }
0x54: {  	_ =	shalt  }
0x55: {  	_ =	shalt  }
0x56: {  	_ =	shalt  }
0x57: {  	_ =	shalt  }
0x58: {  	_ =	shalt  }
0x59: {  	_ =	shalt  }
0x5a: {  	_ =	shalt  }
0x5b: {  	_ =	shalt  }
0x5c: {  	_ =	shalt  }
0x5d: {  	_ =	shalt  }
0x5e: {  	_ =	shalt  }
0x5f: {  	_ =	shalt  }
0x60: {  	_ =	shalt  }
0x61: {  	_ =	shalt  }
0x62: {  	_ =	shalt  }
0x63: {  	_ =	shalt  }
0x64: {  	_ =	shalt  }
0x65: {  	_ =	shalt  }
0x66: {  	_ =	shalt  }
0x67: {  	_ =	shalt  }
0x68: {  	_ =	shalt  }
0x69: {  	_ =	shalt  }
0x6a: {  	_ =	shalt  }
0x6b: {  	_ =	shalt  }
0x6c: {  	_ =	shalt  }
0x6d: {  	_ =	shalt  }
0x6e: {  	_ =	shalt  }
0x6f: {  	_ =	shalt  }
0x70: {  	_ =	shalt  }
0x71: {  	_ =	shalt  }
0x72: {  	_ =	shalt  }
0x73: {  	_ =	shalt  }
0x74: {  	_ =	shalt  }
0x75: {  	_ =	shalt  }
0x76: {  	_ =	shalt  }
0x77: {  	_ =	shalt  }
0x78: {  	_ =	shalt  }
0x79: {  	_ =	shalt  }
0x7a: {  	_ =	shalt  }
0x7b: {  	_ =	shalt  }
0x7c: {  	_ =	shalt  }
0x7d: {  	_ =	shalt  }
0x7e: {  	_ =	shalt  }
0x7f: {  	_ =	shalt  }
0x80: {  	_ =	shalt  }
0x81: {  	_ =	shalt  }
0x82: {  	_ =	shalt  }
0x83: {  	_ =	shalt  }
0x84: {  	_ =	shalt  }
0x85: {  	_ =	shalt  }
0x86: {  	_ =	shalt  }
0x87: {  	_ =	shalt  }
.Lfunc_end0:
.L_simem_size_0:
called_computation_lowered:
.L_overlay_start_0:
0x88: {  	s2 =	sld [smem:$0x3FD9]  }
0x89: {  	s3 =	sld [smem:$0x3FFE];
	_ =	sdelay $0x1  }
0x8a: {  	s1 =	srdreg.scid  }
0x8b: {  	s0 =	sand.u32 $0x1, s1  }
0x8c: {  	s17 =	sshll.u32 s0, $0xA;
	s2 =	sadd.s32 s3, s2  }
0x8d: {  	s2 =	sadd.s32 s2, s17  }
0x8e: {  	[smem:$0x3FC5] =	sst s2  }
0x8f: {  	_ = 	snop  }
0x90: {  	s2 =	sld [smem:$0x3FC9]  }
0x91: {  	s18 =	sld [smem:$0x3FC7]  }
0x92: {  	s4 =	sld [smem:$0x3FD0];
	(tm) =	ssettm $0x1  }
0x93: {  	s5 =	sld [smem:$0x3FFB];
	_ =	sdelay $0x3  }
0x94: {  	_ =	strace s5  }
0x95: {  	s5 =	sld [smem:$0x3FFC];
	_ =	sdelay $0x3  }
0x96: {  	_ =	strace s5  }
0x97: {  	s5 =	sld [smem:$0x3FFD];
	_ =	sdelay $0x3  }
0x98: {  	_ =	strace s5  }
0x99: {  	_ =	strace $0x8FFFFFFF  }
0x9a: {  	s19 =	sld [smem:$0x3FDB];
	_ =	sdelay $0x1  }
0x9b: {  	s6 =	simm.s32 $_scs_section_size  }
0x9c: {  	s7 =	simm.s32 $_size__tile_overlayer_lowered;
	s8 =	simm.s32 $_tile_overlayer_lowered  }
0x9d: {  	s22 =	simm.s32 $0x1BFF;
	s21 =	sshll.u32 s8, $0x1;
	s5 =	sadd.s32 s6, s19  }
0x9e: {  	s9 =	simm.s32 $0x0;
	s20 =	sshll.u32 s7, $0x1;
	s7 =	sadd.s32 s21, s5  }
0x9f: {  	[timem:s9], [sflag:s22] =	dma.local [hbm:s7], s20  }
0xa0: {  	_ =	swait.ge [sflag:s22], s20  }
0xa1: {  	s6 =	ssub.s32 $0x0, s20;
	[sflag:s22] =	ssyncset.done $0x0  }
0xa2: {  	[sflag:s22] =	ssyncadd.s32 s6;
	_ =	sdelay $0x1  }
0xa3: {  	s23 =	simm.s32 $0x1B8B  }
0xa4: {  	_ =	swait.ge [sflag:s23], $0x1  }
0xa5: {  	[sflag:s23] =	ssyncset.done $0x0  }
0xa6: {  	s25 =	simm.s32 $0x1B8E;
	s24 =	sld [smem:$0x3FFE];
	[sflag:s23] =	ssyncadd.s32 $0xFFFFFFFF  }
0xa7: {  	s26 =	simm.s32 $execute0_lowered;
	[smem:$0x3FD2] =	sst s25  }
0xa8: {  	s7 =	sshll.u32 s26, $0x1;
	_ =	strace $0x80000046;
	[dreg:$0x1] =	wrdreg $0xFFFFFFFF  }
0xa9: {  	s28 =	simm.s32 $_size_execute0_lowered;
	s5 =	sadd.s32 s5, s7;
	[dreg:$0x0] =	wrdreg $0x0  }
0xaa: {  	s7 =	sshll.u32 s28, $0x1;
	[dreg:$0x2] =	wrdreg s5  }
0xab: {  	[dreg:$0x3] =	wrdreg s7  }
0xac: {  	[dreg:$0x4] =	wrdreg $0xC0  }
0xad: {  	_ =	task [dreg:s9], $0x5FFFF  }
0xae: {  	[dreg:$0x1] =	wrdreg $0xFFFFFFFF  }
0xaf: {  	[dreg:$0x0] =	wrdreg $0x60  }
0xb0: {  	[dreg:$0x2] =	wrdreg s2  }
0xb1: {  	[dreg:$0x3] =	wrdreg s24  }
0xb2: {  	[dreg:$0x4] =	wrdreg s18  }
0xb3: {  	[dreg:$0x5] =	wrdreg s4  }
0xb4: {  	[dreg:$0x6] =	wrdreg $0x9  }
0xb5: {  	_ =	task.clear_ibuf [dreg:s9], $0x7FFFF;
	_ =	strace $0x90000046  }
0xb6: {  	s29 =	simm.s32 $0x9;
	_ =	strace $0x80000048  }
0xb7: {  	_ =	swait.ge [sflag:s29], $0x1  }
0xb8: {  	[sflag:s29] =	ssyncadd.s32 $0xFFFFFFFF  }
0xb9: {  	_ =	strace $0x90000048  }
0xba: {  	_ =	sfence  }
0xbb: {  	s30 =	sld [smem:$0x0];
	_ =	sdelay $0x2  }
0xbc: {  	s31 =	sshll.u32 s1, $0xD;
	s1 =	sshrl.u32 s1, $0x2  }
0xbd: {  	s3 =	sand.u32 $0x4000, s31;
	s1 =	sadd.s32 s1, s30  }
0xbe: {  	s0 =	sor.u32 s3, s0;
	s1 =	sshll.u32 s1, $0x11  }
0xbf: {  	s0 =	sor.u32 s1, s0  }
0xc0: {  	s0 =	sadd.s32 $0x8F2B, s0  }
0xc1: {  	[sflag:s0] =	ssyncadd.remote.s32 $0x1  }
0xc2: {  	_ =	sfence.sel $0xFFFF  }
0xc3: {  	[dreg:$0x0] =	wrdreg $0xFFFFFFFF;
	(pc) =	sbr.abs _section_cstart, $3  }
0xc4: {  	[dreg:$0x1] =	wrdreg $0xFFFFFFFF  }
0xc5: {  	_ =	task.clear_ibuf [dreg:s9], $0x2FFFF;
	_ =	strace $0x9FFFFFFF  }
0xc6: {  	(tm) =	ssettm $0x7FFFFFFF  }
0xc7: {  	_ =	shalt  }
tec
execute0_lowered:
.L_overlay_start_1:
0x0: {  	(tag) =	ssettag $0x1  }
0x1: {  	s1 =	rddreg [dreg:$0x0]  }
0x2: {  	s0 =	rddreg [dreg:$0x1]  }
0x3: {  	s3 =	rddreg [dreg:$0x2]  }
0x4: {  	s4 =	rddreg [dreg:$0x3]  }
0x5: {  	s2 =	srdreg.scid;
	s6 =	stileid.u32  }
0x6: {  	s5 =	simm.s32 $0x0;
	s28 =	simm.s32 $0x4400;
	s18 =	simm.s32 $0x2  }
0x7: {  	s19 =	simm.s32 $0x5;
	s20 =	simm.s32 $0x3;
	s21 =	simm.s32 $0x6  }
0x8: {  	s23 =	simm.s32 $0x4;
	s24 =	simm.s32 $0x7;
	s25 =	simm.s32 $0x8  }
0x9: {  	s2 =	sand.u32 $0x1, s2;
	s6 =	sshll.u32 s6, $0xB;
	[smem:$0x7FF] =	sst s5  }
0xa: {  	s10 =	sadd.s32 $0x100, s3;
	s11 =	sadd.s32 $0x200, s3;
	s7 =	sshll.u32 s2, $0xA  }
0xb: {  	s12 =	sadd.s32 $0x300, s3;
	s2 =	ssub.s32 $0x2, s2;
	s6 =	sor.u32 s7, s6  }
0xc: {  	_ =	strace $0x80000047;
	s8 =	sshrl.u32 s2, $0x1;
	s9 =	sshll.u32 s6, $0x7  }
0xd: {  	s7 =	sshrl.u32 s6, $0x3;
	s2 =	ssub.s32 s2, s8;
	s30 =	sadd.s32 s1, s9  }
0xe: {  	s0 =	sadd.s32 s7, s0;
	s31 =	smax.u32 s2, $0x1;
	[dreg:$0x6] =	wrdreg s30  }
0xf: {  	v0 =	vlaneseq.u32;
	s8 =	simm.s32 $0x6400;
	s0 =	sadd.s32 $0x400, s0;
	[dreg:$0x8] =	wrdreg s31  }
0x10: {  	v1 =	vshrl.u32 v0, $0x3;
	s14 =	sadd.s32 s4, s9;
	[dreg:$0x5] =	wrdreg s0;
	s0 =	sadd.s32 $0x400, s30  }
0x11: {  	vm0 =	vmmov $0xffff;
	v0 =	vand.u32 $0x7, v0;
	v1 =	vmul.u32 $0x8, v1;
	s2 =	simm.s32 $0x1;
	s9 =	simm.s32 $0x0;
	[dreg:$0x7] =	wrdreg s0  }
.LBB2_1:
0x12: {  	[dreg:$0x9] =	wrdreg s9  }
0x13: {  	s0 =	rddreg [dreg:$0x5];
	s29 =	simm.s32 $0x9  }
0x14: {  	[tilespmem:s5], [sflag:$0x9] =	stream.linear.gather [hbm4b:s0+s5], $0x400, $0x38;
	[tilespmem:$0x10400] =	vst v63  }
0x15: {  	_ =	swait.ge [sflag:s29], $0x400  }
0x16: {  	[sflag:s29] =	ssyncset.done $0x0  }
0x17: {  	s31 =	simm.s32 $0x400;
	s30 =	rddreg [dreg:$0x6];
	[sflag:s29] =	ssyncadd.s32 $0xFFFFFC00  }
0x18: {  	[tilespmem:s31], [sflag:$0x1] =	stream.linear.gather [hbm4b:s30+s5], $0x2000, $0x38;
	[tilespmem:$0x10400] =	vst v63  }
0x19: {  	v2 =	vld.msk [tilespmem:$0x0], $0xff;
	_ =	sdelay $0x4  }
0x1a: {  	v3 =	vshll.u32 v2, $0x3  }
0x1b: {  	v2 =	vand.u32 $0x7, v2;
	v3 =	vand.u32 $0xFFFFFFC0, v3  }
0x1c: {  	v2 =	vor.u32 v2, v3  }
0x1d: {  	v2 =	vperm.xlane v2, v0;
	_ =	sdelay $0x1  }
0x1e: {  	v2 =	vadd.s32 v1, v2;
	_ =	sdelay $0x3  }
0x1f: {  	s9 =	simm.s32 $0x8400  }
0x20: {  	[tilespmem:s9], [sflag:$0x1] =	stream.indirect_vreg.gather [hbm4b:s3+s5], $0x80, v2, vm0, $0xb8;
	[tilespmem:$0x10400] =	vst v63  }
0x21: {  	s13 =	simm.s32 $0x8C00  }
0x22: {  	[tilespmem:s13], [sflag:$0x1] =	stream.indirect_vreg.gather [hbm4b:s10+s5], $0x80, v2, vm0, $0xb8;
	[tilespmem:$0x10400] =	vst v63  }
0x23: {  	s15 =	simm.s32 $0x9400  }
0x24: {  	[tilespmem:s15], [sflag:$0x1] =	stream.indirect_vreg.gather [hbm4b:s11+s5], $0x80, v2, vm0, $0xb8;
	[tilespmem:$0x10400] =	vst v63  }
0x25: {  	s16 =	simm.s32 $0x9C00  }
0x26: {  	[tilespmem:s16], [sflag:$0x1] =	stream.indirect_vreg.gather [hbm4b:s12+s5], $0x80, v2, vm0, $0xb8;
	[tilespmem:$0x10400] =	vst v63  }
0x27: {  	s22 =	simm.s32 $0x2400;
	s17 =	rddreg [dreg:$0x7]  }
0x28: {  	[tilespmem:s22], [sflag:$0x2] =	stream.linear.gather [hbm4b:s17+s5], $0x2000, $0x38;
	[tilespmem:$0x10400] =	vst v63  }
0x29: {  	v2 =	vld.msk [tilespmem:$0x8], $0xff;
	_ =	sdelay $0x4  }
0x2a: {  	v3 =	vshll.u32 v2, $0x3  }
0x2b: {  	v2 =	vand.u32 $0x7, v2;
	v3 =	vand.u32 $0xFFFFFFC0, v3  }
0x2c: {  	v2 =	vor.u32 v2, v3  }
0x2d: {  	v2 =	vperm.xlane v2, v0;
	_ =	sdelay $0x1  }
0x2e: {  	v2 =	vadd.s32 v1, v2;
	_ =	sdelay $0x3  }
0x2f: {  	s26 =	simm.s32 $0xA400  }
0x30: {  	[tilespmem:s26], [sflag:$0x2] =	stream.indirect_vreg.gather [hbm4b:s3+s5], $0x80, v2, vm0, $0xb8;
	[tilespmem:$0x10400] =	vst v63  }
0x31: {  	s29 =	simm.s32 $0xAC00  }
0x32: {  	[tilespmem:s29], [sflag:$0x2] =	stream.indirect_vreg.gather [hbm4b:s10+s5], $0x80, v2, vm0, $0xb8;
	[tilespmem:$0x10400] =	vst v63  }
0x33: {  	s30 =	simm.s32 $0xB400  }
0x34: {  	[tilespmem:s30], [sflag:$0x2] =	stream.indirect_vreg.gather [hbm4b:s11+s5], $0x80, v2, vm0, $0xb8;
	[tilespmem:$0x10400] =	vst v63  }
0x35: {  	s31 =	simm.s32 $0xBC00;
	s26 =	simm.s32 $0x0  }
0x36: {  	[tilespmem:s31], [sflag:$0x2] =	stream.indirect_vreg.gather [hbm4b:s12+s5], $0x80, v2, vm0, $0xb8;
	[tilespmem:$0x10400] =	vst v63  }
.LBB2_2:
0x37: {  	s0 =	sshll.u32 s26, $0x3  }
0x38: {  	p0 =	seq.s32 s26, $0x0;
	s29 =	sor.u32 $0x2, s0  }
0x39: {  	s9 =	simm.s32 @!p0 $0x7;
	s15 =	sshll.u32 s29, $0x3  }
0x3a: {  	_ =	swait.ge @!p0 [sflag:s9], $0x2000;
	s13 =	sadd.s32 s6, s15  }
0x3b: {  	[sflag:s9] =	ssyncset.done @!p0 $0x0;
	s13 =	sshll.u32 s13, $0x7  }
0x3c: {  	[sflag:s9] =	ssyncadd.s32 @!p0 $0xFFFFE000;
	s22 =	sadd.s32 s1, s13;
	s13 =	simm.s32 $0x0  }
0x3d: {  	[tilespmem:s28], [sflag:$0x3] =	stream.linear.gather [hbm4b:s22+s13], $0x2000, $0x38;
	[tilespmem:$0x10400] =	vst v63  }
0x3e: {  	v2 =	vld.msk [tilespmem:s15+$0x0], $0xff;
	_ =	sdelay $0x4  }
0x3f: {  	v3 =	vshll.u32 v2, $0x3  }
0x40: {  	v2 =	vand.u32 $0x7, v2;
	v3 =	vand.u32 $0xFFFFFFC0, v3  }
0x41: {  	v2 =	vor.u32 v2, v3  }
0x42: {  	v2 =	vperm.xlane v2, v0;
	_ =	sdelay $0x1  }
0x43: {  	v2 =	vadd.s32 v1, v2;
	_ =	sdelay $0x3  }
0x44: {  	s16 =	simm.s32 $0xC400  }
0x45: {  	[tilespmem:s16], [sflag:$0x3] =	stream.indirect_vreg.gather [hbm4b:s3+s13], $0x80, v2, vm0, $0xb8;
	[tilespmem:$0x10400] =	vst v63  }
0x46: {  	s17 =	simm.s32 $0xCC00  }
0x47: {  	[tilespmem:s17], [sflag:$0x3] =	stream.indirect_vreg.gather [hbm4b:s10+s13], $0x80, v2, vm0, $0xb8;
	[tilespmem:$0x10400] =	vst v63  }
0x48: {  	s22 =	simm.s32 $0xD400  }
0x49: {  	[tilespmem:s22], [sflag:$0x3] =	stream.indirect_vreg.gather [hbm4b:s11+s13], $0x80, v2, vm0, $0xb8;
	[tilespmem:$0x10400] =	vst v63  }
0x4a: {  	s15 =	simm.s32 $0xDC00  }
0x4b: {  	[tilespmem:s15], [sflag:$0x3] =	stream.indirect_vreg.gather [hbm4b:s12+s13], $0x80, v2, vm0, $0xb8;
	[tilespmem:$0x10400] =	vst v63  }
0x4c: {  	_ =	swait.ge [sflag:s2], $0x2000  }
0x4d: {  	[sflag:s2] =	ssyncset.done $0x0  }
0x4e: {  	[sflag:s2] =	ssyncadd.s32 $0xFFFFE000  }
0x4f: {  	s16 =	sand.u32 $0x1C00, s13;
	_ =	swait.ge [sflag:s2], $0x2000  }
0x50: {  	s17 =	sor.u32 s16, s13;
	[sflag:s2] =	ssyncset.done $0x0  }
0x51: {  	s30 =	sor.u32 $0x70, s17;
	[sflag:s2] =	ssyncadd.s32 $0xFFFFE000  }
0x52: {  	s22 =	sand.u32 $0x380, s13;
	v2 =	vld [tilespmem:s30+$0x400]  }
0x53: {  	s15 =	sor.u32 s22, s16;
	v3 =	vld [tilespmem:s30+$0x8400]  }
0x54: {  	v4 =	vld [tilespmem:s15+$0x400]  }
0x55: {  	v5 =	vld [tilespmem:s15+$0x8400]  }
0x56: {  	v7 =	vld [tilespmem:s15+$0x410]  }
0x57: {  	v8 =	vld [tilespmem:s15+$0x8410]  }
0x58: {  	v9 =	vld [tilespmem:s15+$0x420]  }
0x59: {  	v10 =	vld [tilespmem:s15+$0x8420]  }
0x5a: {  	v6 =	vld [tilespmem:s15+$0x8430];
	v3 =	vadd.f32 v3, v2  }
0x5b: {  	v2 =	vld [tilespmem:s15+$0x430];
	v4 =	vadd.f32 v5, v4  }
0x5c: {  	v5 =	vadd.f32 v8, v7;
	[tilespmem:s30+$0x400] =	vst v3;
	v3 =	vld [tilespmem:s15+$0x440]  }
0x5d: {  	[tilespmem:s15+$0x400] =	vst v4;
	v4 =	vld [tilespmem:s15+$0x8440]  }
0x5e: {  	s31 =	simm.s32 $0x400;
	v7 =	vadd.f32 v10, v9;
	s30 =	simm.s32 $0x0;
	[tilespmem:s15+$0x410] =	vst v5;
	v5 =	vld [tilespmem:s15+$0x450]  }
.LBB2_3:
0x5f: {  	s9 =	sand.u32 $0x1C00, s31;
	v8 =	vld [tilespmem:s15+$0x8450];
	s13 =	sadd.s32 $0x10, s13  }
0x60: {  	s30 =	sadd.s32 $0x8, s30;
	s16 =	sand.u32 $0x380, s13;
	s17 =	sor.u32 s9, s13;
	[tilespmem:s15+$0x420] =	vst v7;
	v2 =	vadd.f32 v6, v2;
	v6 =	vld [tilespmem:s15+$0x460]  }
0x61: {  	p1 =	slt.u32 s30, $0x1F8;
	s9 =	sor.u32 s16, s9;
	s16 =	sor.u32 $0x70, s17;
	v7 =	vld [tilespmem:s15+$0x8460]  }
0x62: {  	v9 =	vld [tilespmem:s16+$0x400];
	[tilespmem:s15+$0x430] =	vst v2;
	v2 =	vadd.f32 v4, v3  }
0x63: {  	v3 =	vld [tilespmem:s16+$0x8400]  }
0x64: {  	v4 =	vld [tilespmem:s9+$0x400];
	[tilespmem:s15+$0x440] =	vst v2;
	v2 =	vadd.f32 v8, v5  }
0x65: {  	v5 =	vld [tilespmem:s9+$0x8400]  }
0x66: {  	v8 =	vld [tilespmem:s9+$0x410];
	[tilespmem:s15+$0x450] =	vst v2;
	v2 =	vadd.f32 v7, v6  }
0x67: {  	v7 =	vld [tilespmem:s9+$0x8410]  }
0x68: {  	v10 =	vld [tilespmem:s9+$0x420];
	v3 =	vadd.f32 v3, v9;
	[tilespmem:s15+$0x460] =	vst v2;
	s15 =	smov.u32 s9  }
0x69: {  	v9 =	vld [tilespmem:s15+$0x8420]  }
.Ltmp0:
0x6a: {  	v4 =	vadd.f32 v5, v4;
	v2 =	vld [tilespmem:s15+$0x430];
	[tilespmem:s16+$0x400] =	vst v3;
	(pc) =	sbr.rel @p1 .LBB2_3-.Ltmp0, $4  }
0x6b: {  	v6 =	vld [tilespmem:s15+$0x8430]  }
0x6c: {  	[tilespmem:s15+$0x400] =	vst v4;
	v5 =	vadd.f32 v7, v8;
	v3 =	vld [tilespmem:s15+$0x440]  }
0x6d: {  	v4 =	vld [tilespmem:s15+$0x8440]  }
0x6e: {  	s31 =	sadd.s32 $0x400, s31;
	[tilespmem:s15+$0x410] =	vst v5;
	v7 =	vadd.f32 v9, v10;
	v5 =	vld [tilespmem:s15+$0x450]  }
0x6f: {  	v8 =	vld [tilespmem:s15+$0x8450]  }
0x70: {  	v9 =	vld [tilespmem:s15+$0x460]  }
0x71: {  	v10 =	vld [tilespmem:s15+$0x8460];
	_ =	sdelay $0x1  }
0x72: {  	v2 =	vadd.f32 v6, v2  }
0x73: {  	[tilespmem:s15+$0x420] =	vst v7;
	v3 =	vadd.f32 v4, v3  }
0x74: {  	[tilespmem:s15+$0x430] =	vst v2;
	v2 =	vadd.f32 v8, v5  }
0x75: {  	[tilespmem:s15+$0x440] =	vst v3;
	v3 =	vadd.f32 v10, v9  }
0x76: {  	s9 =	sshll.u32 s26, $0xD;
	s13 =	simm.s32 $0x400;
	s30 =	sor.u32 $0x3, s0;
	[tilespmem:s15+$0x450] =	vst v2  }
0x77: {  	s0 =	simm.s32 @!p0 $0x8;
	s9 =	sadd.s32 s9, s14;
	s22 =	sshll.u32 s30, $0x3;
	[tilespmem:s15+$0x460] =	vst v3  }
0x78: {  	[hbm4b:s9+s5] =	stream.linear.scatter [tilespmem:s13], [sflag:$0x5], $0x2000, $0x38;
	[tilespmem:$0x10400] =	vst v63  }
0x79: {  	s15 =	sadd.s32 s6, s22;
	_ =	swait.ge @!p0 [sflag:s0], $0x2000  }
0x7a: {  	s13 =	sshll.u32 s15, $0x7;
	[sflag:s0] =	ssyncset.done @!p0 $0x0  }
0x7b: {  	s13 =	sadd.s32 s1, s13;
	[sflag:s0] =	ssyncadd.s32 @!p0 $0xFFFFE000;
	s0 =	simm.s32 $0x0  }
0x7c: {  	[tilespmem:s8], [sflag:$0x4] =	stream.linear.gather [hbm4b:s13+s0], $0x2000, $0x38;
	[tilespmem:$0x10400] =	vst v63  }
0x7d: {  	v2 =	vld.msk [tilespmem:s22+$0x0], $0xff;
	_ =	sdelay $0x4  }
0x7e: {  	v3 =	vshll.u32 v2, $0x3  }
0x7f: {  	v2 =	vand.u32 $0x7, v2;
	v3 =	vand.u32 $0xFFFFFFC0, v3  }
0x80: {  	v2 =	vor.u32 v2, v3  }
0x81: {  	v2 =	vperm.xlane v2, v0;
	_ =	sdelay $0x1  }
0x82: {  	v2 =	vadd.s32 v1, v2;
	_ =	sdelay $0x3  }
0x83: {  	s16 =	simm.s32 $0xE400  }
0x84: {  	[tilespmem:s16], [sflag:$0x4] =	stream.indirect_vreg.gather [hbm4b:s3+s0], $0x80, v2, vm0, $0xb8;
	[tilespmem:$0x10400] =	vst v63  }
0x85: {  	s17 =	simm.s32 $0xEC00  }
0x86: {  	[tilespmem:s17], [sflag:$0x4] =	stream.indirect_vreg.gather [hbm4b:s10+s0], $0x80, v2, vm0, $0xb8;
	[tilespmem:$0x10400] =	vst v63  }
0x87: {  	s22 =	simm.s32 $0xF400  }
0x88: {  	[tilespmem:s22], [sflag:$0x4] =	stream.indirect_vreg.gather [hbm4b:s11+s0], $0x80, v2, vm0, $0xb8;
	[tilespmem:$0x10400] =	vst v63  }
0x89: {  	s13 =	simm.s32 $0xFC00  }
0x8a: {  	[tilespmem:s13], [sflag:$0x4] =	stream.indirect_vreg.gather [hbm4b:s12+s0], $0x80, v2, vm0, $0xb8;
	[tilespmem:$0x10400] =	vst v63  }
0x8b: {  	_ =	swait.ge [sflag:s18], $0x2000  }
0x8c: {  	[sflag:s18] =	ssyncset.done $0x0  }
0x8d: {  	[sflag:s18] =	ssyncadd.s32 $0xFFFFE000  }
0x8e: {  	s15 =	sand.u32 $0x1C00, s0;
	_ =	swait.ge [sflag:s18], $0x2000  }
0x8f: {  	s16 =	sor.u32 s15, s0;
	[sflag:s18] =	ssyncset.done $0x0  }
0x90: {  	s17 =	sor.u32 $0x70, s16;
	[sflag:s18] =	ssyncadd.s32 $0xFFFFE000  }
0x91: {  	s22 =	sand.u32 $0x380, s0;
	v2 =	vld [tilespmem:s17+$0x2400]  }
0x92: {  	s13 =	sor.u32 s22, s15;
	v3 =	vld [tilespmem:s17+$0xA400]  }
0x93: {  	v4 =	vld [tilespmem:s13+$0x2400]  }
0x94: {  	v5 =	vld [tilespmem:s13+$0xA400]  }
0x95: {  	v7 =	vld [tilespmem:s13+$0x2410]  }
0x96: {  	v8 =	vld [tilespmem:s13+$0xA410]  }
0x97: {  	v62 =	vld [tilespmem:s13+$0x2420]  }
0x98: {  	v63 =	vld [tilespmem:s13+$0xA420]  }
0x99: {  	v6 =	vld [tilespmem:s13+$0xA430];
	v3 =	vadd.f32 v3, v2  }
0x9a: {  	v2 =	vld [tilespmem:s13+$0x2430];
	v4 =	vadd.f32 v5, v4  }
0x9b: {  	v7 =	vadd.f32 v8, v7;
	v5 =	vld [tilespmem:s13+$0xA440];
	[tilespmem:s17+$0x2400] =	vst v3  }
0x9c: {  	v3 =	vld [tilespmem:s13+$0x2440];
	[tilespmem:s13+$0x2400] =	vst v4  }
0x9d: {  	s31 =	simm.s32 $0x400;
	s15 =	simm.s32 $0x0;
	[tilespmem:s13+$0x2410] =	vst v7;
	v7 =	vadd.f32 v63, v62;
	v4 =	vld [tilespmem:s13+$0x2450]  }
.LBB2_5:
0x9e: {  	s9 =	sand.u32 $0x1C00, s31;
	v8 =	vld [tilespmem:s13+$0xA450];
	s0 =	sadd.s32 $0x10, s0  }
0x9f: {  	s15 =	sadd.s32 $0x8, s15;
	s16 =	sand.u32 $0x380, s0;
	s17 =	sor.u32 s9, s0;
	[tilespmem:s13+$0x2420] =	vst v7;
	v2 =	vadd.f32 v6, v2;
	v6 =	vld [tilespmem:s13+$0x2460]  }
0xa0: {  	p0 =	slt.u32 s15, $0x1F8;
	s9 =	sor.u32 s16, s9;
	s16 =	sor.u32 $0x70, s17;
	v7 =	vld [tilespmem:s13+$0xA460]  }
0xa1: {  	v9 =	vld [tilespmem:s16+$0x2400];
	[tilespmem:s13+$0x2430] =	vst v2;
	v2 =	vadd.f32 v5, v3  }
0xa2: {  	v3 =	vld [tilespmem:s16+$0xA400]  }
0xa3: {  	v5 =	vld [tilespmem:s9+$0x2400];
	[tilespmem:s13+$0x2440] =	vst v2;
	v2 =	vadd.f32 v8, v4  }
0xa4: {  	v4 =	vld [tilespmem:s9+$0xA400]  }
0xa5: {  	v8 =	vld [tilespmem:s9+$0x2410];
	[tilespmem:s13+$0x2450] =	vst v2;
	v2 =	vadd.f32 v7, v6  }
0xa6: {  	v7 =	vld [tilespmem:s9+$0xA410]  }
0xa7: {  	v10 =	vld [tilespmem:s9+$0x2420];
	v3 =	vadd.f32 v3, v9;
	[tilespmem:s13+$0x2460] =	vst v2;
	s13 =	smov.u32 s9  }
0xa8: {  	v9 =	vld [tilespmem:s13+$0xA420]  }
.Ltmp1:
0xa9: {  	v4 =	vadd.f32 v4, v5;
	v2 =	vld [tilespmem:s13+$0x2430];
	[tilespmem:s16+$0x2400] =	vst v3;
	(pc) =	sbr.rel @p0 .LBB2_5-.Ltmp1, $4  }
0xaa: {  	v6 =	vld [tilespmem:s13+$0xA430]  }
0xab: {  	[tilespmem:s13+$0x2400] =	vst v4;
	v4 =	vadd.f32 v7, v8;
	v3 =	vld [tilespmem:s13+$0x2440]  }
0xac: {  	v5 =	vld [tilespmem:s13+$0xA440]  }
0xad: {  	s31 =	sadd.s32 $0x400, s31;
	[tilespmem:s13+$0x2410] =	vst v4;
	v7 =	vadd.f32 v9, v10;
	v4 =	vld [tilespmem:s13+$0x2450]  }
0xae: {  	v8 =	vld [tilespmem:s13+$0xA450]  }
0xaf: {  	v9 =	vld [tilespmem:s13+$0x2460]  }
0xb0: {  	v10 =	vld [tilespmem:s13+$0xA460];
	_ =	sdelay $0x1  }
0xb1: {  	v2 =	vadd.f32 v6, v2  }
0xb2: {  	s0 =	sshll.u32 s26, $0x6;
	[tilespmem:s13+$0x2420] =	vst v7;
	v3 =	vadd.f32 v5, v3  }
0xb3: {  	s9 =	sadd.s32 s0, s6;
	[tilespmem:s13+$0x2430] =	vst v2;
	v2 =	vadd.f32 v8, v4  }
0xb4: {  	s9 =	sshll.u32 s9, $0x7;
	[tilespmem:s13+$0x2440] =	vst v3;
	v3 =	vadd.f32 v10, v9  }
0xb5: {  	s15 =	simm.s32 $0x2400;
	s9 =	sadd.s32 s4, s9;
	[tilespmem:s13+$0x2450] =	vst v2  }
0xb6: {  	s17 =	sor.u32 $0x20, s0;
	s9 =	sadd.s32 $0x400, s9;
	[tilespmem:s13+$0x2460] =	vst v3;
	s13 =	simm.s32 $0x0  }
0xb7: {  	[hbm4b:s9+s13] =	stream.linear.scatter [tilespmem:s15], [sflag:$0x6], $0x2000, $0x38;
	[tilespmem:$0x10400] =	vst v63  }
0xb8: {  	s22 =	sadd.s32 s6, s17;
	_ =	swait.ge [sflag:s19], $0x2000  }
0xb9: {  	s15 =	sshll.u32 s22, $0x7;
	[sflag:s19] =	ssyncset.done $0x0  }
0xba: {  	s16 =	simm.s32 $0x400;
	s15 =	sadd.s32 s1, s15;
	[sflag:s19] =	ssyncadd.s32 $0xFFFFE000  }
0xbb: {  	[tilespmem:s16], [sflag:$0x1] =	stream.linear.gather [hbm4b:s15+s13], $0x2000, $0x38;
	[tilespmem:$0x10400] =	vst v63  }
0xbc: {  	v2 =	vld.msk [tilespmem:s17+$0x0], $0xff;
	_ =	sdelay $0x4  }
0xbd: {  	v3 =	vshll.u32 v2, $0x3  }
0xbe: {  	v2 =	vand.u32 $0x7, v2;
	v3 =	vand.u32 $0xFFFFFFC0, v3  }
0xbf: {  	v2 =	vor.u32 v2, v3  }
0xc0: {  	v2 =	vperm.xlane v2, v0;
	_ =	sdelay $0x1  }
0xc1: {  	v2 =	vadd.s32 v1, v2;
	_ =	sdelay $0x3  }
0xc2: {  	s16 =	simm.s32 $0x8400  }
0xc3: {  	[tilespmem:s16], [sflag:$0x1] =	stream.indirect_vreg.gather [hbm4b:s3+s13], $0x80, v2, vm0, $0xb8;
	[tilespmem:$0x10400] =	vst v63  }
0xc4: {  	s17 =	simm.s32 $0x8C00  }
0xc5: {  	[tilespmem:s17], [sflag:$0x1] =	stream.indirect_vreg.gather [hbm4b:s10+s13], $0x80, v2, vm0, $0xb8;
	[tilespmem:$0x10400] =	vst v63  }
0xc6: {  	s22 =	simm.s32 $0x9400  }
0xc7: {  	[tilespmem:s22], [sflag:$0x1] =	stream.indirect_vreg.gather [hbm4b:s11+s13], $0x80, v2, vm0, $0xb8;
	[tilespmem:$0x10400] =	vst v63  }
0xc8: {  	s15 =	simm.s32 $0x9C00  }
0xc9: {  	[tilespmem:s15], [sflag:$0x1] =	stream.indirect_vreg.gather [hbm4b:s12+s13], $0x80, v2, vm0, $0xb8;
	[tilespmem:$0x10400] =	vst v63  }
0xca: {  	_ =	swait.ge [sflag:s20], $0x2000  }
0xcb: {  	[sflag:s20] =	ssyncset.done $0x0  }
0xcc: {  	[sflag:s20] =	ssyncadd.s32 $0xFFFFE000  }
0xcd: {  	s9 =	sand.u32 $0x1C00, s13;
	_ =	swait.ge [sflag:s20], $0x2000  }
0xce: {  	s16 =	sor.u32 s9, s13;
	[sflag:s20] =	ssyncset.done $0x0  }
0xcf: {  	s17 =	sor.u32 $0x70, s16;
	[sflag:s20] =	ssyncadd.s32 $0xFFFFE000  }
0xd0: {  	s22 =	sand.u32 $0x380, s13;
	v2 =	vld [tilespmem:s17+$0x4400]  }
0xd1: {  	s15 =	sor.u32 s22, s9;
	v3 =	vld [tilespmem:s17+$0xC400]  }
0xd2: {  	v4 =	vld [tilespmem:s15+$0x4400]  }
0xd3: {  	v5 =	vld [tilespmem:s15+$0xC400]  }
0xd4: {  	v7 =	vld [tilespmem:s15+$0x4410]  }
0xd5: {  	v8 =	vld [tilespmem:s15+$0xC410]  }
0xd6: {  	v62 =	vld [tilespmem:s15+$0x4420]  }
0xd7: {  	v63 =	vld [tilespmem:s15+$0xC420]  }
0xd8: {  	v6 =	vld [tilespmem:s15+$0xC430];
	v3 =	vadd.f32 v3, v2  }
0xd9: {  	v2 =	vld [tilespmem:s15+$0x4430];
	v4 =	vadd.f32 v5, v4  }
0xda: {  	v5 =	vadd.f32 v8, v7;
	[tilespmem:s17+$0x4400] =	vst v3;
	v3 =	vld [tilespmem:s15+$0x4440]  }
0xdb: {  	[tilespmem:s15+$0x4400] =	vst v4;
	v4 =	vld [tilespmem:s15+$0xC440]  }
0xdc: {  	s31 =	simm.s32 $0x0;
	s9 =	simm.s32 $0x400;
	v7 =	vadd.f32 v63, v62;
	[tilespmem:s15+$0x4410] =	vst v5;
	v5 =	vld [tilespmem:s15+$0x4450]  }
.LBB2_7:
0xdd: {  	s16 =	sand.u32 $0x1C00, s9;
	v8 =	vld [tilespmem:s15+$0xC450];
	s13 =	sadd.s32 $0x10, s13  }
0xde: {  	s31 =	sadd.s32 $0x8, s31;
	s17 =	sand.u32 $0x380, s13;
	s22 =	sor.u32 s16, s13;
	[tilespmem:s15+$0x4420] =	vst v7;
	v2 =	vadd.f32 v6, v2;
	v6 =	vld [tilespmem:s15+$0x4460]  }
0xdf: {  	p0 =	slt.u32 s31, $0x1F8;
	s16 =	sor.u32 s17, s16;
	s17 =	sor.u32 $0x70, s22;
	v7 =	vld [tilespmem:s15+$0xC460]  }
0xe0: {  	v9 =	vld [tilespmem:s17+$0x4400];
	[tilespmem:s15+$0x4430] =	vst v2;
	v2 =	vadd.f32 v4, v3  }
0xe1: {  	v3 =	vld [tilespmem:s17+$0xC400]  }
0xe2: {  	v4 =	vld [tilespmem:s16+$0x4400];
	[tilespmem:s15+$0x4440] =	vst v2;
	v2 =	vadd.f32 v8, v5  }
0xe3: {  	v5 =	vld [tilespmem:s16+$0xC400]  }
0xe4: {  	v8 =	vld [tilespmem:s16+$0x4410];
	[tilespmem:s15+$0x4450] =	vst v2;
	v2 =	vadd.f32 v7, v6  }
0xe5: {  	v7 =	vld [tilespmem:s16+$0xC410]  }
0xe6: {  	v10 =	vld [tilespmem:s16+$0x4420];
	v3 =	vadd.f32 v3, v9;
	[tilespmem:s15+$0x4460] =	vst v2;
	s15 =	smov.u32 s16  }
0xe7: {  	v9 =	vld [tilespmem:s15+$0xC420]  }
.Ltmp2:
0xe8: {  	v4 =	vadd.f32 v5, v4;
	v2 =	vld [tilespmem:s15+$0x4430];
	[tilespmem:s17+$0x4400] =	vst v3;
	(pc) =	sbr.rel @p0 .LBB2_7-.Ltmp2, $4  }
0xe9: {  	v6 =	vld [tilespmem:s15+$0xC430]  }
0xea: {  	[tilespmem:s15+$0x4400] =	vst v4;
	v5 =	vadd.f32 v7, v8;
	v3 =	vld [tilespmem:s15+$0x4440]  }
0xeb: {  	v4 =	vld [tilespmem:s15+$0xC440]  }
0xec: {  	s9 =	sadd.s32 $0x400, s9;
	[tilespmem:s15+$0x4410] =	vst v5;
	v7 =	vadd.f32 v9, v10;
	v5 =	vld [tilespmem:s15+$0x4450]  }
0xed: {  	v8 =	vld [tilespmem:s15+$0xC450]  }
0xee: {  	v9 =	vld [tilespmem:s15+$0x4460]  }
0xef: {  	v10 =	vld [tilespmem:s15+$0xC460];
	_ =	sdelay $0x1  }
0xf0: {  	v2 =	vadd.f32 v6, v2  }
0xf1: {  	[tilespmem:s15+$0x4420] =	vst v7;
	v3 =	vadd.f32 v4, v3  }
0xf2: {  	[tilespmem:s15+$0x4430] =	vst v2;
	v2 =	vadd.f32 v8, v5  }
0xf3: {  	s9 =	sadd.s32 s7, s29;
	[tilespmem:s15+$0x4440] =	vst v3;
	v3 =	vadd.f32 v10, v9  }
0xf4: {  	s9 =	sshll.u32 s9, $0xA;
	[tilespmem:s15+$0x4450] =	vst v2  }
0xf5: {  	s13 =	simm.s32 $0x0;
	s0 =	sor.u32 $0x28, s0;
	s9 =	sadd.s32 s4, s9;
	[tilespmem:s15+$0x4460] =	vst v3  }
0xf6: {  	[hbm4b:s9+s13] =	stream.linear.scatter [tilespmem:s28], [sflag:$0x7], $0x2000, $0x38;
	[tilespmem:$0x10400] =	vst v63  }
0xf7: {  	s29 =	sadd.s32 s6, s0;
	_ =	swait.ge [sflag:s21], $0x2000  }
0xf8: {  	s9 =	sshll.u32 s29, $0x7;
	[sflag:s21] =	ssyncset.done $0x0  }
0xf9: {  	s31 =	simm.s32 $0x2400;
	s9 =	sadd.s32 s1, s9;
	[sflag:s21] =	ssyncadd.s32 $0xFFFFE000  }
0xfa: {  	[tilespmem:s31], [sflag:$0x2] =	stream.linear.gather [hbm4b:s9+s13], $0x2000, $0x38;
	[tilespmem:$0x10400] =	vst v63  }
0xfb: {  	v2 =	vld.msk [tilespmem:s0+$0x0], $0xff;
	_ =	sdelay $0x4  }
0xfc: {  	v3 =	vshll.u32 v2, $0x3  }
0xfd: {  	v2 =	vand.u32 $0x7, v2;
	v3 =	vand.u32 $0xFFFFFFC0, v3  }
0xfe: {  	v2 =	vor.u32 v2, v3  }
0xff: {  	v2 =	vperm.xlane v2, v0;
	_ =	sdelay $0x1  }
0x100: {  	v2 =	vadd.s32 v1, v2;
	_ =	sdelay $0x3  }
0x101: {  	s9 =	simm.s32 $0xA400  }
0x102: {  	[tilespmem:s9], [sflag:$0x2] =	stream.indirect_vreg.gather [hbm4b:s3+s13], $0x80, v2, vm0, $0xb8;
	[tilespmem:$0x10400] =	vst v63  }
0x103: {  	s15 =	simm.s32 $0xAC00  }
0x104: {  	[tilespmem:s15], [sflag:$0x2] =	stream.indirect_vreg.gather [hbm4b:s10+s13], $0x80, v2, vm0, $0xb8;
	[tilespmem:$0x10400] =	vst v63  }
0x105: {  	s16 =	simm.s32 $0xB400  }
0x106: {  	[tilespmem:s16], [sflag:$0x2] =	stream.indirect_vreg.gather [hbm4b:s11+s13], $0x80, v2, vm0, $0xb8;
	[tilespmem:$0x10400] =	vst v63  }
0x107: {  	s17 =	simm.s32 $0xBC00  }
0x108: {  	[tilespmem:s17], [sflag:$0x2] =	stream.indirect_vreg.gather [hbm4b:s12+s13], $0x80, v2, vm0, $0xb8;
	[tilespmem:$0x10400] =	vst v63  }
0x109: {  	_ =	swait.ge [sflag:s23], $0x2000  }
0x10a: {  	[sflag:s23] =	ssyncset.done $0x0  }
0x10b: {  	[sflag:s23] =	ssyncadd.s32 $0xFFFFE000  }
0x10c: {  	s22 =	sand.u32 $0x1C00, s13;
	_ =	swait.ge [sflag:s23], $0x2000  }
0x10d: {  	s29 =	sor.u32 s22, s13;
	[sflag:s23] =	ssyncset.done $0x0  }
0x10e: {  	s9 =	sor.u32 $0x70, s29;
	[sflag:s23] =	ssyncadd.s32 $0xFFFFE000  }
0x10f: {  	s31 =	sand.u32 $0x380, s13;
	v2 =	vld [tilespmem:s9+$0x6400]  }
0x110: {  	s0 =	sor.u32 s31, s22;
	v3 =	vld [tilespmem:s9+$0xE400]  }
0x111: {  	v4 =	vld [tilespmem:s0+$0x6400]  }
0x112: {  	v5 =	vld [tilespmem:s0+$0xE400]  }
0x113: {  	v7 =	vld [tilespmem:s0+$0x6410]  }
0x114: {  	v8 =	vld [tilespmem:s0+$0xE410]  }
0x115: {  	v62 =	vld [tilespmem:s0+$0x6420]  }
0x116: {  	v63 =	vld [tilespmem:s0+$0xE420]  }
0x117: {  	v6 =	vld [tilespmem:s0+$0xE430];
	v3 =	vadd.f32 v3, v2  }
0x118: {  	v2 =	vld [tilespmem:s0+$0x6430];
	v4 =	vadd.f32 v5, v4  }
0x119: {  	v5 =	vadd.f32 v8, v7;
	[tilespmem:s9+$0x6400] =	vst v3;
	v3 =	vld [tilespmem:s0+$0x6440]  }
0x11a: {  	[tilespmem:s0+$0x6400] =	vst v4;
	v4 =	vld [tilespmem:s0+$0xE440]  }
0x11b: {  	s15 =	simm.s32 $0x0;
	v7 =	vadd.f32 v63, v62;
	[tilespmem:s0+$0x6410] =	vst v5;
	v5 =	vld [tilespmem:s0+$0x6450];
	s9 =	simm.s32 $0x400  }
.LBB2_9:
0x11c: {  	s16 =	sand.u32 $0x1C00, s9;
	v8 =	vld [tilespmem:s0+$0xE450];
	s13 =	sadd.s32 $0x10, s13  }
0x11d: {  	s15 =	sadd.s32 $0x8, s15;
	s17 =	sand.u32 $0x380, s13;
	s22 =	sor.u32 s16, s13;
	[tilespmem:s0+$0x6420] =	vst v7;
	v2 =	vadd.f32 v6, v2;
	v6 =	vld [tilespmem:s0+$0x6460]  }
0x11e: {  	p0 =	slt.u32 s15, $0x1F8;
	s16 =	sor.u32 s17, s16;
	s17 =	sor.u32 $0x70, s22;
	v7 =	vld [tilespmem:s0+$0xE460]  }
0x11f: {  	v9 =	vld [tilespmem:s17+$0x6400];
	[tilespmem:s0+$0x6430] =	vst v2;
	v2 =	vadd.f32 v4, v3  }
0x120: {  	v3 =	vld [tilespmem:s17+$0xE400]  }
0x121: {  	v4 =	vld [tilespmem:s16+$0x6400];
	[tilespmem:s0+$0x6440] =	vst v2;
	v2 =	vadd.f32 v8, v5  }
0x122: {  	v5 =	vld [tilespmem:s16+$0xE400]  }
0x123: {  	v8 =	vld [tilespmem:s16+$0x6410];
	[tilespmem:s0+$0x6450] =	vst v2;
	v2 =	vadd.f32 v7, v6  }
0x124: {  	v7 =	vld [tilespmem:s16+$0xE410]  }
0x125: {  	v10 =	vld [tilespmem:s16+$0x6420];
	v3 =	vadd.f32 v3, v9;
	[tilespmem:s0+$0x6460] =	vst v2;
	s0 =	smov.u32 s16  }
0x126: {  	v9 =	vld [tilespmem:s0+$0xE420]  }
.Ltmp3:
0x127: {  	v4 =	vadd.f32 v5, v4;
	v2 =	vld [tilespmem:s0+$0x6430];
	[tilespmem:s17+$0x6400] =	vst v3;
	(pc) =	sbr.rel @p0 .LBB2_9-.Ltmp3, $4  }
0x128: {  	v6 =	vld [tilespmem:s0+$0xE430]  }
0x129: {  	[tilespmem:s0+$0x6400] =	vst v4;
	v5 =	vadd.f32 v7, v8;
	v3 =	vld [tilespmem:s0+$0x6440]  }
0x12a: {  	v4 =	vld [tilespmem:s0+$0xE440]  }
0x12b: {  	s9 =	sadd.s32 $0x400, s9;
	[tilespmem:s0+$0x6410] =	vst v5;
	v7 =	vadd.f32 v9, v10;
	v5 =	vld [tilespmem:s0+$0x6450]  }
0x12c: {  	v8 =	vld [tilespmem:s0+$0xE450]  }
0x12d: {  	v9 =	vld [tilespmem:s0+$0x6460]  }
0x12e: {  	v10 =	vld [tilespmem:s0+$0xE460];
	_ =	sdelay $0x1  }
0x12f: {  	v2 =	vadd.f32 v6, v2  }
0x130: {  	[tilespmem:s0+$0x6420] =	vst v7;
	v3 =	vadd.f32 v4, v3  }
0x131: {  	[tilespmem:s0+$0x6430] =	vst v2;
	v2 =	vadd.f32 v8, v5  }
0x132: {  	s9 =	sadd.s32 s7, s30;
	[tilespmem:s0+$0x6440] =	vst v3;
	v3 =	vadd.f32 v10, v9  }
0x133: {  	s31 =	sshllo.u32 s26, $0x1;
	s9 =	sshll.u32 s9, $0xA;
	[tilespmem:s0+$0x6450] =	vst v2  }
0x134: {  	s29 =	simm.s32 $0x0;
	s15 =	sadd.s32 s4, s9;
	[tilespmem:s0+$0x6460] =	vst v3;
	s0 =	sshll.u32 s31, $0x2  }
0x135: {  	[hbm4b:s15+s29] =	stream.linear.scatter [tilespmem:s8], [sflag:$0x8], $0x2000, $0x38;
	[tilespmem:$0x10400] =	vst v63  }
0x136: {  	s30 =	sor.u32 $0x2, s0  }
0x137: {  	s16 =	sshll.u32 s30, $0x3  }
0x138: {  	_ =	swait.ge [sflag:s24], $0x2000;
	s13 =	sadd.s32 s6, s16  }
0x139: {  	[sflag:s24] =	ssyncset.done $0x0;
	s13 =	sshll.u32 s13, $0x7  }
0x13a: {  	[sflag:s24] =	ssyncadd.s32 $0xFFFFE000;
	s13 =	sadd.s32 s1, s13  }
0x13b: {  	[tilespmem:s28], [sflag:$0x3] =	stream.linear.gather [hbm4b:s13+s29], $0x2000, $0x38;
	[tilespmem:$0x10400] =	vst v63  }
0x13c: {  	v2 =	vld.msk [tilespmem:s16+$0x0], $0xff;
	_ =	sdelay $0x4  }
0x13d: {  	v3 =	vshll.u32 v2, $0x3  }
0x13e: {  	v2 =	vand.u32 $0x7, v2;
	v3 =	vand.u32 $0xFFFFFFC0, v3  }
0x13f: {  	v2 =	vor.u32 v2, v3  }
0x140: {  	v2 =	vperm.xlane v2, v0;
	_ =	sdelay $0x1  }
0x141: {  	v2 =	vadd.s32 v1, v2;
	_ =	sdelay $0x3  }
0x142: {  	s17 =	simm.s32 $0xC400  }
0x143: {  	[tilespmem:s17], [sflag:$0x3] =	stream.indirect_vreg.gather [hbm4b:s3+s29], $0x80, v2, vm0, $0xb8;
	[tilespmem:$0x10400] =	vst v63  }
0x144: {  	s22 =	simm.s32 $0xCC00  }
0x145: {  	[tilespmem:s22], [sflag:$0x3] =	stream.indirect_vreg.gather [hbm4b:s10+s29], $0x80, v2, vm0, $0xb8;
	[tilespmem:$0x10400] =	vst v63  }
0x146: {  	s13 =	simm.s32 $0xD400  }
0x147: {  	[tilespmem:s13], [sflag:$0x3] =	stream.indirect_vreg.gather [hbm4b:s11+s29], $0x80, v2, vm0, $0xb8;
	[tilespmem:$0x10400] =	vst v63  }
0x148: {  	s15 =	simm.s32 $0xDC00  }
0x149: {  	[tilespmem:s15], [sflag:$0x3] =	stream.indirect_vreg.gather [hbm4b:s12+s29], $0x80, v2, vm0, $0xb8;
	[tilespmem:$0x10400] =	vst v63  }
0x14a: {  	_ =	swait.ge [sflag:s2], $0x2000  }
0x14b: {  	[sflag:s2] =	ssyncset.done $0x0  }
0x14c: {  	[sflag:s2] =	ssyncadd.s32 $0xFFFFE000  }
0x14d: {  	s16 =	sand.u32 $0x1C00, s29;
	_ =	swait.ge [sflag:s2], $0x2000  }
0x14e: {  	s17 =	sor.u32 s16, s29;
	[sflag:s2] =	ssyncset.done $0x0  }
0x14f: {  	s15 =	sor.u32 $0x70, s17;
	[sflag:s2] =	ssyncadd.s32 $0xFFFFE000  }
0x150: {  	s22 =	sand.u32 $0x380, s29;
	v2 =	vld [tilespmem:s15+$0x400]  }
0x151: {  	s13 =	sor.u32 s22, s16;
	v3 =	vld [tilespmem:s15+$0x8400]  }
0x152: {  	v4 =	vld [tilespmem:s13+$0x400]  }
0x153: {  	v5 =	vld [tilespmem:s13+$0x8400]  }
0x154: {  	v7 =	vld [tilespmem:s13+$0x410]  }
0x155: {  	v8 =	vld [tilespmem:s13+$0x8410]  }
0x156: {  	v62 =	vld [tilespmem:s13+$0x420]  }
0x157: {  	v63 =	vld [tilespmem:s13+$0x8420]  }
0x158: {  	v6 =	vld [tilespmem:s13+$0x8430];
	v3 =	vadd.f32 v3, v2  }
0x159: {  	v2 =	vld [tilespmem:s13+$0x430];
	v4 =	vadd.f32 v5, v4  }
0x15a: {  	v5 =	vadd.f32 v8, v7;
	[tilespmem:s15+$0x400] =	vst v3;
	v3 =	vld [tilespmem:s13+$0x440]  }
0x15b: {  	[tilespmem:s13+$0x400] =	vst v4;
	v4 =	vld [tilespmem:s13+$0x8440]  }
0x15c: {  	s9 =	simm.s32 $0x400;
	v7 =	vadd.f32 v63, v62;
	s15 =	simm.s32 $0x0;
	[tilespmem:s13+$0x410] =	vst v5;
	v5 =	vld [tilespmem:s13+$0x450]  }
.LBB2_11:
0x15d: {  	s16 =	sand.u32 $0x1C00, s9;
	v8 =	vld [tilespmem:s13+$0x8450];
	s29 =	sadd.s32 $0x10, s29  }
0x15e: {  	s15 =	sadd.s32 $0x8, s15;
	s17 =	sand.u32 $0x380, s29;
	s22 =	sor.u32 s16, s29;
	[tilespmem:s13+$0x420] =	vst v7;
	v2 =	vadd.f32 v6, v2;
	v6 =	vld [tilespmem:s13+$0x460]  }
0x15f: {  	p0 =	slt.u32 s15, $0x1F8;
	s16 =	sor.u32 s17, s16;
	s17 =	sor.u32 $0x70, s22;
	v7 =	vld [tilespmem:s13+$0x8460]  }
0x160: {  	v9 =	vld [tilespmem:s17+$0x400];
	[tilespmem:s13+$0x430] =	vst v2;
	v2 =	vadd.f32 v4, v3  }
0x161: {  	v3 =	vld [tilespmem:s17+$0x8400]  }
0x162: {  	v4 =	vld [tilespmem:s16+$0x400];
	[tilespmem:s13+$0x440] =	vst v2;
	v2 =	vadd.f32 v8, v5  }
0x163: {  	v5 =	vld [tilespmem:s16+$0x8400]  }
0x164: {  	v8 =	vld [tilespmem:s16+$0x410];
	[tilespmem:s13+$0x450] =	vst v2;
	v2 =	vadd.f32 v7, v6  }
0x165: {  	v7 =	vld [tilespmem:s16+$0x8410]  }
0x166: {  	v10 =	vld [tilespmem:s16+$0x420];
	v3 =	vadd.f32 v3, v9;
	[tilespmem:s13+$0x460] =	vst v2;
	s13 =	smov.u32 s16  }
0x167: {  	v9 =	vld [tilespmem:s13+$0x8420]  }
.Ltmp4:
0x168: {  	v4 =	vadd.f32 v5, v4;
	v2 =	vld [tilespmem:s13+$0x430];
	[tilespmem:s17+$0x400] =	vst v3;
	(pc) =	sbr.rel @p0 .LBB2_11-.Ltmp4, $4  }
0x169: {  	v6 =	vld [tilespmem:s13+$0x8430]  }
0x16a: {  	[tilespmem:s13+$0x400] =	vst v4;
	v5 =	vadd.f32 v7, v8;
	v3 =	vld [tilespmem:s13+$0x440]  }
0x16b: {  	v4 =	vld [tilespmem:s13+$0x8440]  }
0x16c: {  	s9 =	sadd.s32 $0x400, s9;
	[tilespmem:s13+$0x410] =	vst v5;
	v7 =	vadd.f32 v9, v10;
	v5 =	vld [tilespmem:s13+$0x450]  }
0x16d: {  	v8 =	vld [tilespmem:s13+$0x8450]  }
0x16e: {  	v9 =	vld [tilespmem:s13+$0x460]  }
0x16f: {  	v10 =	vld [tilespmem:s13+$0x8460];
	_ =	sdelay $0x1  }
0x170: {  	v2 =	vadd.f32 v6, v2  }
0x171: {  	[tilespmem:s13+$0x420] =	vst v7;
	v3 =	vadd.f32 v4, v3  }
0x172: {  	[tilespmem:s13+$0x430] =	vst v2;
	v2 =	vadd.f32 v8, v5  }
0x173: {  	[tilespmem:s13+$0x440] =	vst v3;
	v3 =	vadd.f32 v10, v9  }
0x174: {  	s9 =	sshll.u32 s31, $0xC;
	s15 =	simm.s32 $0x400;
	s29 =	sor.u32 $0x3, s0;
	[tilespmem:s13+$0x450] =	vst v2  }
0x175: {  	s9 =	sadd.s32 s9, s14;
	s0 =	sshll.u32 s29, $0x3;
	[tilespmem:s13+$0x460] =	vst v3;
	s13 =	simm.s32 $0x0  }
0x176: {  	[hbm4b:s9+s13] =	stream.linear.scatter [tilespmem:s15], [sflag:$0x5], $0x2000, $0x38;
	[tilespmem:$0x10400] =	vst v63  }
0x177: {  	s16 =	sadd.s32 s6, s0;
	_ =	swait.ge [sflag:s25], $0x2000  }
0x178: {  	s9 =	sshll.u32 s16, $0x7;
	[sflag:s25] =	ssyncset.done $0x0  }
0x179: {  	s9 =	sadd.s32 s1, s9;
	[sflag:s25] =	ssyncadd.s32 $0xFFFFE000  }
0x17a: {  	[tilespmem:s8], [sflag:$0x4] =	stream.linear.gather [hbm4b:s9+s13], $0x2000, $0x38;
	[tilespmem:$0x10400] =	vst v63  }
0x17b: {  	v2 =	vld.msk [tilespmem:s0+$0x0], $0xff;
	_ =	sdelay $0x4  }
0x17c: {  	v3 =	vshll.u32 v2, $0x3  }
0x17d: {  	v2 =	vand.u32 $0x7, v2;
	v3 =	vand.u32 $0xFFFFFFC0, v3  }
0x17e: {  	v2 =	vor.u32 v2, v3  }
0x17f: {  	v2 =	vperm.xlane v2, v0;
	_ =	sdelay $0x1  }
0x180: {  	v2 =	vadd.s32 v1, v2;
	_ =	sdelay $0x3  }
0x181: {  	s17 =	simm.s32 $0xE400  }
0x182: {  	[tilespmem:s17], [sflag:$0x4] =	stream.indirect_vreg.gather [hbm4b:s3+s13], $0x80, v2, vm0, $0xb8;
	[tilespmem:$0x10400] =	vst v63  }
0x183: {  	s22 =	simm.s32 $0xEC00  }
0x184: {  	[tilespmem:s22], [sflag:$0x4] =	stream.indirect_vreg.gather [hbm4b:s10+s13], $0x80, v2, vm0, $0xb8;
	[tilespmem:$0x10400] =	vst v63  }
0x185: {  	s9 =	simm.s32 $0xF400  }
0x186: {  	[tilespmem:s9], [sflag:$0x4] =	stream.indirect_vreg.gather [hbm4b:s11+s13], $0x80, v2, vm0, $0xb8;
	[tilespmem:$0x10400] =	vst v63  }
0x187: {  	s15 =	simm.s32 $0xFC00  }
0x188: {  	[tilespmem:s15], [sflag:$0x4] =	stream.indirect_vreg.gather [hbm4b:s12+s13], $0x80, v2, vm0, $0xb8;
	[tilespmem:$0x10400] =	vst v63  }
0x189: {  	_ =	swait.ge [sflag:s18], $0x2000  }
0x18a: {  	[sflag:s18] =	ssyncset.done $0x0  }
0x18b: {  	[sflag:s18] =	ssyncadd.s32 $0xFFFFE000  }
0x18c: {  	s16 =	sand.u32 $0x1C00, s13;
	_ =	swait.ge [sflag:s18], $0x2000  }
0x18d: {  	s17 =	sor.u32 s16, s13;
	[sflag:s18] =	ssyncset.done $0x0  }
0x18e: {  	s9 =	sor.u32 $0x70, s17;
	[sflag:s18] =	ssyncadd.s32 $0xFFFFE000  }
0x18f: {  	s22 =	sand.u32 $0x380, s13;
	v2 =	vld [tilespmem:s9+$0x2400]  }
0x190: {  	s15 =	sor.u32 s22, s16;
	v3 =	vld [tilespmem:s9+$0xA400]  }
0x191: {  	v4 =	vld [tilespmem:s15+$0x2400]  }
0x192: {  	v5 =	vld [tilespmem:s15+$0xA400]  }
0x193: {  	v7 =	vld [tilespmem:s15+$0x2410]  }
0x194: {  	v8 =	vld [tilespmem:s15+$0xA410]  }
0x195: {  	v62 =	vld [tilespmem:s15+$0x2420]  }
0x196: {  	v63 =	vld [tilespmem:s15+$0xA420]  }
0x197: {  	v6 =	vld [tilespmem:s15+$0xA430];
	v3 =	vadd.f32 v3, v2  }
0x198: {  	v2 =	vld [tilespmem:s15+$0x2430];
	v4 =	vadd.f32 v5, v4  }
0x199: {  	v7 =	vadd.f32 v8, v7;
	v5 =	vld [tilespmem:s15+$0xA440];
	[tilespmem:s9+$0x2400] =	vst v3  }
0x19a: {  	v3 =	vld [tilespmem:s15+$0x2440];
	[tilespmem:s15+$0x2400] =	vst v4  }
0x19b: {  	s0 =	simm.s32 $0x0;
	[tilespmem:s15+$0x2410] =	vst v7;
	v7 =	vadd.f32 v63, v62;
	v4 =	vld [tilespmem:s15+$0x2450];
	s9 =	simm.s32 $0x400  }
.LBB2_13:
0x19c: {  	s16 =	sand.u32 $0x1C00, s9;
	v8 =	vld [tilespmem:s15+$0xA450];
	s13 =	sadd.s32 $0x10, s13  }
0x19d: {  	s0 =	sadd.s32 $0x8, s0;
	s17 =	sand.u32 $0x380, s13;
	s22 =	sor.u32 s16, s13;
	[tilespmem:s15+$0x2420] =	vst v7;
	v2 =	vadd.f32 v6, v2;
	v6 =	vld [tilespmem:s15+$0x2460]  }
0x19e: {  	p0 =	slt.u32 s0, $0x1F8;
	s16 =	sor.u32 s17, s16;
	s17 =	sor.u32 $0x70, s22;
	v7 =	vld [tilespmem:s15+$0xA460]  }
0x19f: {  	v9 =	vld [tilespmem:s17+$0x2400];
	[tilespmem:s15+$0x2430] =	vst v2;
	v2 =	vadd.f32 v5, v3  }
0x1a0: {  	v3 =	vld [tilespmem:s17+$0xA400]  }
0x1a1: {  	v5 =	vld [tilespmem:s16+$0x2400];
	[tilespmem:s15+$0x2440] =	vst v2;
	v2 =	vadd.f32 v8, v4  }
0x1a2: {  	v4 =	vld [tilespmem:s16+$0xA400]  }
0x1a3: {  	v8 =	vld [tilespmem:s16+$0x2410];
	[tilespmem:s15+$0x2450] =	vst v2;
	v2 =	vadd.f32 v7, v6  }
0x1a4: {  	v7 =	vld [tilespmem:s16+$0xA410]  }
0x1a5: {  	v10 =	vld [tilespmem:s16+$0x2420];
	v3 =	vadd.f32 v3, v9;
	[tilespmem:s15+$0x2460] =	vst v2;
	s15 =	smov.u32 s16  }
0x1a6: {  	v9 =	vld [tilespmem:s15+$0xA420]  }
.Ltmp5:
0x1a7: {  	v4 =	vadd.f32 v4, v5;
	v2 =	vld [tilespmem:s15+$0x2430];
	[tilespmem:s17+$0x2400] =	vst v3;
	(pc) =	sbr.rel @p0 .LBB2_13-.Ltmp5, $4  }
0x1a8: {  	v6 =	vld [tilespmem:s15+$0xA430]  }
0x1a9: {  	[tilespmem:s15+$0x2400] =	vst v4;
	v4 =	vadd.f32 v7, v8;
	v3 =	vld [tilespmem:s15+$0x2440]  }
0x1aa: {  	v5 =	vld [tilespmem:s15+$0xA440]  }
0x1ab: {  	s9 =	sadd.s32 $0x400, s9;
	[tilespmem:s15+$0x2410] =	vst v4;
	v7 =	vadd.f32 v9, v10;
	v4 =	vld [tilespmem:s15+$0x2450]  }
0x1ac: {  	v8 =	vld [tilespmem:s15+$0xA450]  }
0x1ad: {  	v9 =	vld [tilespmem:s15+$0x2460]  }
0x1ae: {  	v10 =	vld [tilespmem:s15+$0xA460];
	_ =	sdelay $0x1  }
0x1af: {  	v2 =	vadd.f32 v6, v2  }
0x1b0: {  	s0 =	sshll.u32 s31, $0x5;
	[tilespmem:s15+$0x2420] =	vst v7;
	v3 =	vadd.f32 v5, v3  }
0x1b1: {  	s9 =	sadd.s32 s0, s6;
	[tilespmem:s15+$0x2430] =	vst v2;
	v2 =	vadd.f32 v8, v4  }
0x1b2: {  	s9 =	sshll.u32 s9, $0x7;
	[tilespmem:s15+$0x2440] =	vst v3;
	v3 =	vadd.f32 v10, v9  }
0x1b3: {  	s9 =	sadd.s32 s4, s9;
	[tilespmem:s15+$0x2450] =	vst v2  }
0x1b4: {  	s13 =	simm.s32 $0x2400;
	p0 =	sgt.u32 s31, $0x1E;
	s9 =	sadd.s32 $0x400, s9;
	[tilespmem:s15+$0x2460] =	vst v3  }
0x1b5: {  	[hbm4b:s9+s5] =	stream.linear.scatter [tilespmem:s13], [sflag:$0x6], $0x2000, $0x38;
	[tilespmem:$0x10400] =	vst v63  }
0x1b6: {  	s9 =	sadd.s32 @!p0 $0x20, s0  }
0x1b7: {  	_ =	swait.ge [sflag:s19], $0x2000;
	s9 =	sadd.s32 @!p0 s6, s9  }
0x1b8: {  	s15 =	simm.s32 @!p0 $0x400;
	[sflag:s19] =	ssyncset.done $0x0;
	s9 =	sshll.u32 @!p0 s9, $0x7  }
0x1b9: {  	s13 =	simm.s32 @!p0 $0x0;
	[sflag:s19] =	ssyncadd.s32 $0xFFFFE000;
	s9 =	sadd.s32 @!p0 s1, s9  }
0x1ba: {  	[tilespmem:s15], [sflag:$0x1] =	stream.linear.gather @!p0 [hbm4b:s9+s13], $0x2000, $0x38;
	[tilespmem:$0x10400] =	vst v63  }
0x1bb: {  	v2 =	vld.msk @!p0 [tilespmem:s0+$0x20], $0xff;
	_ =	sdelay $0x4  }
0x1bc: {  	v3 =	vshll.u32 @!p0 v2, $0x3  }
0x1bd: {  	v4 =	vlaneseq.u32 @!p0;
	v2 =	vand.u32 @!p0 $0x7, v2;
	v3 =	vand.u32 @!p0 $0xFFFFFFC0, v3  }
0x1be: {  	v2 =	vor.u32 @!p0 v2, v3;
	v3 =	vand.u32 @!p0 $0x7, v4;
	v4 =	vshrl.u32 @!p0 v4, $0x3  }
0x1bf: {  	v2 =	vperm.xlane @!p0 v2, v3;
	v3 =	vmul.u32 @!p0 $0x8, v4;
	_ =	sdelay $0x1  }
0x1c0: {  	v2 =	vadd.s32 @!p0 v3, v2;
	_ =	sdelay $0x3  }
0x1c1: {  	vm1 =	vmmov @!p0 $0xffff;
	s9 =	simm.s32 @!p0 $0x8400  }
0x1c2: {  	[tilespmem:s9], [sflag:$0x1] =	stream.indirect_vreg.gather @!p0 [hbm4b:s3+s13], $0x80, v2, vm1, $0xb8;
	[tilespmem:$0x10400] =	vst v63  }
0x1c3: {  	s9 =	simm.s32 @!p0 $0x8C00  }
0x1c4: {  	[tilespmem:s9], [sflag:$0x1] =	stream.indirect_vreg.gather @!p0 [hbm4b:s10+s13], $0x80, v2, vm1, $0xb8;
	[tilespmem:$0x10400] =	vst v63  }
0x1c5: {  	s9 =	simm.s32 @!p0 $0x9400  }
0x1c6: {  	[tilespmem:s9], [sflag:$0x1] =	stream.indirect_vreg.gather @!p0 [hbm4b:s11+s13], $0x80, v2, vm1, $0xb8;
	[tilespmem:$0x10400] =	vst v63  }
0x1c7: {  	s9 =	simm.s32 @!p0 $0x9C00  }
0x1c8: {  	[tilespmem:s9], [sflag:$0x1] =	stream.indirect_vreg.gather @!p0 [hbm4b:s12+s13], $0x80, v2, vm1, $0xb8;
	[tilespmem:$0x10400] =	vst v63  }
0x1c9: {  	_ =	swait.ge [sflag:s20], $0x2000  }
0x1ca: {  	[sflag:s20] =	ssyncset.done $0x0  }
0x1cb: {  	s15 =	simm.s32 $0x0;
	[sflag:s20] =	ssyncadd.s32 $0xFFFFE000  }
0x1cc: {  	s9 =	sand.u32 $0x1C00, s15;
	_ =	swait.ge [sflag:s20], $0x2000  }
0x1cd: {  	s17 =	sor.u32 s9, s15;
	[sflag:s20] =	ssyncset.done $0x0  }
0x1ce: {  	s16 =	sor.u32 $0x70, s17;
	[sflag:s20] =	ssyncadd.s32 $0xFFFFE000  }
0x1cf: {  	s22 =	sand.u32 $0x380, s15;
	v2 =	vld [tilespmem:s16+$0x4400]  }
0x1d0: {  	s13 =	sor.u32 s22, s9;
	v3 =	vld [tilespmem:s16+$0xC400]  }
0x1d1: {  	v4 =	vld [tilespmem:s13+$0x4400]  }
0x1d2: {  	v5 =	vld [tilespmem:s13+$0xC400]  }
0x1d3: {  	v7 =	vld [tilespmem:s13+$0x4410]  }
0x1d4: {  	v8 =	vld [tilespmem:s13+$0xC410]  }
0x1d5: {  	v62 =	vld [tilespmem:s13+$0x4420]  }
0x1d6: {  	v63 =	vld [tilespmem:s13+$0xC420]  }
0x1d7: {  	v6 =	vld [tilespmem:s13+$0xC430];
	v3 =	vadd.f32 v3, v2  }
0x1d8: {  	v2 =	vld [tilespmem:s13+$0x4430];
	v4 =	vadd.f32 v5, v4  }
0x1d9: {  	v5 =	vadd.f32 v8, v7;
	[tilespmem:s16+$0x4400] =	vst v3;
	v3 =	vld [tilespmem:s13+$0x4440]  }
0x1da: {  	[tilespmem:s13+$0x4400] =	vst v4;
	v4 =	vld [tilespmem:s13+$0xC440]  }
0x1db: {  	s31 =	simm.s32 $0x0;
	s9 =	simm.s32 $0x400;
	v7 =	vadd.f32 v63, v62;
	[tilespmem:s13+$0x4410] =	vst v5;
	v5 =	vld [tilespmem:s13+$0x4450]  }
.LBB2_15:
0x1dc: {  	s16 =	sand.u32 $0x1C00, s9;
	v8 =	vld [tilespmem:s13+$0xC450];
	s15 =	sadd.s32 $0x10, s15  }
0x1dd: {  	s31 =	sadd.s32 $0x8, s31;
	s17 =	sand.u32 $0x380, s15;
	s22 =	sor.u32 s16, s15;
	[tilespmem:s13+$0x4420] =	vst v7;
	v2 =	vadd.f32 v6, v2;
	v6 =	vld [tilespmem:s13+$0x4460]  }
0x1de: {  	p1 =	slt.u32 s31, $0x1F8;
	s16 =	sor.u32 s17, s16;
	s17 =	sor.u32 $0x70, s22;
	v7 =	vld [tilespmem:s13+$0xC460]  }
0x1df: {  	v9 =	vld [tilespmem:s17+$0x4400];
	[tilespmem:s13+$0x4430] =	vst v2;
	v2 =	vadd.f32 v4, v3  }
0x1e0: {  	v3 =	vld [tilespmem:s17+$0xC400]  }
0x1e1: {  	v4 =	vld [tilespmem:s16+$0x4400];
	[tilespmem:s13+$0x4440] =	vst v2;
	v2 =	vadd.f32 v8, v5  }
0x1e2: {  	v5 =	vld [tilespmem:s16+$0xC400]  }
0x1e3: {  	v8 =	vld [tilespmem:s16+$0x4410];
	[tilespmem:s13+$0x4450] =	vst v2;
	v2 =	vadd.f32 v7, v6  }
0x1e4: {  	v7 =	vld [tilespmem:s16+$0xC410]  }
0x1e5: {  	v10 =	vld [tilespmem:s16+$0x4420];
	v3 =	vadd.f32 v3, v9;
	[tilespmem:s13+$0x4460] =	vst v2;
	s13 =	smov.u32 s16  }
0x1e6: {  	v9 =	vld [tilespmem:s13+$0xC420]  }
.Ltmp6:
0x1e7: {  	v4 =	vadd.f32 v5, v4;
	v2 =	vld [tilespmem:s13+$0x4430];
	[tilespmem:s17+$0x4400] =	vst v3;
	(pc) =	sbr.rel @p1 .LBB2_15-.Ltmp6, $4  }
0x1e8: {  	v6 =	vld [tilespmem:s13+$0xC430]  }
0x1e9: {  	[tilespmem:s13+$0x4400] =	vst v4;
	v5 =	vadd.f32 v7, v8;
	v3 =	vld [tilespmem:s13+$0x4440]  }
0x1ea: {  	v4 =	vld [tilespmem:s13+$0xC440]  }
0x1eb: {  	s9 =	sadd.s32 $0x400, s9;
	[tilespmem:s13+$0x4410] =	vst v5;
	v7 =	vadd.f32 v9, v10;
	v5 =	vld [tilespmem:s13+$0x4450]  }
0x1ec: {  	v8 =	vld [tilespmem:s13+$0xC450]  }
0x1ed: {  	v9 =	vld [tilespmem:s13+$0x4460]  }
0x1ee: {  	v10 =	vld [tilespmem:s13+$0xC460];
	_ =	sdelay $0x1  }
0x1ef: {  	v2 =	vadd.f32 v6, v2  }
0x1f0: {  	[tilespmem:s13+$0x4420] =	vst v7;
	v3 =	vadd.f32 v4, v3  }
0x1f1: {  	[tilespmem:s13+$0x4430] =	vst v2;
	v2 =	vadd.f32 v8, v5  }
0x1f2: {  	s9 =	sadd.s32 s7, s30;
	[tilespmem:s13+$0x4440] =	vst v3;
	v3 =	vadd.f32 v10, v9  }
0x1f3: {  	s9 =	sshll.u32 s9, $0xA;
	[tilespmem:s13+$0x4450] =	vst v2  }
0x1f4: {  	s9 =	sadd.s32 s4, s9;
	[tilespmem:s13+$0x4460] =	vst v3  }
0x1f5: {  	[hbm4b:s9+s5] =	stream.linear.scatter [tilespmem:s28], [sflag:$0x7], $0x2000, $0x38;
	[tilespmem:$0x10400] =	vst v63  }
0x1f6: {  	s9 =	sadd.s32 @!p0 $0x28, s0  }
0x1f7: {  	_ =	swait.ge [sflag:s21], $0x2000;
	s9 =	sadd.s32 @!p0 s6, s9  }
0x1f8: {  	s15 =	simm.s32 @!p0 $0x2400;
	[sflag:s21] =	ssyncset.done $0x0;
	s9 =	sshll.u32 @!p0 s9, $0x7  }
0x1f9: {  	s13 =	simm.s32 @!p0 $0x0;
	[sflag:s21] =	ssyncadd.s32 $0xFFFFE000;
	s9 =	sadd.s32 @!p0 s1, s9  }
0x1fa: {  	[tilespmem:s15], [sflag:$0x2] =	stream.linear.gather @!p0 [hbm4b:s9+s13], $0x2000, $0x38;
	[tilespmem:$0x10400] =	vst v63  }
0x1fb: {  	v2 =	vld.msk @!p0 [tilespmem:s0+$0x28], $0xff;
	_ =	sdelay $0x4  }
0x1fc: {  	v3 =	vshll.u32 @!p0 v2, $0x3  }
0x1fd: {  	v4 =	vlaneseq.u32 @!p0;
	v2 =	vand.u32 @!p0 $0x7, v2;
	v3 =	vand.u32 @!p0 $0xFFFFFFC0, v3  }
0x1fe: {  	v2 =	vor.u32 @!p0 v2, v3;
	v3 =	vand.u32 @!p0 $0x7, v4;
	v4 =	vshrl.u32 @!p0 v4, $0x3  }
0x1ff: {  	v2 =	vperm.xlane @!p0 v2, v3;
	v3 =	vmul.u32 @!p0 $0x8, v4;
	_ =	sdelay $0x1  }
0x200: {  	v2 =	vadd.s32 @!p0 v3, v2;
	_ =	sdelay $0x3  }
0x201: {  	s0 =	simm.s32 @!p0 $0xA400  }
0x202: {  	[tilespmem:s0], [sflag:$0x2] =	stream.indirect_vreg.gather @!p0 [hbm4b:s3+s13], $0x80, v2, vm1, $0xb8;
	[tilespmem:$0x10400] =	vst v63  }
0x203: {  	s0 =	simm.s32 @!p0 $0xAC00  }
0x204: {  	[tilespmem:s0], [sflag:$0x2] =	stream.indirect_vreg.gather @!p0 [hbm4b:s10+s13], $0x80, v2, vm1, $0xb8;
	[tilespmem:$0x10400] =	vst v63  }
0x205: {  	s0 =	simm.s32 @!p0 $0xB400  }
0x206: {  	[tilespmem:s0], [sflag:$0x2] =	stream.indirect_vreg.gather @!p0 [hbm4b:s11+s13], $0x80, v2, vm1, $0xb8;
	[tilespmem:$0x10400] =	vst v63  }
0x207: {  	s0 =	simm.s32 @!p0 $0xBC00  }
0x208: {  	[tilespmem:s0], [sflag:$0x2] =	stream.indirect_vreg.gather @!p0 [hbm4b:s12+s13], $0x80, v2, vm1, $0xb8;
	[tilespmem:$0x10400] =	vst v63  }
0x209: {  	_ =	swait.ge [sflag:s23], $0x2000  }
0x20a: {  	[sflag:s23] =	ssyncset.done $0x0  }
0x20b: {  	s13 =	simm.s32 $0x0;
	[sflag:s23] =	ssyncadd.s32 $0xFFFFE000  }
0x20c: {  	s22 =	sand.u32 $0x1C00, s13;
	_ =	swait.ge [sflag:s23], $0x2000  }
0x20d: {  	s30 =	sor.u32 s22, s13;
	[sflag:s23] =	ssyncset.done $0x0  }
0x20e: {  	s9 =	sor.u32 $0x70, s30;
	[sflag:s23] =	ssyncadd.s32 $0xFFFFE000  }
0x20f: {  	s31 =	sand.u32 $0x380, s13;
	v2 =	vld [tilespmem:s9+$0x6400]  }
0x210: {  	s0 =	sor.u32 s31, s22;
	v3 =	vld [tilespmem:s9+$0xE400]  }
0x211: {  	v4 =	vld [tilespmem:s0+$0x6400]  }
0x212: {  	v5 =	vld [tilespmem:s0+$0xE400]  }
0x213: {  	v7 =	vld [tilespmem:s0+$0x6410]  }
0x214: {  	v8 =	vld [tilespmem:s0+$0xE410]  }
0x215: {  	v62 =	vld [tilespmem:s0+$0x6420]  }
0x216: {  	v63 =	vld [tilespmem:s0+$0xE420]  }
0x217: {  	v6 =	vld [tilespmem:s0+$0xE430];
	v3 =	vadd.f32 v3, v2  }
0x218: {  	v2 =	vld [tilespmem:s0+$0x6430];
	v4 =	vadd.f32 v5, v4  }
0x219: {  	v5 =	vadd.f32 v8, v7;
	[tilespmem:s9+$0x6400] =	vst v3;
	v3 =	vld [tilespmem:s0+$0x6440]  }
0x21a: {  	[tilespmem:s0+$0x6400] =	vst v4;
	v4 =	vld [tilespmem:s0+$0xE440]  }
0x21b: {  	s15 =	simm.s32 $0x0;
	v7 =	vadd.f32 v63, v62;
	[tilespmem:s0+$0x6410] =	vst v5;
	v5 =	vld [tilespmem:s0+$0x6450];
	s9 =	simm.s32 $0x400  }
.LBB2_17:
0x21c: {  	s16 =	sand.u32 $0x1C00, s9;
	v8 =	vld [tilespmem:s0+$0xE450];
	s13 =	sadd.s32 $0x10, s13  }
0x21d: {  	s15 =	sadd.s32 $0x8, s15;
	s17 =	sand.u32 $0x380, s13;
	s22 =	sor.u32 s16, s13;
	[tilespmem:s0+$0x6420] =	vst v7;
	v2 =	vadd.f32 v6, v2;
	v6 =	vld [tilespmem:s0+$0x6460]  }
0x21e: {  	p0 =	slt.u32 s15, $0x1F8;
	s16 =	sor.u32 s17, s16;
	s17 =	sor.u32 $0x70, s22;
	v7 =	vld [tilespmem:s0+$0xE460]  }
0x21f: {  	v9 =	vld [tilespmem:s17+$0x6400];
	[tilespmem:s0+$0x6430] =	vst v2;
	v2 =	vadd.f32 v4, v3  }
0x220: {  	v3 =	vld [tilespmem:s17+$0xE400]  }
0x221: {  	v4 =	vld [tilespmem:s16+$0x6400];
	[tilespmem:s0+$0x6440] =	vst v2;
	v2 =	vadd.f32 v8, v5  }
0x222: {  	v5 =	vld [tilespmem:s16+$0xE400]  }
0x223: {  	v8 =	vld [tilespmem:s16+$0x6410];
	[tilespmem:s0+$0x6450] =	vst v2;
	v2 =	vadd.f32 v7, v6  }
0x224: {  	v7 =	vld [tilespmem:s16+$0xE410]  }
0x225: {  	v10 =	vld [tilespmem:s16+$0x6420];
	v3 =	vadd.f32 v3, v9;
	[tilespmem:s0+$0x6460] =	vst v2;
	s0 =	smov.u32 s16  }
0x226: {  	v9 =	vld [tilespmem:s0+$0xE420]  }
.Ltmp7:
0x227: {  	v4 =	vadd.f32 v5, v4;
	v2 =	vld [tilespmem:s0+$0x6430];
	[tilespmem:s17+$0x6400] =	vst v3;
	(pc) =	sbr.rel @p0 .LBB2_17-.Ltmp7, $4  }
0x228: {  	v6 =	vld [tilespmem:s0+$0xE430]  }
0x229: {  	[tilespmem:s0+$0x6400] =	vst v4;
	v5 =	vadd.f32 v7, v8;
	v3 =	vld [tilespmem:s0+$0x6440]  }
0x22a: {  	v4 =	vld [tilespmem:s0+$0xE440]  }
0x22b: {  	s9 =	sadd.s32 $0x400, s9;
	[tilespmem:s0+$0x6410] =	vst v5;
	v7 =	vadd.f32 v9, v10;
	v5 =	vld [tilespmem:s0+$0x6450]  }
0x22c: {  	v8 =	vld [tilespmem:s0+$0xE450]  }
0x22d: {  	v9 =	vld [tilespmem:s0+$0x6460]  }
0x22e: {  	v10 =	vld [tilespmem:s0+$0xE460];
	_ =	sdelay $0x1  }
0x22f: {  	s26 =	sadd.s32 $0x1, s26;
	v2 =	vadd.f32 v6, v2  }
0x230: {  	[tilespmem:s0+$0x6420] =	vst v7;
	p0 =	sne.s32 s26, $0x10;
	v3 =	vadd.f32 v4, v3  }
.Ltmp8:
0x231: {  	[tilespmem:s0+$0x6430] =	vst v2;
	v2 =	vadd.f32 v8, v5;
	(pc) =	sbr.rel @p0 .LBB2_2-.Ltmp8, $4  }
0x232: {  	s9 =	sadd.s32 s7, s29;
	[tilespmem:s0+$0x6440] =	vst v3;
	v3 =	vadd.f32 v10, v9  }
0x233: {  	s9 =	sshll.u32 s9, $0xA;
	[tilespmem:s0+$0x6450] =	vst v2  }
0x234: {  	s31 =	sadd.s32 s4, s9;
	[tilespmem:s0+$0x6460] =	vst v3  }
0x235: {  	[hbm4b:s31+s5] =	stream.linear.scatter [tilespmem:s8], [sflag:$0x8], $0x2000, $0x38;
	[tilespmem:$0x10400] =	vst v63  }
0x236: {  	_ =	swait.ge [sflag:s24], $0x2000  }
0x237: {  	[sflag:s24] =	ssyncset.done $0x0  }
0x238: {  	[sflag:s24] =	ssyncadd.s32 $0xFFFFE000  }
0x239: {  	_ =	swait.ge [sflag:s25], $0x2000  }
0x23a: {  	s9 =	rddreg [dreg:$0x9]  }
0x23b: {  	s0 =	rddreg [dreg:$0x8];
	s9 =	sadd.s32 $0x1, s9  }
0x23c: {  	p0 =	sne.s32 s9, s0  }
.Ltmp9:
0x23d: {  	_ = 	snop;
	(pc) =	sbr.rel @p0 .LBB2_1-.Ltmp9, $3  }
0x23e: {  	_ =	sdelay $0x1  }
0x23f: {  	[sflag:s25] =	ssyncset.done $0x0  }
0x240: {  	[sflag:s25] =	ssyncadd.s32 $0xFFFFE000  }
0x241: {  	_ =	sfence.sel $0x180000  }
0x242: {  	[bflag:$0x0] =	sbarrier.arrive $0xFFFF  }
0x243: {  	_ =	strace $0x90000047  }
0x244: {  	s0 =	stileid.u32;
	[bflag:$0x2] =	sbarrier.arrive $0xFFFF  }
0x245: {  	p0 =	sne.s32 s0, $0x0;
	s0 =	rddreg [dreg:$0x4]  }
0x246: {  	s0 =	sadd.s32 @!p0 $0x100000, s0  }
0x247: {  	[sflag:s0] =	ssyncadd.tile.s32 @!p0 $0x1;
	_ =	shalt  }
.Lfunc_end2:
_tile_overlayer_lowered:
.L_overlay_start_2:
0x248: {  	(tag) =	ssettag $0x2  }
0x249: {  	s0 =	rddreg [dreg:$0x0];
	s2 =	stileid.u32  }
0x24a: {  	s1 =	rddreg [dreg:$0x1];
	p0 =	sne.s32 s2, $0x0  }
0x24b: {  	s3 =	rddreg [dreg:$0x2];
	[bflag:$0x3] =	sbarrier.arrive $0xFFFF;
	s2 =	simm.s32 @!p0 $0x1C09  }
0x24c: {  	[timem:s3], [sflag:s2] =	dma.local @!p0 [hbm:s0], s1  }
0x24d: {  	s0 =	simm.s32 @!p0 $0x9  }
0x24e: {  	_ =	swait.ge @!p0 [sflag:s0], s1  }
0x24f: {  	s1 =	ssub.s32 @!p0 $0x0, s1;
	[sflag:s0] =	ssyncset.done @!p0 $0x0  }
0x250: {  	[sflag:s0] =	ssyncadd.s32 @!p0 s1  }
0x251: {  	[bflag:$0x3] =	sbarrier.arrive $0xFFFF  }
0x252: {  	_ =	shalt  }

</sc_bundles>
